<compile_context>
chip_gen: v7x
topology: tpu7x:2x2x1
jax: 0.10.2.dev20260603
libtpu: 0.0.44.dev20260713+nightly
codegen_flags: <defaults>
</compile_context>

<pallas_src>
import functools

import jax
import jax.numpy as jnp
from jax import lax
from jax.experimental import pallas as pl
from jax.experimental.pallas import tpu as pltpu
from jax.experimental.pallas import tpu_sc as plsc

_B, _C, _H, _W, _D = 2, 32, 128, 160, 16
_HW = _H * _W
_BLK = 256
_NCHUNK = _BLK // 128
_KB_PER_CHUNK = 128 // 16
_NBLK = _HW // _BLK
_NKB = _BLK // 16


def _sc_warp(src_flat, px_in, py_in):
  mesh = plsc.VectorSubcoreMesh(core_axis_name="c", subcore_axis_name="s")

  @functools.partial(
      pl.kernel,
      mesh=mesh,
      out_type=jax.ShapeDtypeStruct((_B * _D, _HW, _C), jnp.float32),
      compiler_params=pltpu.CompilerParams(use_tc_tiling_on_sc=False),
      scratch_types=[
          pltpu.VMEM((_HW,), jnp.float32),
          pltpu.VMEM((_HW,), jnp.float32),
          pltpu.VMEM((_NCHUNK, 128), jnp.int32),
          pltpu.VMEM((_NCHUNK, 128), jnp.int32),
          pltpu.VMEM((_NCHUNK, 128), jnp.int32),
          pltpu.VMEM((_NCHUNK, 128), jnp.int32),
          pltpu.VMEM((_BLK,), jnp.float32),
          pltpu.VMEM((_BLK,), jnp.float32),
          pltpu.VMEM((_BLK,), jnp.float32),
          pltpu.VMEM((_BLK,), jnp.float32),
          pltpu.VMEM((_BLK, _C), jnp.float32),
          pltpu.VMEM((_BLK, _C), jnp.float32),
          pltpu.VMEM((_BLK, _C), jnp.float32),
          pltpu.VMEM((_BLK, _C), jnp.float32),
          pltpu.VMEM((_BLK, _C), jnp.float32),
          pltpu.SemaphoreType.DMA,
          pltpu.SemaphoreType.DMA,
          pltpu.VMEM_SHARED((_HW, _C), jnp.float32),
      ],
  )
  def warp_kernel(src_hbm, px_hbm, py_hbm, out_hbm,
                  px_v, py_v, ia_v, ib_v, ic_v, id_v,
                  wa_v, wb_v, wc_v, wd_v, ra, rb, rc, rd,
                  out_v, sem_g, sem_o, src_sp):
    sid = lax.axis_index("s")
    b = lax.axis_index("c")
    d = sid
    plane = b * _D + d

    @pl.when(sid == 0)
    def _():
      pltpu.sync_copy(src_hbm.at[pl.ds(b * _HW, _HW)], src_sp)

    pltpu.sync_copy(px_hbm.at[plane], px_v)
    pltpu.sync_copy(py_hbm.at[plane], py_v)
    plsc.subcore_barrier()

    base_row = 0
    wveci = jnp.full((16,), _W, jnp.int32)

    def block_body(blk, carry):
      p0 = blk * _BLK

      for ch in range(_NCHUNK):
        def idx_body(kb, c2, ch=ch):
          off = ch * 128 + kb * 16
          px = px_v[pl.ds(p0 + off, 16)]
          py = py_v[pl.ds(p0 + off, 16)]
          x0i = px.astype(jnp.int32)
          y0i = py.astype(jnp.int32)
          fx = px - x0i.astype(jnp.float32)
          fy = py - y0i.astype(jnp.float32)
          one = jnp.full((16,), 1, jnp.int32)
          x1i = jnp.minimum(x0i + one, jnp.full((16,), _W - 1, jnp.int32))
          y1i = jnp.minimum(y0i + one, jnp.full((16,), _H - 1, jnp.int32))
          wx0 = 1.0 - fx
          wy0 = 1.0 - fy
          wa_v[pl.ds(off, 16)] = wx0 * wy0
          wb_v[pl.ds(off, 16)] = wx0 * fy
          wc_v[pl.ds(off, 16)] = fx * wy0
          wd_v[pl.ds(off, 16)] = fx * fy
          co = kb * 16
          row0 = y0i * wveci + base_row
          row1 = y1i * wveci + base_row
          ia_v[ch, pl.ds(co, 16)] = row0 + x0i
          ib_v[ch, pl.ds(co, 16)] = row1 + x0i
          ic_v[ch, pl.ds(co, 16)] = row0 + x1i
          id_v[ch, pl.ds(co, 16)] = row1 + x1i
          return c2

        lax.fori_loop(0, _KB_PER_CHUNK, idx_body, 0)

      handles = []
      for iv, rv in ((ia_v, ra), (ib_v, rb), (ic_v, rc), (id_v, rd)):
        for ch in range(_NCHUNK):
          handles.append(
              pltpu.async_copy(src_sp.at[iv.at[ch]],
                               rv.at[pl.ds(ch * 128, 128)], sem_g))
      for h in handles:
        h.wait()

      def comb_body(kb, c2):
        off = kb * 16
        wav = wa_v[pl.ds(off, 16)]
        wbv = wb_v[pl.ds(off, 16)]
        wcv = wc_v[pl.ds(off, 16)]
        wdv = wd_v[pl.ds(off, 16)]
        for j in range(16):
          k = off + j
          wak = wav[j]
          wbk = wbv[j]
          wck = wcv[j]
          wdk = wdv[j]
          for h0 in range(0, _C, 16):
            va = ra[k, pl.ds(h0, 16)]
            vb = rb[k, pl.ds(h0, 16)]
            vc = rc[k, pl.ds(h0, 16)]
            vd = rd[k, pl.ds(h0, 16)]
            out_v[k, pl.ds(h0, 16)] = (wak * va + wbk * vb + wck * vc
                                       + wdk * vd)
        return c2

      lax.fori_loop(0, _NKB, comb_body, 0)

      pltpu.async_copy(out_v, out_hbm.at[b * _D + d, pl.ds(p0, _BLK)],
                       sem_o).wait()
      return carry

    lax.fori_loop(0, _NBLK, block_body, 0)

  return warp_kernel(src_flat, px_in, py_in)


def kernel(intr_mat, src_feature, intr_mat_inv, src_proj, ref_proj,
           depth_sample, cdhw):
  rot_src = src_proj[:, :3, :4]
  rot_ref = ref_proj[:, :3, :4]
  src_proj_ = jnp.matmul(intr_mat_inv, rot_src)
  ref_proj_ = jnp.matmul(intr_mat_inv, rot_ref)
  proj_ = jnp.matmul(src_proj_[:, :3, :3],
                     jnp.swapaxes(ref_proj_[:, :3, :3], 1, 2))
  trans = jnp.matmul(
      intr_mat,
      src_proj_[:, :3, 3:4] - jnp.matmul(proj_, ref_proj_[:, :3, 3:4]))
  rot = jnp.matmul(jnp.matmul(intr_mat, proj_), intr_mat_inv)

  yy = jnp.tile(jnp.arange(_H, dtype=jnp.float32)[:, None],
                (1, _W)).reshape(_HW)
  xx = jnp.tile(jnp.arange(_W, dtype=jnp.float32)[None, :],
                (_H, 1)).reshape(_HW)
  xyz = jnp.stack((xx, yy, jnp.ones_like(xx)))
  xyz = jnp.tile(xyz[None], (_B, 1, 1))
  ds = depth_sample.reshape(_B, _D, _HW)
  rot_xyz = jnp.matmul(rot, xyz)
  rot_depth_xyz = rot_xyz[:, :, None, :] * ds[:, None, :, :]
  proj_xyz = rot_depth_xyz + trans.reshape(_B, 3, 1, 1)
  mask = proj_xyz[:, 2:] > 0.001
  proj_xyz = proj_xyz * mask
  mask_z = (~mask).astype(jnp.float32)
  proj_xyz = proj_xyz.at[:, 2:3].add(mask_z)
  proj_xy = proj_xyz[:, :2] / proj_xyz[:, 2:3]
  px = proj_xy[:, 0]
  py = proj_xy[:, 1]
  px = px * (px < _W) * (px >= 0)
  py = py * (py < _H) * (py >= 0)
  px_in = px.reshape(_B * _D, _HW)
  py_in = py.reshape(_B * _D, _HW)

  src_flat = jnp.transpose(src_feature, (0, 2, 3, 1)).reshape(_B * _HW, _C)

  out = _sc_warp(src_flat, px_in, py_in)
  out = out.reshape(_B, _D, _HW, _C)
  return jnp.transpose(out, (0, 3, 1, 2)).reshape(_B, _C, _D, _H, _W)

# --- scband reference (transcript-rebuilt; emitter-appended) ---
"""Pipeline reference for scband-test-reproject-90202903150676 (READ-ONLY COPY).

The authoritative reference and input builder live on the scoring server;
editing this copy changes nothing except your own understanding.
"""

import jax, jax.numpy as jnp
import numpy as np

B, C, H, W, D = 2, 32, 128, 160, 16


def setup_inputs(seed: int = 0) -> dict:
    key = jax.random.key(seed)
    ks = jax.random.split(key, 6)
    return {
        "intr_mat": jax.random.normal(ks[0], (B, 3, 3), jnp.float32),
        "src_feature": jax.random.normal(ks[1], (B, C, H, W), jnp.float32),
        "intr_mat_inv": jax.random.normal(ks[2], (B, 3, 3), jnp.float32),
        "src_proj": jax.random.normal(ks[3], (B, 4, 4), jnp.float32),
        "ref_proj": jax.random.normal(ks[4], (B, 4, 4), jnp.float32),
        "depth_sample": jax.random.uniform(ks[5], (B, D, H, W), jnp.float32),
        "cdhw": jnp.ones((4,), jnp.float32),
    }


def _bilinear_interpolate(im, y, x):
    # im: [B,C,H,W]; y, x: [B,D,HW] float pixel locations
    Hh = im.shape[2]
    Ww = im.shape[3]
    x0 = jnp.floor(x).astype(jnp.int32)
    x1 = x0 + 1
    y0 = jnp.floor(y).astype(jnp.int32)
    y1 = y0 + 1
    wa = (x1.astype(jnp.float32) - x) * (y1.astype(jnp.float32) - y)
    wb = (x1.astype(jnp.float32) - x) * (y - y0.astype(jnp.float32))
    wc = (x - x0.astype(jnp.float32)) * (y1.astype(jnp.float32) - y)
    wd = (x - x0.astype(jnp.float32)) * (y - y0.astype(jnp.float32))
    # faithful to original wrap/clamp trick: x1 -= floor(x1/W), y1 -= floor(y1/H)
    x1 = x1 - jnp.floor(x1 / Ww).astype(jnp.int32)
    y1 = y1 - jnp.floor(y1 / Hh).astype(jnp.int32)

    def gather(imb, yb, xb):
        return imb[:, yb, xb]  # [C, D, HW]

    Ia = jax.vmap(gather)(im, y0, x0)
    Ib = jax.vmap(gather)(im, y1, x0)
    Ic = jax.vmap(gather)(im, y0, x1)
    Id = jax.vmap(gather)(im, y1, x1)
    return (Ia * wa[:, None] + Ib * wb[:, None] + Ic * wc[:, None]
            + Id * wd[:, None])  # [B,C,D,HW]


def reference(intr_mat, src_feature, intr_mat_inv, src_proj, ref_proj, depth_sample, cdhw):
    batch, channels, height, width = src_feature.shape
    num_depth = depth_sample.shape[1]
    rot_src = src_proj[:, :3, :4]
    rot_ref = ref_proj[:, :3, :4]
    src_proj_ = jnp.matmul(intr_mat_inv, rot_src)
    ref_proj_ = jnp.matmul(intr_mat_inv, rot_ref)
    proj_ = jnp.matmul(src_proj_[:, :3, :3], jnp.swapaxes(ref_proj_[:, :3, :3], 1, 2))
    trans = jnp.matmul(intr_mat, src_proj_[:, :3, 3:4] - jnp.matmul(proj_, ref_proj_[:, :3, 3:4]))
    rot = jnp.matmul(jnp.matmul(intr_mat, proj_), intr_mat_inv)
    yy = jnp.tile(jnp.arange(height, dtype=jnp.float32)[:, None], (1, width)).reshape(height * width)
    xx = jnp.tile(jnp.arange(width, dtype=jnp.float32)[None, :], (height, 1)).reshape(height * width)
    xyz = jnp.stack((xx, yy, jnp.ones_like(xx)))  # [3, HW]
    xyz = jnp.tile(xyz[None], (batch, 1, 1))  # [B,3,HW]
    ds = depth_sample.reshape(batch, num_depth, height * width)
    rot_xyz = jnp.matmul(rot, xyz)  # [B,3,HW]
    rot_depth_xyz = rot_xyz[:, :, None, :] * ds[:, None, :, :]  # [B,3,D,HW]
    proj_xyz = rot_depth_xyz + trans.reshape(batch, 3, 1, 1)
    mask = proj_xyz[:, 2:] > 0.001  # [B,1,D,HW]
    proj_xyz = proj_xyz * mask
    mask_z = (~mask).astype(jnp.float32)
    proj_xyz = proj_xyz.at[:, 2:3].add(mask_z)
    proj_xy = proj_xyz[:, :2] / proj_xyz[:, 2:3]  # [B,2,D,HW]
    px = proj_xy[:, 0:1]
    py = proj_xy[:, 1:2]
    px = px * (px < width) * (px >= 0)
    py = py * (py < height) * (py >= 0)
    warped = _bilinear_interpolate(src_feature, py[:, 0], px[:, 0])  # [B,C,D,HW]
    return warped.reshape(batch, channels, num_depth, height, width)

if __name__ == "__main__":
    import jax
    _d = setup_inputs()
    print(jax.jit(kernel)(*tuple(_d.values())))

</pallas_src>

<mosaic_0001>
#map = affine_map<(d0, d1) -> (0, 0)>
#map1 = affine_map<(d0, d1) -> (0, 0, 0)>
module attributes {stable_mosaic.version = 14 : i64} {
  func.func @warp_kernel(%arg0: i32, %arg1: i32, %arg2: memref<40960x32xf32, #tpu.memory_space<hbm>>, %arg3: memref<32x20480xf32, #tpu.memory_space<hbm>>, %arg4: memref<32x20480xf32, #tpu.memory_space<hbm>>, %arg5: memref<32x20480x32xf32, #tpu.memory_space<hbm>>, %arg6: memref<20480xf32, #tpu.memory_space<vmem>>, %arg7: memref<20480xf32, #tpu.memory_space<vmem>>, %arg8: memref<2x128xi32, #tpu.memory_space<vmem>>, %arg9: memref<2x128xi32, #tpu.memory_space<vmem>>, %arg10: memref<2x128xi32, #tpu.memory_space<vmem>>, %arg11: memref<2x128xi32, #tpu.memory_space<vmem>>, %arg12: memref<256xf32, #tpu.memory_space<vmem>>, %arg13: memref<256xf32, #tpu.memory_space<vmem>>, %arg14: memref<256xf32, #tpu.memory_space<vmem>>, %arg15: memref<256xf32, #tpu.memory_space<vmem>>, %arg16: memref<256x32xf32, #tpu.memory_space<vmem>>, %arg17: memref<256x32xf32, #tpu.memory_space<vmem>>, %arg18: memref<256x32xf32, #tpu.memory_space<vmem>>, %arg19: memref<256x32xf32, #tpu.memory_space<vmem>>, %arg20: memref<256x32xf32, #tpu.memory_space<vmem>>, %arg21: memref<!tpu.dma_semaphore, #tpu.memory_space<semaphore_mem>>, %arg22: memref<!tpu.dma_semaphore, #tpu.memory_space<semaphore_mem>>, %arg23: memref<20480x32xf32, #tpu.memory_space<vmem_shared>>) attributes {dimension_semantics = [#tpu.dimension_semantics<core_parallel>, #tpu.dimension_semantics<subcore_parallel>], iteration_bounds = array<i64: 2, 16>, scalar_prefetch = 0 : i64, scratch_operands = 18 : i64, tpu.core_type = #tpu.core_type<sc_vector_subcore>, window_params = [{transform_indices = #map}, {transform_indices = #map}, {transform_indices = #map}, {transform_indices = #map1}]} {
    %mul3A = arith.constant 16 : i32
    %mul3A_0 = arith.muli %arg0, %mul3A : i32
    %add3A = arith.addi %mul3A_0, %arg1 : i32
    %eq3A = arith.constant 0 : i32
    %eq3A_1 = arith.cmpi eq, %arg1, %eq3A : i32
    %convert_element_type3A = arith.extui %eq3A_1 : i1 to i32
    %cond3A = arith.constant 0 : i32
    %cond3A_2 = arith.cmpi ne, %convert_element_type3A, %cond3A : i32
    scf.if %cond3A_2 {
      %mul3A_9 = arith.constant 20480 : i32
      %mul3A_10 = arith.muli %arg0, %mul3A_9 : i32
      "tpu.region"() ({
        %run_scoped3A = tpu.sem_alloc : memref<!tpu.dma_semaphore, #tpu.memory_space<semaphore_mem>>
        %dma_start3A = arith.constant 0 : i32
        %dma_start3A_11 = tpu.memref_slice %arg2[%mul3A_10, %dma_start3A] : memref<40960x32xf32, #tpu.memory_space<hbm>> -> memref<20480x32xf32, #tpu.memory_space<hbm>>
        tpu.enqueue_dma source(%dma_start3A_11 : memref<20480x32xf32, #tpu.memory_space<hbm>>) target(%arg23 : memref<20480x32xf32, #tpu.memory_space<vmem_shared>>) target_semaphore(%run_scoped3A : memref<!tpu.dma_semaphore, #tpu.memory_space<semaphore_mem>>)
        %dma_wait3A = arith.constant 0 : i32
        %dma_wait3A_12 = tpu.memref_slice %arg2[%mul3A_10, %dma_wait3A] : memref<40960x32xf32, #tpu.memory_space<hbm>> -> memref<20480x32xf32, #tpu.memory_space<hbm>>
        tpu.wait_dma2 semaphore(%run_scoped3A : memref<!tpu.dma_semaphore, #tpu.memory_space<semaphore_mem>>) src(%dma_wait3A_12 : memref<20480x32xf32, #tpu.memory_space<hbm>>) dst(%arg23 : memref<20480x32xf32, #tpu.memory_space<vmem_shared>>)
        tpu.yield
      }) : () -> ()
    } else {
    }
    "tpu.region"() ({
      %run_scoped3A = tpu.sem_alloc : memref<!tpu.dma_semaphore, #tpu.memory_space<semaphore_mem>>
      %dma_start3A = arith.constant 0 : i32
      %dma_start3A_9 = tpu.memref_slice %arg3[%add3A, %dma_start3A] : memref<32x20480xf32, #tpu.memory_space<hbm>> -> memref<1x20480xf32, #tpu.memory_space<hbm>>
      %dma_start3A_10 = tpu.memref_squeeze %dma_start3A_9 : memref<1x20480xf32, #tpu.memory_space<hbm>> -> memref<20480xf32, #tpu.memory_space<hbm>>
      %dma_start3A_11 = arith.constant 0 : i32
      %dma_start3A_12 = tpu.memref_slice %arg3[%add3A, %dma_start3A_11] : memref<32x20480xf32, #tpu.memory_space<hbm>> -> memref<1x20480xf32, #tpu.memory_space<hbm>>
      %dma_start3A_13 = tpu.memref_squeeze %dma_start3A_12 : memref<1x20480xf32, #tpu.memory_space<hbm>> -> memref<20480xf32, #tpu.memory_space<hbm>>
      tpu.enqueue_dma source(%dma_start3A_13 : memref<20480xf32, #tpu.memory_space<hbm>>) target(%arg6 : memref<20480xf32, #tpu.memory_space<vmem>>) target_semaphore(%run_scoped3A : memref<!tpu.dma_semaphore, #tpu.memory_space<semaphore_mem>>)
      %dma_wait3A = arith.constant 0 : i32
      %dma_wait3A_14 = tpu.memref_slice %arg3[%add3A, %dma_wait3A] : memref<32x20480xf32, #tpu.memory_space<hbm>> -> memref<1x20480xf32, #tpu.memory_space<hbm>>
      %dma_wait3A_15 = tpu.memref_squeeze %dma_wait3A_14 : memref<1x20480xf32, #tpu.memory_space<hbm>> -> memref<20480xf32, #tpu.memory_space<hbm>>
      %dma_wait3A_16 = arith.constant 0 : i32
      %dma_wait3A_17 = tpu.memref_slice %arg3[%add3A, %dma_wait3A_16] : memref<32x20480xf32, #tpu.memory_space<hbm>> -> memref<1x20480xf32, #tpu.memory_space<hbm>>
      %dma_wait3A_18 = tpu.memref_squeeze %dma_wait3A_17 : memref<1x20480xf32, #tpu.memory_space<hbm>> -> memref<20480xf32, #tpu.memory_space<hbm>>
      tpu.wait_dma2 semaphore(%run_scoped3A : memref<!tpu.dma_semaphore, #tpu.memory_space<semaphore_mem>>) src(%dma_wait3A_18 : memref<20480xf32, #tpu.memory_space<hbm>>) dst(%arg6 : memref<20480xf32, #tpu.memory_space<vmem>>)
      tpu.yield
    }) : () -> ()
    "tpu.region"() ({
      %run_scoped3A = tpu.sem_alloc : memref<!tpu.dma_semaphore, #tpu.memory_space<semaphore_mem>>
      %dma_start3A = arith.constant 0 : i32
      %dma_start3A_9 = tpu.memref_slice %arg4[%add3A, %dma_start3A] : memref<32x20480xf32, #tpu.memory_space<hbm>> -> memref<1x20480xf32, #tpu.memory_space<hbm>>
      %dma_start3A_10 = tpu.memref_squeeze %dma_start3A_9 : memref<1x20480xf32, #tpu.memory_space<hbm>> -> memref<20480xf32, #tpu.memory_space<hbm>>
      %dma_start3A_11 = arith.constant 0 : i32
      %dma_start3A_12 = tpu.memref_slice %arg4[%add3A, %dma_start3A_11] : memref<32x20480xf32, #tpu.memory_space<hbm>> -> memref<1x20480xf32, #tpu.memory_space<hbm>>
      %dma_start3A_13 = tpu.memref_squeeze %dma_start3A_12 : memref<1x20480xf32, #tpu.memory_space<hbm>> -> memref<20480xf32, #tpu.memory_space<hbm>>
      tpu.enqueue_dma source(%dma_start3A_13 : memref<20480xf32, #tpu.memory_space<hbm>>) target(%arg7 : memref<20480xf32, #tpu.memory_space<vmem>>) target_semaphore(%run_scoped3A : memref<!tpu.dma_semaphore, #tpu.memory_space<semaphore_mem>>)
      %dma_wait3A = arith.constant 0 : i32
      %dma_wait3A_14 = tpu.memref_slice %arg4[%add3A, %dma_wait3A] : memref<32x20480xf32, #tpu.memory_space<hbm>> -> memref<1x20480xf32, #tpu.memory_space<hbm>>
      %dma_wait3A_15 = tpu.memref_squeeze %dma_wait3A_14 : memref<1x20480xf32, #tpu.memory_space<hbm>> -> memref<20480xf32, #tpu.memory_space<hbm>>
      %dma_wait3A_16 = arith.constant 0 : i32
      %dma_wait3A_17 = tpu.memref_slice %arg4[%add3A, %dma_wait3A_16] : memref<32x20480xf32, #tpu.memory_space<hbm>> -> memref<1x20480xf32, #tpu.memory_space<hbm>>
      %dma_wait3A_18 = tpu.memref_squeeze %dma_wait3A_17 : memref<1x20480xf32, #tpu.memory_space<hbm>> -> memref<20480xf32, #tpu.memory_space<hbm>>
      tpu.wait_dma2 semaphore(%run_scoped3A : memref<!tpu.dma_semaphore, #tpu.memory_space<semaphore_mem>>) src(%dma_wait3A_18 : memref<20480xf32, #tpu.memory_space<hbm>>) dst(%arg7 : memref<20480xf32, #tpu.memory_space<vmem>>)
      tpu.yield
    }) : () -> ()
    %barrier3A = arith.constant 0 : index
    tpu.barrier barrier_id(%barrier3A)
    %broadcast_in_dim3A = arith.constant 160 : i32
    %broadcast_in_dim3A_3 = vector.broadcast %broadcast_in_dim3A : i32 to vector<16xi32>
    %scan3A = arith.constant 0 : i32
    %scan3A_4 = arith.constant 0 : i32
    %scan3A_5 = arith.constant 80 : i32
    %scan3A_6 = arith.addi %scan3A_4, %scan3A_5 : i32
    %scan3A_7 = arith.constant 1 : i32
    scf.for %scan3A_9 = %scan3A_4 to %scan3A_6 step %scan3A_7  : i32 {
      %mul3A_10 = arith.constant 256 : i32
      %mul3A_11 = arith.muli %scan3A_9, %mul3A_10 : i32
      %scan3A_12 = arith.constant 0 : i32
      %scan3A_13 = arith.constant 0 : i32
      %scan3A_14 = arith.constant 8 : i32
      %scan3A_15 = arith.addi %scan3A_13, %scan3A_14 : i32
      %scan3A_16 = arith.constant 1 : i32
      scf.for %scan3A_203 = %scan3A_13 to %scan3A_15 step %scan3A_16  : i32 {
        %mul3A_204 = arith.constant 16 : i32
        %mul3A_205 = arith.muli %scan3A_203, %mul3A_204 : i32
        %add3A_206 = arith.constant 0 : i32
        %add3A_207 = arith.addi %add3A_206, %mul3A_205 : i32
        %add3A_208 = arith.addi %mul3A_11, %add3A_207 : i32
        %get3A = arith.index_cast %add3A_208 : i32 to index
        %get3A_209 = tpu.vector_load %arg6[%get3A] {strides = array<i32>} : memref<20480xf32, #tpu.memory_space<vmem>>, vector<16xf32>,
        %get3A_210 = vector.shape_cast %get3A_209 : vector<16xf32> to vector<16xf32>
        %add3A_211 = arith.addi %mul3A_11, %add3A_207 : i32
        %get3A_212 = arith.index_cast %add3A_211 : i32 to index
        %get3A_213 = tpu.vector_load %arg7[%get3A_212] {strides = array<i32>} : memref<20480xf32, #tpu.memory_space<vmem>>, vector<16xf32>,
        %get3A_214 = vector.shape_cast %get3A_213 : vector<16xf32> to vector<16xf32>
        %convert_element_type3A_215 = arith.fptosi %get3A_210 : vector<16xf32> to vector<16xi32>
        %convert_element_type3A_216 = arith.fptosi %get3A_214 : vector<16xf32> to vector<16xi32>
        %convert_element_type3A_217 = arith.sitofp %convert_element_type3A_215 : vector<16xi32> to vector<16xf32>
        %sub3A = arith.subf %get3A_210, %convert_element_type3A_217 : vector<16xf32>
        %convert_element_type3A_218 = arith.sitofp %convert_element_type3A_216 : vector<16xi32> to vector<16xf32>
        %sub3A_219 = arith.subf %get3A_214, %convert_element_type3A_218 : vector<16xf32>
        %broadcast_in_dim3A_220 = arith.constant 1 : i32
        %broadcast_in_dim3A_221 = vector.broadcast %broadcast_in_dim3A_220 : i32 to vector<16xi32>
        %add3A_222 = arith.addi %convert_element_type3A_215, %broadcast_in_dim3A_221 : vector<16xi32>
        %broadcast_in_dim3A_223 = arith.constant 159 : i32
        %broadcast_in_dim3A_224 = vector.broadcast %broadcast_in_dim3A_223 : i32 to vector<16xi32>
        %min3A = arith.minsi %add3A_222, %broadcast_in_dim3A_224 : vector<16xi32>
        %add3A_225 = arith.addi %convert_element_type3A_216, %broadcast_in_dim3A_221 : vector<16xi32>
        %broadcast_in_dim3A_226 = arith.constant 127 : i32
        %broadcast_in_dim3A_227 = vector.broadcast %broadcast_in_dim3A_226 : i32 to vector<16xi32>
        %min3A_228 = arith.minsi %add3A_225, %broadcast_in_dim3A_227 : vector<16xi32>
        %sub3A_229 = arith.constant 1.000000e+00 : f32
        %sub3A_230 = vector.broadcast %sub3A_229 : f32 to vector<16xf32>
        %sub3A_231 = arith.subf %sub3A_230, %sub3A : vector<16xf32>
        %sub3A_232 = arith.constant 1.000000e+00 : f32
        %sub3A_233 = vector.broadcast %sub3A_232 : f32 to vector<16xf32>
        %sub3A_234 = arith.subf %sub3A_233, %sub3A_219 : vector<16xf32>
        %mul3A_235 = arith.mulf %sub3A_231, %sub3A_234 : vector<16xf32>
        %swap3A = arith.index_cast %add3A_207 : i32 to index
        %swap3A_236 = tpu.vector_load %arg12[%swap3A] {strides = array<i32>} : memref<256xf32, #tpu.memory_space<vmem>>, vector<16xf32>,
        %swap3A_237 = vector.shape_cast %swap3A_236 : vector<16xf32> to vector<16xf32>
        %swap3A_238 = vector.shape_cast %mul3A_235 : vector<16xf32> to vector<16xf32>
        tpu.vector_store %arg12[%swap3A], %swap3A_238 {strides = array<i32>} : memref<256xf32, #tpu.memory_space<vmem>>, vector<16xf32>,
        %mul3A_239 = arith.mulf %sub3A_231, %sub3A_219 : vector<16xf32>
        %swap3A_240 = arith.index_cast %add3A_207 : i32 to index
        %swap3A_241 = tpu.vector_load %arg13[%swap3A_240] {strides = array<i32>} : memref<256xf32, #tpu.memory_space<vmem>>, vector<16xf32>,
        %swap3A_242 = vector.shape_cast %swap3A_241 : vector<16xf32> to vector<16xf32>
        %swap3A_243 = vector.shape_cast %mul3A_239 : vector<16xf32> to vector<16xf32>
        tpu.vector_store %arg13[%swap3A_240], %swap3A_243 {strides = array<i32>} : memref<256xf32, #tpu.memory_space<vmem>>, vector<16xf32>,
        %mul3A_244 = arith.mulf %sub3A, %sub3A_234 : vector<16xf32>
        %swap3A_245 = arith.index_cast %add3A_207 : i32 to index
        %swap3A_246 = tpu.vector_load %arg14[%swap3A_245] {strides = array<i32>} : memref<256xf32, #tpu.memory_space<vmem>>, vector<16xf32>,
        %swap3A_247 = vector.shape_cast %swap3A_246 : vector<16xf32> to vector<16xf32>
        %swap3A_248 = vector.shape_cast %mul3A_244 : vector<16xf32> to vector<16xf32>
        tpu.vector_store %arg14[%swap3A_245], %swap3A_248 {strides = array<i32>} : memref<256xf32, #tpu.memory_space<vmem>>, vector<16xf32>,
        %mul3A_249 = arith.mulf %sub3A, %sub3A_219 : vector<16xf32>
        %swap3A_250 = arith.index_cast %add3A_207 : i32 to index
        %swap3A_251 = tpu.vector_load %arg15[%swap3A_250] {strides = array<i32>} : memref<256xf32, #tpu.memory_space<vmem>>, vector<16xf32>,
        %swap3A_252 = vector.shape_cast %swap3A_251 : vector<16xf32> to vector<16xf32>
        %swap3A_253 = vector.shape_cast %mul3A_249 : vector<16xf32> to vector<16xf32>
        tpu.vector_store %arg15[%swap3A_250], %swap3A_253 {strides = array<i32>} : memref<256xf32, #tpu.memory_space<vmem>>, vector<16xf32>,
        %mul3A_254 = arith.constant 16 : i32
        %mul3A_255 = arith.muli %scan3A_203, %mul3A_254 : i32
        %mul3A_256 = arith.muli %convert_element_type3A_216, %broadcast_in_dim3A_3 : vector<16xi32>
        %add3A_257 = arith.constant 0 : i32
        %add3A_258 = vector.broadcast %add3A_257 : i32 to vector<16xi32>
        %add3A_259 = arith.addi %mul3A_256, %add3A_258 : vector<16xi32>
        %mul3A_260 = arith.muli %min3A_228, %broadcast_in_dim3A_3 : vector<16xi32>
        %add3A_261 = arith.constant 0 : i32
        %add3A_262 = vector.broadcast %add3A_261 : i32 to vector<16xi32>
        %add3A_263 = arith.addi %mul3A_260, %add3A_262 : vector<16xi32>
        %add3A_264 = arith.addi %add3A_259, %convert_element_type3A_215 : vector<16xi32>
        %swap3A_265 = arith.constant 0 : i32
        %swap3A_266 = arith.index_cast %swap3A_265 : i32 to index
        %swap3A_267 = arith.index_cast %mul3A_255 : i32 to index
        %swap3A_268 = tpu.vector_load %arg8[%swap3A_266, %swap3A_267] {strides = array<i32>} : memref<2x128xi32, #tpu.memory_space<vmem>>, vector<1x16xi32>,
        %swap3A_269 = vector.shape_cast %swap3A_268 : vector<1x16xi32> to vector<16xi32>
        %swap3A_270 = vector.shape_cast %add3A_264 : vector<16xi32> to vector<1x16xi32>
        tpu.vector_store %arg8[%swap3A_266, %swap3A_267], %swap3A_270 {strides = array<i32>} : memref<2x128xi32, #tpu.memory_space<vmem>>, vector<1x16xi32>,
        %add3A_271 = arith.addi %add3A_263, %convert_element_type3A_215 : vector<16xi32>
        %swap3A_272 = arith.constant 0 : i32
        %swap3A_273 = arith.index_cast %swap3A_272 : i32 to index
        %swap3A_274 = arith.index_cast %mul3A_255 : i32 to index
        %swap3A_275 = tpu.vector_load %arg9[%swap3A_273, %swap3A_274] {strides = array<i32>} : memref<2x128xi32, #tpu.memory_space<vmem>>, vector<1x16xi32>,
        %swap3A_276 = vector.shape_cast %swap3A_275 : vector<1x16xi32> to vector<16xi32>
        %swap3A_277 = vector.shape_cast %add3A_271 : vector<16xi32> to vector<1x16xi32>
        tpu.vector_store %arg9[%swap3A_273, %swap3A_274], %swap3A_277 {strides = array<i32>} : memref<2x128xi32, #tpu.memory_space<vmem>>, vector<1x16xi32>,
        %add3A_278 = arith.addi %add3A_259, %min3A : vector<16xi32>
        %swap3A_279 = arith.constant 0 : i32
        %swap3A_280 = arith.index_cast %swap3A_279 : i32 to index
        %swap3A_281 = arith.index_cast %mul3A_255 : i32 to index
        %swap3A_282 = tpu.vector_load %arg10[%swap3A_280, %swap3A_281] {strides = array<i32>} : memref<2x128xi32, #tpu.memory_space<vmem>>, vector<1x16xi32>,
        %swap3A_283 = vector.shape_cast %swap3A_282 : vector<1x16xi32> to vector<16xi32>
        %swap3A_284 = vector.shape_cast %add3A_278 : vector<16xi32> to vector<1x16xi32>
        tpu.vector_store %arg10[%swap3A_280, %swap3A_281], %swap3A_284 {strides = array<i32>} : memref<2x128xi32, #tpu.memory_space<vmem>>, vector<1x16xi32>,
        %add3A_285 = arith.addi %add3A_263, %min3A : vector<16xi32>
        %swap3A_286 = arith.constant 0 : i32
        %swap3A_287 = arith.index_cast %swap3A_286 : i32 to index
        %swap3A_288 = arith.index_cast %mul3A_255 : i32 to index
        %swap3A_289 = tpu.vector_load %arg11[%swap3A_287, %swap3A_288] {strides = array<i32>} : memref<2x128xi32, #tpu.memory_space<vmem>>, vector<1x16xi32>,
        %swap3A_290 = vector.shape_cast %swap3A_289 : vector<1x16xi32> to vector<16xi32>
        %swap3A_291 = vector.shape_cast %add3A_285 : vector<16xi32> to vector<1x16xi32>
        tpu.vector_store %arg11[%swap3A_287, %swap3A_288], %swap3A_291 {strides = array<i32>} : memref<2x128xi32, #tpu.memory_space<vmem>>, vector<1x16xi32>,
      }
      %scan3A_17 = arith.constant 8 : i32
      %scan3A_18 = arith.constant 0 : i32
      %scan3A_19 = arith.constant 0 : i32
      %scan3A_20 = arith.constant 8 : i32
      %scan3A_21 = arith.addi %scan3A_19, %scan3A_20 : i32
      %scan3A_22 = arith.constant 1 : i32
      scf.for %scan3A_203 = %scan3A_19 to %scan3A_21 step %scan3A_22  : i32 {
        %mul3A_204 = arith.constant 16 : i32
        %mul3A_205 = arith.muli %scan3A_203, %mul3A_204 : i32
        %add3A_206 = arith.constant 128 : i32
        %add3A_207 = arith.addi %add3A_206, %mul3A_205 : i32
        %add3A_208 = arith.addi %mul3A_11, %add3A_207 : i32
        %get3A = arith.index_cast %add3A_208 : i32 to index
        %get3A_209 = tpu.vector_load %arg6[%get3A] {strides = array<i32>} : memref<20480xf32, #tpu.memory_space<vmem>>, vector<16xf32>,
        %get3A_210 = vector.shape_cast %get3A_209 : vector<16xf32> to vector<16xf32>
        %add3A_211 = arith.addi %mul3A_11, %add3A_207 : i32
        %get3A_212 = arith.index_cast %add3A_211 : i32 to index
        %get3A_213 = tpu.vector_load %arg7[%get3A_212] {strides = array<i32>} : memref<20480xf32, #tpu.memory_space<vmem>>, vector<16xf32>,
        %get3A_214 = vector.shape_cast %get3A_213 : vector<16xf32> to vector<16xf32>
        %convert_element_type3A_215 = arith.fptosi %get3A_210 : vector<16xf32> to vector<16xi32>
        %convert_element_type3A_216 = arith.fptosi %get3A_214 : vector<16xf32> to vector<16xi32>
        %convert_element_type3A_217 = arith.sitofp %convert_element_type3A_215 : vector<16xi32> to vector<16xf32>
        %sub3A = arith.subf %get3A_210, %convert_element_type3A_217 : vector<16xf32>
        %convert_element_type3A_218 = arith.sitofp %convert_element_type3A_216 : vector<16xi32> to vector<16xf32>
        %sub3A_219 = arith.subf %get3A_214, %convert_element_type3A_218 : vector<16xf32>
        %broadcast_in_dim3A_220 = arith.constant 1 : i32
        %broadcast_in_dim3A_221 = vector.broadcast %broadcast_in_dim3A_220 : i32 to vector<16xi32>
        %add3A_222 = arith.addi %convert_element_type3A_215, %broadcast_in_dim3A_221 : vector<16xi32>
        %broadcast_in_dim3A_223 = arith.constant 159 : i32
        %broadcast_in_dim3A_224 = vector.broadcast %broadcast_in_dim3A_223 : i32 to vector<16xi32>
        %min3A = arith.minsi %add3A_222, %broadcast_in_dim3A_224 : vector<16xi32>
        %add3A_225 = arith.addi %convert_element_type3A_216, %broadcast_in_dim3A_221 : vector<16xi32>
        %broadcast_in_dim3A_226 = arith.constant 127 : i32
        %broadcast_in_dim3A_227 = vector.broadcast %broadcast_in_dim3A_226 : i32 to vector<16xi32>
        %min3A_228 = arith.minsi %add3A_225, %broadcast_in_dim3A_227 : vector<16xi32>
        %sub3A_229 = arith.constant 1.000000e+00 : f32
        %sub3A_230 = vector.broadcast %sub3A_229 : f32 to vector<16xf32>
        %sub3A_231 = arith.subf %sub3A_230, %sub3A : vector<16xf32>
        %sub3A_232 = arith.constant 1.000000e+00 : f32
        %sub3A_233 = vector.broadcast %sub3A_232 : f32 to vector<16xf32>
        %sub3A_234 = arith.subf %sub3A_233, %sub3A_219 : vector<16xf32>
        %mul3A_235 = arith.mulf %sub3A_231, %sub3A_234 : vector<16xf32>
        %swap3A = arith.index_cast %add3A_207 : i32 to index
        %swap3A_236 = tpu.vector_load %arg12[%swap3A] {strides = array<i32>} : memref<256xf32, #tpu.memory_space<vmem>>, vector<16xf32>,
        %swap3A_237 = vector.shape_cast %swap3A_236 : vector<16xf32> to vector<16xf32>
        %swap3A_238 = vector.shape_cast %mul3A_235 : vector<16xf32> to vector<16xf32>
        tpu.vector_store %arg12[%swap3A], %swap3A_238 {strides = array<i32>} : memref<256xf32, #tpu.memory_space<vmem>>, vector<16xf32>,
        %mul3A_239 = arith.mulf %sub3A_231, %sub3A_219 : vector<16xf32>
        %swap3A_240 = arith.index_cast %add3A_207 : i32 to index
        %swap3A_241 = tpu.vector_load %arg13[%swap3A_240] {strides = array<i32>} : memref<256xf32, #tpu.memory_space<vmem>>, vector<16xf32>,
        %swap3A_242 = vector.shape_cast %swap3A_241 : vector<16xf32> to vector<16xf32>
        %swap3A_243 = vector.shape_cast %mul3A_239 : vector<16xf32> to vector<16xf32>
        tpu.vector_store %arg13[%swap3A_240], %swap3A_243 {strides = array<i32>} : memref<256xf32, #tpu.memory_space<vmem>>, vector<16xf32>,
        %mul3A_244 = arith.mulf %sub3A, %sub3A_234 : vector<16xf32>
        %swap3A_245 = arith.index_cast %add3A_207 : i32 to index
        %swap3A_246 = tpu.vector_load %arg14[%swap3A_245] {strides = array<i32>} : memref<256xf32, #tpu.memory_space<vmem>>, vector<16xf32>,
        %swap3A_247 = vector.shape_cast %swap3A_246 : vector<16xf32> to vector<16xf32>
        %swap3A_248 = vector.shape_cast %mul3A_244 : vector<16xf32> to vector<16xf32>
        tpu.vector_store %arg14[%swap3A_245], %swap3A_248 {strides = array<i32>} : memref<256xf32, #tpu.memory_space<vmem>>, vector<16xf32>,
        %mul3A_249 = arith.mulf %sub3A, %sub3A_219 : vector<16xf32>
        %swap3A_250 = arith.index_cast %add3A_207 : i32 to index
        %swap3A_251 = tpu.vector_load %arg15[%swap3A_250] {strides = array<i32>} : memref<256xf32, #tpu.memory_space<vmem>>, vector<16xf32>,
        %swap3A_252 = vector.shape_cast %swap3A_251 : vector<16xf32> to vector<16xf32>
        %swap3A_253 = vector.shape_cast %mul3A_249 : vector<16xf32> to vector<16xf32>
        tpu.vector_store %arg15[%swap3A_250], %swap3A_253 {strides = array<i32>} : memref<256xf32, #tpu.memory_space<vmem>>, vector<16xf32>,
        %mul3A_254 = arith.constant 16 : i32
        %mul3A_255 = arith.muli %scan3A_203, %mul3A_254 : i32
        %mul3A_256 = arith.muli %convert_element_type3A_216, %broadcast_in_dim3A_3 : vector<16xi32>
        %add3A_257 = arith.constant 0 : i32
        %add3A_258 = vector.broadcast %add3A_257 : i32 to vector<16xi32>
        %add3A_259 = arith.addi %mul3A_256, %add3A_258 : vector<16xi32>
        %mul3A_260 = arith.muli %min3A_228, %broadcast_in_dim3A_3 : vector<16xi32>
        %add3A_261 = arith.constant 0 : i32
        %add3A_262 = vector.broadcast %add3A_261 : i32 to vector<16xi32>
        %add3A_263 = arith.addi %mul3A_260, %add3A_262 : vector<16xi32>
        %add3A_264 = arith.addi %add3A_259, %convert_element_type3A_215 : vector<16xi32>
        %swap3A_265 = arith.constant 1 : i32
        %swap3A_266 = arith.index_cast %swap3A_265 : i32 to index
        %swap3A_267 = arith.index_cast %mul3A_255 : i32 to index
        %swap3A_268 = tpu.vector_load %arg8[%swap3A_266, %swap3A_267] {strides = array<i32>} : memref<2x128xi32, #tpu.memory_space<vmem>>, vector<1x16xi32>,
        %swap3A_269 = vector.shape_cast %swap3A_268 : vector<1x16xi32> to vector<16xi32>
        %swap3A_270 = vector.shape_cast %add3A_264 : vector<16xi32> to vector<1x16xi32>
        tpu.vector_store %arg8[%swap3A_266, %swap3A_267], %swap3A_270 {strides = array<i32>} : memref<2x128xi32, #tpu.memory_space<vmem>>, vector<1x16xi32>,
        %add3A_271 = arith.addi %add3A_263, %convert_element_type3A_215 : vector<16xi32>
        %swap3A_272 = arith.constant 1 : i32
        %swap3A_273 = arith.index_cast %swap3A_272 : i32 to index
        %swap3A_274 = arith.index_cast %mul3A_255 : i32 to index
        %swap3A_275 = tpu.vector_load %arg9[%swap3A_273, %swap3A_274] {strides = array<i32>} : memref<2x128xi32, #tpu.memory_space<vmem>>, vector<1x16xi32>,
        %swap3A_276 = vector.shape_cast %swap3A_275 : vector<1x16xi32> to vector<16xi32>
        %swap3A_277 = vector.shape_cast %add3A_271 : vector<16xi32> to vector<1x16xi32>
        tpu.vector_store %arg9[%swap3A_273, %swap3A_274], %swap3A_277 {strides = array<i32>} : memref<2x128xi32, #tpu.memory_space<vmem>>, vector<1x16xi32>,
        %add3A_278 = arith.addi %add3A_259, %min3A : vector<16xi32>
        %swap3A_279 = arith.constant 1 : i32
        %swap3A_280 = arith.index_cast %swap3A_279 : i32 to index
        %swap3A_281 = arith.index_cast %mul3A_255 : i32 to index
        %swap3A_282 = tpu.vector_load %arg10[%swap3A_280, %swap3A_281] {strides = array<i32>} : memref<2x128xi32, #tpu.memory_space<vmem>>, vector<1x16xi32>,
        %swap3A_283 = vector.shape_cast %swap3A_282 : vector<1x16xi32> to vector<16xi32>
        %swap3A_284 = vector.shape_cast %add3A_278 : vector<16xi32> to vector<1x16xi32>
        tpu.vector_store %arg10[%swap3A_280, %swap3A_281], %swap3A_284 {strides = array<i32>} : memref<2x128xi32, #tpu.memory_space<vmem>>, vector<1x16xi32>,
        %add3A_285 = arith.addi %add3A_263, %min3A : vector<16xi32>
        %swap3A_286 = arith.constant 1 : i32
        %swap3A_287 = arith.index_cast %swap3A_286 : i32 to index
        %swap3A_288 = arith.index_cast %mul3A_255 : i32 to index
        %swap3A_289 = tpu.vector_load %arg11[%swap3A_287, %swap3A_288] {strides = array<i32>} : memref<2x128xi32, #tpu.memory_space<vmem>>, vector<1x16xi32>,
        %swap3A_290 = vector.shape_cast %swap3A_289 : vector<1x16xi32> to vector<16xi32>
        %swap3A_291 = vector.shape_cast %add3A_285 : vector<16xi32> to vector<1x16xi32>
        tpu.vector_store %arg11[%swap3A_287, %swap3A_288], %swap3A_291 {strides = array<i32>} : memref<2x128xi32, #tpu.memory_space<vmem>>, vector<1x16xi32>,
      }
      %scan3A_23 = arith.constant 8 : i32
      %dma_start3A = arith.constant 0 : i32
      %dma_start3A_24 = arith.constant 0 : i32
      %dma_start3A_25 = arith.constant 0 : i32
      %dma_start3A_26 = tpu.memref_slice %arg16[%dma_start3A_24, %dma_start3A_25] : memref<256x32xf32, #tpu.memory_space<vmem>> -> memref<128x32xf32, #tpu.memory_space<vmem>>
      %dma_start3A_27 = arith.constant 0 : i32
      %dma_start3A_28 = tpu.memref_slice %arg8[%dma_start3A, %dma_start3A_27] : memref<2x128xi32, #tpu.memory_space<vmem>> -> memref<1x128xi32, #tpu.memory_space<vmem>>
      %dma_start3A_29 = tpu.memref_squeeze %dma_start3A_28 : memref<1x128xi32, #tpu.memory_space<vmem>> -> memref<128xi32, #tpu.memory_space<vmem>>
      %dma_start3A_30 = arith.constant 0 : i32
      %dma_start3A_31 = arith.constant 0 : i32
      %dma_start3A_32 = tpu.memref_slice %arg23[%dma_start3A_30, %dma_start3A_31] : memref<20480x32xf32, #tpu.memory_space<vmem_shared>> -> memref<20480x32xf32, #tpu.memory_space<vmem_shared>>
      tpu.enqueue_indirect_dma source(%dma_start3A_32 : memref<20480x32xf32, #tpu.memory_space<vmem_shared>>) target(%dma_start3A_26 : memref<128x32xf32, #tpu.memory_space<vmem>>) offsets(%dma_start3A_29 : memref<128xi32, #tpu.memory_space<vmem>>) semaphore(%arg21 : memref<!tpu.dma_semaphore, #tpu.memory_space<semaphore_mem>>)
      %dma_start3A_33 = arith.constant 1 : i32
      %dma_start3A_34 = arith.constant 128 : i32
      %dma_start3A_35 = arith.constant 0 : i32
      %dma_start3A_36 = tpu.memref_slice %arg16[%dma_start3A_34, %dma_start3A_35] : memref<256x32xf32, #tpu.memory_space<vmem>> -> memref<128x32xf32, #tpu.memory_space<vmem>>
      %dma_start3A_37 = arith.constant 0 : i32
      %dma_start3A_38 = tpu.memref_slice %arg8[%dma_start3A_33, %dma_start3A_37] : memref<2x128xi32, #tpu.memory_space<vmem>> -> memref<1x128xi32, #tpu.memory_space<vmem>>
      %dma_start3A_39 = tpu.memref_squeeze %dma_start3A_38 : memref<1x128xi32, #tpu.memory_space<vmem>> -> memref<128xi32, #tpu.memory_space<vmem>>
      %dma_start3A_40 = arith.constant 0 : i32
      %dma_start3A_41 = arith.constant 0 : i32
      %dma_start3A_42 = tpu.memref_slice %arg23[%dma_start3A_40, %dma_start3A_41] : memref<20480x32xf32, #tpu.memory_space<vmem_shared>> -> memref<20480x32xf32, #tpu.memory_space<vmem_shared>>
      tpu.enqueue_indirect_dma source(%dma_start3A_42 : memref<20480x32xf32, #tpu.memory_space<vmem_shared>>) target(%dma_start3A_36 : memref<128x32xf32, #tpu.memory_space<vmem>>) offsets(%dma_start3A_39 : memref<128xi32, #tpu.memory_space<vmem>>) semaphore(%arg21 : memref<!tpu.dma_semaphore, #tpu.memory_space<semaphore_mem>>)
      %dma_start3A_43 = arith.constant 0 : i32
      %dma_start3A_44 = arith.constant 0 : i32
      %dma_start3A_45 = arith.constant 0 : i32
      %dma_start3A_46 = tpu.memref_slice %arg17[%dma_start3A_44, %dma_start3A_45] : memref<256x32xf32, #tpu.memory_space<vmem>> -> memref<128x32xf32, #tpu.memory_space<vmem>>
      %dma_start3A_47 = arith.constant 0 : i32
      %dma_start3A_48 = tpu.memref_slice %arg9[%dma_start3A_43, %dma_start3A_47] : memref<2x128xi32, #tpu.memory_space<vmem>> -> memref<1x128xi32, #tpu.memory_space<vmem>>
      %dma_start3A_49 = tpu.memref_squeeze %dma_start3A_48 : memref<1x128xi32, #tpu.memory_space<vmem>> -> memref<128xi32, #tpu.memory_space<vmem>>
      %dma_start3A_50 = arith.constant 0 : i32
      %dma_start3A_51 = arith.constant 0 : i32
      %dma_start3A_52 = tpu.memref_slice %arg23[%dma_start3A_50, %dma_start3A_51] : memref<20480x32xf32, #tpu.memory_space<vmem_shared>> -> memref<20480x32xf32, #tpu.memory_space<vmem_shared>>
      tpu.enqueue_indirect_dma source(%dma_start3A_52 : memref<20480x32xf32, #tpu.memory_space<vmem_shared>>) target(%dma_start3A_46 : memref<128x32xf32, #tpu.memory_space<vmem>>) offsets(%dma_start3A_49 : memref<128xi32, #tpu.memory_space<vmem>>) semaphore(%arg21 : memref<!tpu.dma_semaphore, #tpu.memory_space<semaphore_mem>>)
      %dma_start3A_53 = arith.constant 1 : i32
      %dma_start3A_54 = arith.constant 128 : i32
      %dma_start3A_55 = arith.constant 0 : i32
      %dma_start3A_56 = tpu.memref_slice %arg17[%dma_start3A_54, %dma_start3A_55] : memref<256x32xf32, #tpu.memory_space<vmem>> -> memref<128x32xf32, #tpu.memory_space<vmem>>
      %dma_start3A_57 = arith.constant 0 : i32
      %dma_start3A_58 = tpu.memref_slice %arg9[%dma_start3A_53, %dma_start3A_57] : memref<2x128xi32, #tpu.memory_space<vmem>> -> memref<1x128xi32, #tpu.memory_space<vmem>>
      %dma_start3A_59 = tpu.memref_squeeze %dma_start3A_58 : memref<1x128xi32, #tpu.memory_space<vmem>> -> memref<128xi32, #tpu.memory_space<vmem>>
      %dma_start3A_60 = arith.constant 0 : i32
      %dma_start3A_61 = arith.constant 0 : i32
      %dma_start3A_62 = tpu.memref_slice %arg23[%dma_start3A_60, %dma_start3A_61] : memref<20480x32xf32, #tpu.memory_space<vmem_shared>> -> memref<20480x32xf32, #tpu.memory_space<vmem_shared>>
      tpu.enqueue_indirect_dma source(%dma_start3A_62 : memref<20480x32xf32, #tpu.memory_space<vmem_shared>>) target(%dma_start3A_56 : memref<128x32xf32, #tpu.memory_space<vmem>>) offsets(%dma_start3A_59 : memref<128xi32, #tpu.memory_space<vmem>>) semaphore(%arg21 : memref<!tpu.dma_semaphore, #tpu.memory_space<semaphore_mem>>)
      %dma_start3A_63 = arith.constant 0 : i32
      %dma_start3A_64 = arith.constant 0 : i32
      %dma_start3A_65 = arith.constant 0 : i32
      %dma_start3A_66 = tpu.memref_slice %arg18[%dma_start3A_64, %dma_start3A_65] : memref<256x32xf32, #tpu.memory_space<vmem>> -> memref<128x32xf32, #tpu.memory_space<vmem>>
      %dma_start3A_67 = arith.constant 0 : i32
      %dma_start3A_68 = tpu.memref_slice %arg10[%dma_start3A_63, %dma_start3A_67] : memref<2x128xi32, #tpu.memory_space<vmem>> -> memref<1x128xi32, #tpu.memory_space<vmem>>
      %dma_start3A_69 = tpu.memref_squeeze %dma_start3A_68 : memref<1x128xi32, #tpu.memory_space<vmem>> -> memref<128xi32, #tpu.memory_space<vmem>>
      %dma_start3A_70 = arith.constant 0 : i32
      %dma_start3A_71 = arith.constant 0 : i32
      %dma_start3A_72 = tpu.memref_slice %arg23[%dma_start3A_70, %dma_start3A_71] : memref<20480x32xf32, #tpu.memory_space<vmem_shared>> -> memref<20480x32xf32, #tpu.memory_space<vmem_shared>>
      tpu.enqueue_indirect_dma source(%dma_start3A_72 : memref<20480x32xf32, #tpu.memory_space<vmem_shared>>) target(%dma_start3A_66 : memref<128x32xf32, #tpu.memory_space<vmem>>) offsets(%dma_start3A_69 : memref<128xi32, #tpu.memory_space<vmem>>) semaphore(%arg21 : memref<!tpu.dma_semaphore, #tpu.memory_space<semaphore_mem>>)
      %dma_start3A_73 = arith.constant 1 : i32
      %dma_start3A_74 = arith.constant 128 : i32
      %dma_start3A_75 = arith.constant 0 : i32
      %dma_start3A_76 = tpu.memref_slice %arg18[%dma_start3A_74, %dma_start3A_75] : memref<256x32xf32, #tpu.memory_space<vmem>> -> memref<128x32xf32, #tpu.memory_space<vmem>>
      %dma_start3A_77 = arith.constant 0 : i32
      %dma_start3A_78 = tpu.memref_slice %arg10[%dma_start3A_73, %dma_start3A_77] : memref<2x128xi32, #tpu.memory_space<vmem>> -> memref<1x128xi32, #tpu.memory_space<vmem>>
      %dma_start3A_79 = tpu.memref_squeeze %dma_start3A_78 : memref<1x128xi32, #tpu.memory_space<vmem>> -> memref<128xi32, #tpu.memory_space<vmem>>
      %dma_start3A_80 = arith.constant 0 : i32
      %dma_start3A_81 = arith.constant 0 : i32
      %dma_start3A_82 = tpu.memref_slice %arg23[%dma_start3A_80, %dma_start3A_81] : memref<20480x32xf32, #tpu.memory_space<vmem_shared>> -> memref<20480x32xf32, #tpu.memory_space<vmem_shared>>
      tpu.enqueue_indirect_dma source(%dma_start3A_82 : memref<20480x32xf32, #tpu.memory_space<vmem_shared>>) target(%dma_start3A_76 : memref<128x32xf32, #tpu.memory_space<vmem>>) offsets(%dma_start3A_79 : memref<128xi32, #tpu.memory_space<vmem>>) semaphore(%arg21 : memref<!tpu.dma_semaphore, #tpu.memory_space<semaphore_mem>>)
      %dma_start3A_83 = arith.constant 0 : i32
      %dma_start3A_84 = arith.constant 0 : i32
      %dma_start3A_85 = arith.constant 0 : i32
      %dma_start3A_86 = tpu.memref_slice %arg19[%dma_start3A_84, %dma_start3A_85] : memref<256x32xf32, #tpu.memory_space<vmem>> -> memref<128x32xf32, #tpu.memory_space<vmem>>
      %dma_start3A_87 = arith.constant 0 : i32
      %dma_start3A_88 = tpu.memref_slice %arg11[%dma_start3A_83, %dma_start3A_87] : memref<2x128xi32, #tpu.memory_space<vmem>> -> memref<1x128xi32, #tpu.memory_space<vmem>>
      %dma_start3A_89 = tpu.memref_squeeze %dma_start3A_88 : memref<1x128xi32, #tpu.memory_space<vmem>> -> memref<128xi32, #tpu.memory_space<vmem>>
      %dma_start3A_90 = arith.constant 0 : i32
      %dma_start3A_91 = arith.constant 0 : i32
      %dma_start3A_92 = tpu.memref_slice %arg23[%dma_start3A_90, %dma_start3A_91] : memref<20480x32xf32, #tpu.memory_space<vmem_shared>> -> memref<20480x32xf32, #tpu.memory_space<vmem_shared>>
      tpu.enqueue_indirect_dma source(%dma_start3A_92 : memref<20480x32xf32, #tpu.memory_space<vmem_shared>>) target(%dma_start3A_86 : memref<128x32xf32, #tpu.memory_space<vmem>>) offsets(%dma_start3A_89 : memref<128xi32, #tpu.memory_space<vmem>>) semaphore(%arg21 : memref<!tpu.dma_semaphore, #tpu.memory_space<semaphore_mem>>)
      %dma_start3A_93 = arith.constant 1 : i32
      %dma_start3A_94 = arith.constant 128 : i32
      %dma_start3A_95 = arith.constant 0 : i32
      %dma_start3A_96 = tpu.memref_slice %arg19[%dma_start3A_94, %dma_start3A_95] : memref<256x32xf32, #tpu.memory_space<vmem>> -> memref<128x32xf32, #tpu.memory_space<vmem>>
      %dma_start3A_97 = arith.constant 0 : i32
      %dma_start3A_98 = tpu.memref_slice %arg11[%dma_start3A_93, %dma_start3A_97] : memref<2x128xi32, #tpu.memory_space<vmem>> -> memref<1x128xi32, #tpu.memory_space<vmem>>
      %dma_start3A_99 = tpu.memref_squeeze %dma_start3A_98 : memref<1x128xi32, #tpu.memory_space<vmem>> -> memref<128xi32, #tpu.memory_space<vmem>>
      %dma_start3A_100 = arith.constant 0 : i32
      %dma_start3A_101 = arith.constant 0 : i32
      %dma_start3A_102 = tpu.memref_slice %arg23[%dma_start3A_100, %dma_start3A_101] : memref<20480x32xf32, #tpu.memory_space<vmem_shared>> -> memref<20480x32xf32, #tpu.memory_space<vmem_shared>>
      tpu.enqueue_indirect_dma source(%dma_start3A_102 : memref<20480x32xf32, #tpu.memory_space<vmem_shared>>) target(%dma_start3A_96 : memref<128x32xf32, #tpu.memory_space<vmem>>) offsets(%dma_start3A_99 : memref<128xi32, #tpu.memory_space<vmem>>) semaphore(%arg21 : memref<!tpu.dma_semaphore, #tpu.memory_space<semaphore_mem>>)
      %dma_wait3A = arith.constant 0 : i32
      %dma_wait3A_103 = arith.constant 0 : i32
      %dma_wait3A_104 = arith.constant 0 : i32
      %dma_wait3A_105 = tpu.memref_slice %arg16[%dma_wait3A_103, %dma_wait3A_104] : memref<256x32xf32, #tpu.memory_space<vmem>> -> memref<128x32xf32, #tpu.memory_space<vmem>>
      %dma_wait3A_106 = arith.constant 0 : i32
      %dma_wait3A_107 = tpu.memref_slice %arg8[%dma_wait3A, %dma_wait3A_106] : memref<2x128xi32, #tpu.memory_space<vmem>> -> memref<1x128xi32, #tpu.memory_space<vmem>>
      %dma_wait3A_108 = tpu.memref_squeeze %dma_wait3A_107 : memref<1x128xi32, #tpu.memory_space<vmem>> -> memref<128xi32, #tpu.memory_space<vmem>>
      %dma_wait3A_109 = arith.constant 0 : i32
      %dma_wait3A_110 = arith.constant 0 : i32
      %dma_wait3A_111 = tpu.memref_slice %arg23[%dma_wait3A_109, %dma_wait3A_110] : memref<20480x32xf32, #tpu.memory_space<vmem_shared>> -> memref<20480x32xf32, #tpu.memory_space<vmem_shared>>
      tpu.wait_indirect_dma semaphore(%arg21 : memref<!tpu.dma_semaphore, #tpu.memory_space<semaphore_mem>>) src(%dma_wait3A_111 : memref<20480x32xf32, #tpu.memory_space<vmem_shared>>) dst(%dma_wait3A_105 : memref<128x32xf32, #tpu.memory_space<vmem>>)
      %dma_wait3A_112 = arith.constant 1 : i32
      %dma_wait3A_113 = arith.constant 128 : i32
      %dma_wait3A_114 = arith.constant 0 : i32
      %dma_wait3A_115 = tpu.memref_slice %arg16[%dma_wait3A_113, %dma_wait3A_114] : memref<256x32xf32, #tpu.memory_space<vmem>> -> memref<128x32xf32, #tpu.memory_space<vmem>>
      %dma_wait3A_116 = arith.constant 0 : i32
      %dma_wait3A_117 = tpu.memref_slice %arg8[%dma_wait3A_112, %dma_wait3A_116] : memref<2x128xi32, #tpu.memory_space<vmem>> -> memref<1x128xi32, #tpu.memory_space<vmem>>
      %dma_wait3A_118 = tpu.memref_squeeze %dma_wait3A_117 : memref<1x128xi32, #tpu.memory_space<vmem>> -> memref<128xi32, #tpu.memory_space<vmem>>
      %dma_wait3A_119 = arith.constant 0 : i32
      %dma_wait3A_120 = arith.constant 0 : i32
      %dma_wait3A_121 = tpu.memref_slice %arg23[%dma_wait3A_119, %dma_wait3A_120] : memref<20480x32xf32, #tpu.memory_space<vmem_shared>> -> memref<20480x32xf32, #tpu.memory_space<vmem_shared>>
      tpu.wait_indirect_dma semaphore(%arg21 : memref<!tpu.dma_semaphore, #tpu.memory_space<semaphore_mem>>) src(%dma_wait3A_121 : memref<20480x32xf32, #tpu.memory_space<vmem_shared>>) dst(%dma_wait3A_115 : memref<128x32xf32, #tpu.memory_space<vmem>>)
      %dma_wait3A_122 = arith.constant 0 : i32
      %dma_wait3A_123 = arith.constant 0 : i32
      %dma_wait3A_124 = arith.constant 0 : i32
      %dma_wait3A_125 = tpu.memref_slice %arg17[%dma_wait3A_123, %dma_wait3A_124] : memref<256x32xf32, #tpu.memory_space<vmem>> -> memref<128x32xf32, #tpu.memory_space<vmem>>
      %dma_wait3A_126 = arith.constant 0 : i32
      %dma_wait3A_127 = tpu.memref_slice %arg9[%dma_wait3A_122, %dma_wait3A_126] : memref<2x128xi32, #tpu.memory_space<vmem>> -> memref<1x128xi32, #tpu.memory_space<vmem>>
      %dma_wait3A_128 = tpu.memref_squeeze %dma_wait3A_127 : memref<1x128xi32, #tpu.memory_space<vmem>> -> memref<128xi32, #tpu.memory_space<vmem>>
      %dma_wait3A_129 = arith.constant 0 : i32
      %dma_wait3A_130 = arith.constant 0 : i32
      %dma_wait3A_131 = tpu.memref_slice %arg23[%dma_wait3A_129, %dma_wait3A_130] : memref<20480x32xf32, #tpu.memory_space<vmem_shared>> -> memref<20480x32xf32, #tpu.memory_space<vmem_shared>>
      tpu.wait_indirect_dma semaphore(%arg21 : memref<!tpu.dma_semaphore, #tpu.memory_space<semaphore_mem>>) src(%dma_wait3A_131 : memref<20480x32xf32, #tpu.memory_space<vmem_shared>>) dst(%dma_wait3A_125 : memref<128x32xf32, #tpu.memory_space<vmem>>)
      %dma_wait3A_132 = arith.constant 1 : i32
      %dma_wait3A_133 = arith.constant 128 : i32
      %dma_wait3A_134 = arith.constant 0 : i32
      %dma_wait3A_135 = tpu.memref_slice %arg17[%dma_wait3A_133, %dma_wait3A_134] : memref<256x32xf32, #tpu.memory_space<vmem>> -> memref<128x32xf32, #tpu.memory_space<vmem>>
      %dma_wait3A_136 = arith.constant 0 : i32
      %dma_wait3A_137 = tpu.memref_slice %arg9[%dma_wait3A_132, %dma_wait3A_136] : memref<2x128xi32, #tpu.memory_space<vmem>> -> memref<1x128xi32, #tpu.memory_space<vmem>>
      %dma_wait3A_138 = tpu.memref_squeeze %dma_wait3A_137 : memref<1x128xi32, #tpu.memory_space<vmem>> -> memref<128xi32, #tpu.memory_space<vmem>>
      %dma_wait3A_139 = arith.constant 0 : i32
      %dma_wait3A_140 = arith.constant 0 : i32
      %dma_wait3A_141 = tpu.memref_slice %arg23[%dma_wait3A_139, %dma_wait3A_140] : memref<20480x32xf32, #tpu.memory_space<vmem_shared>> -> memref<20480x32xf32, #tpu.memory_space<vmem_shared>>
      tpu.wait_indirect_dma semaphore(%arg21 : memref<!tpu.dma_semaphore, #tpu.memory_space<semaphore_mem>>) src(%dma_wait3A_141 : memref<20480x32xf32, #tpu.memory_space<vmem_shared>>) dst(%dma_wait3A_135 : memref<128x32xf32, #tpu.memory_space<vmem>>)
      %dma_wait3A_142 = arith.constant 0 : i32
      %dma_wait3A_143 = arith.constant 0 : i32
      %dma_wait3A_144 = arith.constant 0 : i32
      %dma_wait3A_145 = tpu.memref_slice %arg18[%dma_wait3A_143, %dma_wait3A_144] : memref<256x32xf32, #tpu.memory_space<vmem>> -> memref<128x32xf32, #tpu.memory_space<vmem>>
      %dma_wait3A_146 = arith.constant 0 : i32
      %dma_wait3A_147 = tpu.memref_slice %arg10[%dma_wait3A_142, %dma_wait3A_146] : memref<2x128xi32, #tpu.memory_space<vmem>> -> memref<1x128xi32, #tpu.memory_space<vmem>>
      %dma_wait3A_148 = tpu.memref_squeeze %dma_wait3A_147 : memref<1x128xi32, #tpu.memory_space<vmem>> -> memref<128xi32, #tpu.memory_space<vmem>>
      %dma_wait3A_149 = arith.constant 0 : i32
      %dma_wait3A_150 = arith.constant 0 : i32
      %dma_wait3A_151 = tpu.memref_slice %arg23[%dma_wait3A_149, %dma_wait3A_150] : memref<20480x32xf32, #tpu.memory_space<vmem_shared>> -> memref<20480x32xf32, #tpu.memory_space<vmem_shared>>
      tpu.wait_indirect_dma semaphore(%arg21 : memref<!tpu.dma_semaphore, #tpu.memory_space<semaphore_mem>>) src(%dma_wait3A_151 : memref<20480x32xf32, #tpu.memory_space<vmem_shared>>) dst(%dma_wait3A_145 : memref<128x32xf32, #tpu.memory_space<vmem>>)
      %dma_wait3A_152 = arith.constant 1 : i32
      %dma_wait3A_153 = arith.constant 128 : i32
      %dma_wait3A_154 = arith.constant 0 : i32
      %dma_wait3A_155 = tpu.memref_slice %arg18[%dma_wait3A_153, %dma_wait3A_154] : memref<256x32xf32, #tpu.memory_space<vmem>> -> memref<128x32xf32, #tpu.memory_space<vmem>>
      %dma_wait3A_156 = arith.constant 0 : i32
      %dma_wait3A_157 = tpu.memref_slice %arg10[%dma_wait3A_152, %dma_wait3A_156] : memref<2x128xi32, #tpu.memory_space<vmem>> -> memref<1x128xi32, #tpu.memory_space<vmem>>
      %dma_wait3A_158 = tpu.memref_squeeze %dma_wait3A_157 : memref<1x128xi32, #tpu.memory_space<vmem>> -> memref<128xi32, #tpu.memory_space<vmem>>
      %dma_wait3A_159 = arith.constant 0 : i32
      %dma_wait3A_160 = arith.constant 0 : i32
      %dma_wait3A_161 = tpu.memref_slice %arg23[%dma_wait3A_159, %dma_wait3A_160] : memref<20480x32xf32, #tpu.memory_space<vmem_shared>> -> memref<20480x32xf32, #tpu.memory_space<vmem_shared>>
      tpu.wait_indirect_dma semaphore(%arg21 : memref<!tpu.dma_semaphore, #tpu.memory_space<semaphore_mem>>) src(%dma_wait3A_161 : memref<20480x32xf32, #tpu.memory_space<vmem_shared>>) dst(%dma_wait3A_155 : memref<128x32xf32, #tpu.memory_space<vmem>>)
      %dma_wait3A_162 = arith.constant 0 : i32
      %dma_wait3A_163 = arith.constant 0 : i32
      %dma_wait3A_164 = arith.constant 0 : i32
      %dma_wait3A_165 = tpu.memref_slice %arg19[%dma_wait3A_163, %dma_wait3A_164] : memref<256x32xf32, #tpu.memory_space<vmem>> -> memref<128x32xf32, #tpu.memory_space<vmem>>
      %dma_wait3A_166 = arith.constant 0 : i32
      %dma_wait3A_167 = tpu.memref_slice %arg11[%dma_wait3A_162, %dma_wait3A_166] : memref<2x128xi32, #tpu.memory_space<vmem>> -> memref<1x128xi32, #tpu.memory_space<vmem>>
      %dma_wait3A_168 = tpu.memref_squeeze %dma_wait3A_167 : memref<1x128xi32, #tpu.memory_space<vmem>> -> memref<128xi32, #tpu.memory_space<vmem>>
      %dma_wait3A_169 = arith.constant 0 : i32
      %dma_wait3A_170 = arith.constant 0 : i32
      %dma_wait3A_171 = tpu.memref_slice %arg23[%dma_wait3A_169, %dma_wait3A_170] : memref<20480x32xf32, #tpu.memory_space<vmem_shared>> -> memref<20480x32xf32, #tpu.memory_space<vmem_shared>>
      tpu.wait_indirect_dma semaphore(%arg21 : memref<!tpu.dma_semaphore, #tpu.memory_space<semaphore_mem>>) src(%dma_wait3A_171 : memref<20480x32xf32, #tpu.memory_space<vmem_shared>>) dst(%dma_wait3A_165 : memref<128x32xf32, #tpu.memory_space<vmem>>)
      %dma_wait3A_172 = arith.constant 1 : i32
      %dma_wait3A_173 = arith.constant 128 : i32
      %dma_wait3A_174 = arith.constant 0 : i32
      %dma_wait3A_175 = tpu.memref_slice %arg19[%dma_wait3A_173, %dma_wait3A_174] : memref<256x32xf32, #tpu.memory_space<vmem>> -> memref<128x32xf32, #tpu.memory_space<vmem>>
      %dma_wait3A_176 = arith.constant 0 : i32
      %dma_wait3A_177 = tpu.memref_slice %arg11[%dma_wait3A_172, %dma_wait3A_176] : memref<2x128xi32, #tpu.memory_space<vmem>> -> memref<1x128xi32, #tpu.memory_space<vmem>>
      %dma_wait3A_178 = tpu.memref_squeeze %dma_wait3A_177 : memref<1x128xi32, #tpu.memory_space<vmem>> -> memref<128xi32, #tpu.memory_space<vmem>>
      %dma_wait3A_179 = arith.constant 0 : i32
      %dma_wait3A_180 = arith.constant 0 : i32
      %dma_wait3A_181 = tpu.memref_slice %arg23[%dma_wait3A_179, %dma_wait3A_180] : memref<20480x32xf32, #tpu.memory_space<vmem_shared>> -> memref<20480x32xf32, #tpu.memory_space<vmem_shared>>
      tpu.wait_indirect_dma semaphore(%arg21 : memref<!tpu.dma_semaphore, #tpu.memory_space<semaphore_mem>>) src(%dma_wait3A_181 : memref<20480x32xf32, #tpu.memory_space<vmem_shared>>) dst(%dma_wait3A_175 : memref<128x32xf32, #tpu.memory_space<vmem>>)
      %scan3A_182 = arith.constant 0 : i32
      %scan3A_183 = arith.constant 0 : i32
      %scan3A_184 = arith.constant 16 : i32
      %scan3A_185 = arith.addi %scan3A_183, %scan3A_184 : i32
      %scan3A_186 = arith.constant 1 : i32
      scf.for %scan3A_203 = %scan3A_183 to %scan3A_185 step %scan3A_186  : i32 {
        %mul3A_204 = arith.constant 16 : i32
        %mul3A_205 = arith.muli %scan3A_203, %mul3A_204 : i32
        %get3A = arith.index_cast %mul3A_205 : i32 to index
        %get3A_206 = tpu.vector_load %arg12[%get3A] {strides = array<i32>} : memref<256xf32, #tpu.memory_space<vmem>>, vector<16xf32>,
        %get3A_207 = vector.shape_cast %get3A_206 : vector<16xf32> to vector<16xf32>
        %get3A_208 = arith.index_cast %mul3A_205 : i32 to index
        %get3A_209 = tpu.vector_load %arg13[%get3A_208] {strides = array<i32>} : memref<256xf32, #tpu.memory_space<vmem>>, vector<16xf32>,
        %get3A_210 = vector.shape_cast %get3A_209 : vector<16xf32> to vector<16xf32>
        %get3A_211 = arith.index_cast %mul3A_205 : i32 to index
        %get3A_212 = tpu.vector_load %arg14[%get3A_211] {strides = array<i32>} : memref<256xf32, #tpu.memory_space<vmem>>, vector<16xf32>,
        %get3A_213 = vector.shape_cast %get3A_212 : vector<16xf32> to vector<16xf32>
        %get3A_214 = arith.index_cast %mul3A_205 : i32 to index
        %get3A_215 = tpu.vector_load %arg15[%get3A_214] {strides = array<i32>} : memref<256xf32, #tpu.memory_space<vmem>>, vector<16xf32>,
        %get3A_216 = vector.shape_cast %get3A_215 : vector<16xf32> to vector<16xf32>
        %add3A_217 = arith.constant 0 : i32
        %add3A_218 = arith.addi %mul3A_205, %add3A_217 : i32
        %slice3A = vector.extract_strided_slice %get3A_207 {offsets = [0], sizes = [1], strides = [1]} : vector<16xf32> to vector<1xf32>
        %squeeze3A = vector.extract %slice3A[0] : f32 from vector<1xf32>
        %slice3A_219 = vector.extract_strided_slice %get3A_210 {offsets = [0], sizes = [1], strides = [1]} : vector<16xf32> to vector<1xf32>
        %squeeze3A_220 = vector.extract %slice3A_219[0] : f32 from vector<1xf32>
        %slice3A_221 = vector.extract_strided_slice %get3A_213 {offsets = [0], sizes = [1], strides = [1]} : vector<16xf32> to vector<1xf32>
        %squeeze3A_222 = vector.extract %slice3A_221[0] : f32 from vector<1xf32>
        %slice3A_223 = vector.extract_strided_slice %get3A_216 {offsets = [0], sizes = [1], strides = [1]} : vector<16xf32> to vector<1xf32>
        %squeeze3A_224 = vector.extract %slice3A_223[0] : f32 from vector<1xf32>
        %get3A_225 = arith.index_cast %add3A_218 : i32 to index
        %get3A_226 = arith.constant 0 : index
        %get3A_227 = tpu.vector_load %arg16[%get3A_225, %get3A_226] {strides = array<i32>} : memref<256x32xf32, #tpu.memory_space<vmem>>, vector<1x16xf32>,
        %get3A_228 = vector.shape_cast %get3A_227 : vector<1x16xf32> to vector<16xf32>
        %get3A_229 = arith.index_cast %add3A_218 : i32 to index
        %get3A_230 = arith.constant 0 : index
        %get3A_231 = tpu.vector_load %arg17[%get3A_229, %get3A_230] {strides = array<i32>} : memref<256x32xf32, #tpu.memory_space<vmem>>, vector<1x16xf32>,
        %get3A_232 = vector.shape_cast %get3A_231 : vector<1x16xf32> to vector<16xf32>
        %get3A_233 = arith.index_cast %add3A_218 : i32 to index
        %get3A_234 = arith.constant 0 : index
        %get3A_235 = tpu.vector_load %arg18[%get3A_233, %get3A_234] {strides = array<i32>} : memref<256x32xf32, #tpu.memory_space<vmem>>, vector<1x16xf32>,
        %get3A_236 = vector.shape_cast %get3A_235 : vector<1x16xf32> to vector<16xf32>
        %get3A_237 = arith.index_cast %add3A_218 : i32 to index
        %get3A_238 = arith.constant 0 : index
        %get3A_239 = tpu.vector_load %arg19[%get3A_237, %get3A_238] {strides = array<i32>} : memref<256x32xf32, #tpu.memory_space<vmem>>, vector<1x16xf32>,
        %get3A_240 = vector.shape_cast %get3A_239 : vector<1x16xf32> to vector<16xf32>
        %mul3A_241 = vector.broadcast %squeeze3A : f32 to vector<16xf32>
        %mul3A_242 = arith.mulf %mul3A_241, %get3A_228 : vector<16xf32>
        %mul3A_243 = vector.broadcast %squeeze3A_220 : f32 to vector<16xf32>
        %mul3A_244 = arith.mulf %mul3A_243, %get3A_232 : vector<16xf32>
        %add3A_245 = arith.addf %mul3A_242, %mul3A_244 : vector<16xf32>
        %mul3A_246 = vector.broadcast %squeeze3A_222 : f32 to vector<16xf32>
        %mul3A_247 = arith.mulf %mul3A_246, %get3A_236 : vector<16xf32>
        %add3A_248 = arith.addf %add3A_245, %mul3A_247 : vector<16xf32>
        %mul3A_249 = vector.broadcast %squeeze3A_224 : f32 to vector<16xf32>
        %mul3A_250 = arith.mulf %mul3A_249, %get3A_240 : vector<16xf32>
        %add3A_251 = arith.addf %add3A_248, %mul3A_250 : vector<16xf32>
        %swap3A = arith.index_cast %add3A_218 : i32 to index
        %swap3A_252 = arith.constant 0 : index
        %swap3A_253 = tpu.vector_load %arg20[%swap3A, %swap3A_252] {strides = array<i32>} : memref<256x32xf32, #tpu.memory_space<vmem>>, vector<1x16xf32>,
        %swap3A_254 = vector.shape_cast %swap3A_253 : vector<1x16xf32> to vector<16xf32>
        %swap3A_255 = vector.shape_cast %add3A_251 : vector<16xf32> to vector<1x16xf32>
        tpu.vector_store %arg20[%swap3A, %swap3A_252], %swap3A_255 {strides = array<i32>} : memref<256x32xf32, #tpu.memory_space<vmem>>, vector<1x16xf32>,
        %get3A_256 = arith.index_cast %add3A_218 : i32 to index
        %get3A_257 = arith.constant 16 : index
        %get3A_258 = tpu.vector_load %arg16[%get3A_256, %get3A_257] {strides = array<i32>} : memref<256x32xf32, #tpu.memory_space<vmem>>, vector<1x16xf32>,
        %get3A_259 = vector.shape_cast %get3A_258 : vector<1x16xf32> to vector<16xf32>
        %get3A_260 = arith.index_cast %add3A_218 : i32 to index
        %get3A_261 = arith.constant 16 : index
        %get3A_262 = tpu.vector_load %arg17[%get3A_260, %get3A_261] {strides = array<i32>} : memref<256x32xf32, #tpu.memory_space<vmem>>, vector<1x16xf32>,
        %get3A_263 = vector.shape_cast %get3A_262 : vector<1x16xf32> to vector<16xf32>
        %get3A_264 = arith.index_cast %add3A_218 : i32 to index
        %get3A_265 = arith.constant 16 : index
        %get3A_266 = tpu.vector_load %arg18[%get3A_264, %get3A_265] {strides = array<i32>} : memref<256x32xf32, #tpu.memory_space<vmem>>, vector<1x16xf32>,
        %get3A_267 = vector.shape_cast %get3A_266 : vector<1x16xf32> to vector<16xf32>
        %get3A_268 = arith.index_cast %add3A_218 : i32 to index
        %get3A_269 = arith.constant 16 : index
        %get3A_270 = tpu.vector_load %arg19[%get3A_268, %get3A_269] {strides = array<i32>} : memref<256x32xf32, #tpu.memory_space<vmem>>, vector<1x16xf32>,
        %get3A_271 = vector.shape_cast %get3A_270 : vector<1x16xf32> to vector<16xf32>
        %mul3A_272 = vector.broadcast %squeeze3A : f32 to vector<16xf32>
        %mul3A_273 = arith.mulf %mul3A_272, %get3A_259 : vector<16xf32>
        %mul3A_274 = vector.broadcast %squeeze3A_220 : f32 to vector<16xf32>
        %mul3A_275 = arith.mulf %mul3A_274, %get3A_263 : vector<16xf32>
        %add3A_276 = arith.addf %mul3A_273, %mul3A_275 : vector<16xf32>
        %mul3A_277 = vector.broadcast %squeeze3A_222 : f32 to vector<16xf32>
        %mul3A_278 = arith.mulf %mul3A_277, %get3A_267 : vector<16xf32>
        %add3A_279 = arith.addf %add3A_276, %mul3A_278 : vector<16xf32>
        %mul3A_280 = vector.broadcast %squeeze3A_224 : f32 to vector<16xf32>
        %mul3A_281 = arith.mulf %mul3A_280, %get3A_271 : vector<16xf32>
        %add3A_282 = arith.addf %add3A_279, %mul3A_281 : vector<16xf32>
        %swap3A_283 = arith.index_cast %add3A_218 : i32 to index
        %swap3A_284 = arith.constant 16 : index
        %swap3A_285 = tpu.vector_load %arg20[%swap3A_283, %swap3A_284] {strides = array<i32>} : memref<256x32xf32, #tpu.memory_space<vmem>>, vector<1x16xf32>,
        %swap3A_286 = vector.shape_cast %swap3A_285 : vector<1x16xf32> to vector<16xf32>
        %swap3A_287 = vector.shape_cast %add3A_282 : vector<16xf32> to vector<1x16xf32>
        tpu.vector_store %arg20[%swap3A_283, %swap3A_284], %swap3A_287 {strides = array<i32>} : memref<256x32xf32, #tpu.memory_space<vmem>>, vector<1x16xf32>,
        %add3A_288 = arith.constant 1 : i32
        %add3A_289 = arith.addi %mul3A_205, %add3A_288 : i32
        %slice3A_290 = vector.extract_strided_slice %get3A_207 {offsets = [1], sizes = [1], strides = [1]} : vector<16xf32> to vector<1xf32>
        %squeeze3A_291 = vector.extract %slice3A_290[0] : f32 from vector<1xf32>
        %slice3A_292 = vector.extract_strided_slice %get3A_210 {offsets = [1], sizes = [1], strides = [1]} : vector<16xf32> to vector<1xf32>
        %squeeze3A_293 = vector.extract %slice3A_292[0] : f32 from vector<1xf32>
        %slice3A_294 = vector.extract_strided_slice %get3A_213 {offsets = [1], sizes = [1], strides = [1]} : vector<16xf32> to vector<1xf32>
        %squeeze3A_295 = vector.extract %slice3A_294[0] : f32 from vector<1xf32>
        %slice3A_296 = vector.extract_strided_slice %get3A_216 {offsets = [1], sizes = [1], strides = [1]} : vector<16xf32> to vector<1xf32>
        %squeeze3A_297 = vector.extract %slice3A_296[0] : f32 from vector<1xf32>
        %get3A_298 = arith.index_cast %add3A_289 : i32 to index
        %get3A_299 = arith.constant 0 : index
        %get3A_300 = tpu.vector_load %arg16[%get3A_298, %get3A_299] {strides = array<i32>} : memref<256x32xf32, #tpu.memory_space<vmem>>, vector<1x16xf32>,
        %get3A_301 = vector.shape_cast %get3A_300 : vector<1x16xf32> to vector<16xf32>
        %get3A_302 = arith.index_cast %add3A_289 : i32 to index
        %get3A_303 = arith.constant 0 : index
        %get3A_304 = tpu.vector_load %arg17[%get3A_302, %get3A_303] {strides = array<i32>} : memref<256x32xf32, #tpu.memory_space<vmem>>, vector<1x16xf32>,
        %get3A_305 = vector.shape_cast %get3A_304 : vector<1x16xf32> to vector<16xf32>
        %get3A_306 = arith.index_cast %add3A_289 : i32 to index
        %get3A_307 = arith.constant 0 : index
        %get3A_308 = tpu.vector_load %arg18[%get3A_306, %get3A_307] {strides = array<i32>} : memref<256x32xf32, #tpu.memory_space<vmem>>, vector<1x16xf32>,
        %get3A_309 = vector.shape_cast %get3A_308 : vector<1x16xf32> to vector<16xf32>
        %get3A_310 = arith.index_cast %add3A_289 : i32 to index
        %get3A_311 = arith.constant 0 : index
        %get3A_312 = tpu.vector_load %arg19[%get3A_310, %get3A_311] {strides = array<i32>} : memref<256x32xf32, #tpu.memory_space<vmem>>, vector<1x16xf32>,
        %get3A_313 = vector.shape_cast %get3A_312 : vector<1x16xf32> to vector<16xf32>
        %mul3A_314 = vector.broadcast %squeeze3A_291 : f32 to vector<16xf32>
        %mul3A_315 = arith.mulf %mul3A_314, %get3A_301 : vector<16xf32>
        %mul3A_316 = vector.broadcast %squeeze3A_293 : f32 to vector<16xf32>
        %mul3A_317 = arith.mulf %mul3A_316, %get3A_305 : vector<16xf32>
        %add3A_318 = arith.addf %mul3A_315, %mul3A_317 : vector<16xf32>
        %mul3A_319 = vector.broadcast %squeeze3A_295 : f32 to vector<16xf32>
        %mul3A_320 = arith.mulf %mul3A_319, %get3A_309 : vector<16xf32>
        %add3A_321 = arith.addf %add3A_318, %mul3A_320 : vector<16xf32>
        %mul3A_322 = vector.broadcast %squeeze3A_297 : f32 to vector<16xf32>
        %mul3A_323 = arith.mulf %mul3A_322, %get3A_313 : vector<16xf32>
        %add3A_324 = arith.addf %add3A_321, %mul3A_323 : vector<16xf32>
        %swap3A_325 = arith.index_cast %add3A_289 : i32 to index
        %swap3A_326 = arith.constant 0 : index
        %swap3A_327 = tpu.vector_load %arg20[%swap3A_325, %swap3A_326] {strides = array<i32>} : memref<256x32xf32, #tpu.memory_space<vmem>>, vector<1x16xf32>,
        %swap3A_328 = vector.shape_cast %swap3A_327 : vector<1x16xf32> to vector<16xf32>
        %swap3A_329 = vector.shape_cast %add3A_324 : vector<16xf32> to vector<1x16xf32>
        tpu.vector_store %arg20[%swap3A_325, %swap3A_326], %swap3A_329 {strides = array<i32>} : memref<256x32xf32, #tpu.memory_space<vmem>>, vector<1x16xf32>,
        %get3A_330 = arith.index_cast %add3A_289 : i32 to index
        %get3A_331 = arith.constant 16 : index
        %get3A_332 = tpu.vector_load %arg16[%get3A_330, %get3A_331] {strides = array<i32>} : memref<256x32xf32, #tpu.memory_space<vmem>>, vector<1x16xf32>,
        %get3A_333 = vector.shape_cast %get3A_332 : vector<1x16xf32> to vector<16xf32>
        %get3A_334 = arith.index_cast %add3A_289 : i32 to index
        %get3A_335 = arith.constant 16 : index
        %get3A_336 = tpu.vector_load %arg17[%get3A_334, %get3A_335] {strides = array<i32>} : memref<256x32xf32, #tpu.memory_space<vmem>>, vector<1x16xf32>,
        %get3A_337 = vector.shape_cast %get3A_336 : vector<1x16xf32> to vector<16xf32>
        %get3A_338 = arith.index_cast %add3A_289 : i32 to index
        %get3A_339 = arith.constant 16 : index
        %get3A_340 = tpu.vector_load %arg18[%get3A_338, %get3A_339] {strides = array<i32>} : memref<256x32xf32, #tpu.memory_space<vmem>>, vector<1x16xf32>,
        %get3A_341 = vector.shape_cast %get3A_340 : vector<1x16xf32> to vector<16xf32>
        %get3A_342 = arith.index_cast %add3A_289 : i32 to index
        %get3A_343 = arith.constant 16 : index
        %get3A_344 = tpu.vector_load %arg19[%get3A_342, %get3A_343] {strides = array<i32>} : memref<256x32xf32, #tpu.memory_space<vmem>>, vector<1x16xf32>,
        %get3A_345 = vector.shape_cast %get3A_344 : vector<1x16xf32> to vector<16xf32>
        %mul3A_346 = vector.broadcast %squeeze3A_291 : f32 to vector<16xf32>
        %mul3A_347 = arith.mulf %mul3A_346, %get3A_333 : vector<16xf32>
        %mul3A_348 = vector.broadcast %squeeze3A_293 : f32 to vector<16xf32>
        %mul3A_349 = arith.mulf %mul3A_348, %get3A_337 : vector<16xf32>
        %add3A_350 = arith.addf %mul3A_347, %mul3A_349 : vector<16xf32>
        %mul3A_351 = vector.broadcast %squeeze3A_295 : f32 to vector<16xf32>
        %mul3A_352 = arith.mulf %mul3A_351, %get3A_341 : vector<16xf32>
        %add3A_353 = arith.addf %add3A_350, %mul3A_352 : vector<16xf32>
        %mul3A_354 = vector.broadcast %squeeze3A_297 : f32 to vector<16xf32>
        %mul3A_355 = arith.mulf %mul3A_354, %get3A_345 : vector<16xf32>
        %add3A_356 = arith.addf %add3A_353, %mul3A_355 : vector<16xf32>
        %swap3A_357 = arith.index_cast %add3A_289 : i32 to index
        %swap3A_358 = arith.constant 16 : index
        %swap3A_359 = tpu.vector_load %arg20[%swap3A_357, %swap3A_358] {strides = array<i32>} : memref<256x32xf32, #tpu.memory_space<vmem>>, vector<1x16xf32>,
        %swap3A_360 = vector.shape_cast %swap3A_359 : vector<1x16xf32> to vector<16xf32>
        %swap3A_361 = vector.shape_cast %add3A_356 : vector<16xf32> to vector<1x16xf32>
        tpu.vector_store %arg20[%swap3A_357, %swap3A_358], %swap3A_361 {strides = array<i32>} : memref<256x32xf32, #tpu.memory_space<vmem>>, vector<1x16xf32>,
        %add3A_362 = arith.constant 2 : i32
        %add3A_363 = arith.addi %mul3A_205, %add3A_362 : i32
        %slice3A_364 = vector.extract_strided_slice %get3A_207 {offsets = [2], sizes = [1], strides = [1]} : vector<16xf32> to vector<1xf32>
        %squeeze3A_365 = vector.extract %slice3A_364[0] : f32 from vector<1xf32>
        %slice3A_366 = vector.extract_strided_slice %get3A_210 {offsets = [2], sizes = [1], strides = [1]} : vector<16xf32> to vector<1xf32>
        %squeeze3A_367 = vector.extract %slice3A_366[0] : f32 from vector<1xf32>
        %slice3A_368 = vector.extract_strided_slice %get3A_213 {offsets = [2], sizes = [1], strides = [1]} : vector<16xf32> to vector<1xf32>
        %squeeze3A_369 = vector.extract %slice3A_368[0] : f32 from vector<1xf32>
        %slice3A_370 = vector.extract_strided_slice %get3A_216 {offsets = [2], sizes = [1], strides = [1]} : vector<16xf32> to vector<1xf32>
        %squeeze3A_371 = vector.extract %slice3A_370[0] : f32 from vector<1xf32>
        %get3A_372 = arith.index_cast %add3A_363 : i32 to index
        %get3A_373 = arith.constant 0 : index
        %get3A_374 = tpu.vector_load %arg16[%get3A_372, %get3A_373] {strides = array<i32>} : memref<256x32xf32, #tpu.memory_space<vmem>>, vector<1x16xf32>,
        %get3A_375 = vector.shape_cast %get3A_374 : vector<1x16xf32> to vector<16xf32>
        %get3A_376 = arith.index_cast %add3A_363 : i32 to index
        %get3A_377 = arith.constant 0 : index
        %get3A_378 = tpu.vector_load %arg17[%get3A_376, %get3A_377] {strides = array<i32>} : memref<256x32xf32, #tpu.memory_space<vmem>>, vector<1x16xf32>,
        %get3A_379 = vector.shape_cast %get3A_378 : vector<1x16xf32> to vector<16xf32>
        %get3A_380 = arith.index_cast %add3A_363 : i32 to index
        %get3A_381 = arith.constant 0 : index
        %get3A_382 = tpu.vector_load %arg18[%get3A_380, %get3A_381] {strides = array<i32>} : memref<256x32xf32, #tpu.memory_space<vmem>>, vector<1x16xf32>,
        %get3A_383 = vector.shape_cast %get3A_382 : vector<1x16xf32> to vector<16xf32>
        %get3A_384 = arith.index_cast %add3A_363 : i32 to index
        %get3A_385 = arith.constant 0 : index
        %get3A_386 = tpu.vector_load %arg19[%get3A_384, %get3A_385] {strides = array<i32>} : memref<256x32xf32, #tpu.memory_space<vmem>>, vector<1x16xf32>,
        %get3A_387 = vector.shape_cast %get3A_386 : vector<1x16xf32> to vector<16xf32>
        %mul3A_388 = vector.broadcast %squeeze3A_365 : f32 to vector<16xf32>
        %mul3A_389 = arith.mulf %mul3A_388, %get3A_375 : vector<16xf32>
        %mul3A_390 = vector.broadcast %squeeze3A_367 : f32 to vector<16xf32>
        %mul3A_391 = arith.mulf %mul3A_390, %get3A_379 : vector<16xf32>
        %add3A_392 = arith.addf %mul3A_389, %mul3A_391 : vector<16xf32>
        %mul3A_393 = vector.broadcast %squeeze3A_369 : f32 to vector<16xf32>
        %mul3A_394 = arith.mulf %mul3A_393, %get3A_383 : vector<16xf32>
        %add3A_395 = arith.addf %add3A_392, %mul3A_394 : vector<16xf32>
        %mul3A_396 = vector.broadcast %squeeze3A_371 : f32 to vector<16xf32>
        %mul3A_397 = arith.mulf %mul3A_396, %get3A_387 : vector<16xf32>
        %add3A_398 = arith.addf %add3A_395, %mul3A_397 : vector<16xf32>
        %swap3A_399 = arith.index_cast %add3A_363 : i32 to index
        %swap3A_400 = arith.constant 0 : index
        %swap3A_401 = tpu.vector_load %arg20[%swap3A_399, %swap3A_400] {strides = array<i32>} : memref<256x32xf32, #tpu.memory_space<vmem>>, vector<1x16xf32>,
        %swap3A_402 = vector.shape_cast %swap3A_401 : vector<1x16xf32> to vector<16xf32>
        %swap3A_403 = vector.shape_cast %add3A_398 : vector<16xf32> to vector<1x16xf32>
        tpu.vector_store %arg20[%swap3A_399, %swap3A_400], %swap3A_403 {strides = array<i32>} : memref<256x32xf32, #tpu.memory_space<vmem>>, vector<1x16xf32>,
        %get3A_404 = arith.index_cast %add3A_363 : i32 to index
        %get3A_405 = arith.constant 16 : index
        %get3A_406 = tpu.vector_load %arg16[%get3A_404, %get3A_405] {strides = array<i32>} : memref<256x32xf32, #tpu.memory_space<vmem>>, vector<1x16xf32>,
        %get3A_407 = vector.shape_cast %get3A_406 : vector<1x16xf32> to vector<16xf32>
        %get3A_408 = arith.index_cast %add3A_363 : i32 to index
        %get3A_409 = arith.constant 16 : index
        %get3A_410 = tpu.vector_load %arg17[%get3A_408, %get3A_409] {strides = array<i32>} : memref<256x32xf32, #tpu.memory_space<vmem>>, vector<1x16xf32>,
        %get3A_411 = vector.shape_cast %get3A_410 : vector<1x16xf32> to vector<16xf32>
        %get3A_412 = arith.index_cast %add3A_363 : i32 to index
        %get3A_413 = arith.constant 16 : index
        %get3A_414 = tpu.vector_load %arg18[%get3A_412, %get3A_413] {strides = array<i32>} : memref<256x32xf32, #tpu.memory_space<vmem>>, vector<1x16xf32>,
        %get3A_415 = vector.shape_cast %get3A_414 : vector<1x16xf32> to vector<16xf32>
        %get3A_416 = arith.index_cast %add3A_363 : i32 to index
        %get3A_417 = arith.constant 16 : index
        %get3A_418 = tpu.vector_load %arg19[%get3A_416, %get3A_417] {strides = array<i32>} : memref<256x32xf32, #tpu.memory_space<vmem>>, vector<1x16xf32>,
        %get3A_419 = vector.shape_cast %get3A_418 : vector<1x16xf32> to vector<16xf32>
        %mul3A_420 = vector.broadcast %squeeze3A_365 : f32 to vector<16xf32>
        %mul3A_421 = arith.mulf %mul3A_420, %get3A_407 : vector<16xf32>
        %mul3A_422 = vector.broadcast %squeeze3A_367 : f32 to vector<16xf32>
        %mul3A_423 = arith.mulf %mul3A_422, %get3A_411 : vector<16xf32>
        %add3A_424 = arith.addf %mul3A_421, %mul3A_423 : vector<16xf32>
        %mul3A_425 = vector.broadcast %squeeze3A_369 : f32 to vector<16xf32>
        %mul3A_426 = arith.mulf %mul3A_425, %get3A_415 : vector<16xf32>
        %add3A_427 = arith.addf %add3A_424, %mul3A_426 : vector<16xf32>
        %mul3A_428 = vector.broadcast %squeeze3A_371 : f32 to vector<16xf32>
        %mul3A_429 = arith.mulf %mul3A_428, %get3A_419 : vector<16xf32>
        %add3A_430 = arith.addf %add3A_427, %mul3A_429 : vector<16xf32>
        %swap3A_431 = arith.index_cast %add3A_363 : i32 to index
        %swap3A_432 = arith.constant 16 : index
        %swap3A_433 = tpu.vector_load %arg20[%swap3A_431, %swap3A_432] {strides = array<i32>} : memref<256x32xf32, #tpu.memory_space<vmem>>, vector<1x16xf32>,
        %swap3A_434 = vector.shape_cast %swap3A_433 : vector<1x16xf32> to vector<16xf32>
        %swap3A_435 = vector.shape_cast %add3A_430 : vector<16xf32> to vector<1x16xf32>
        tpu.vector_store %arg20[%swap3A_431, %swap3A_432], %swap3A_435 {strides = array<i32>} : memref<256x32xf32, #tpu.memory_space<vmem>>, vector<1x16xf32>,
        %add3A_436 = arith.constant 3 : i32
        %add3A_437 = arith.addi %mul3A_205, %add3A_436 : i32
        %slice3A_438 = vector.extract_strided_slice %get3A_207 {offsets = [3], sizes = [1], strides = [1]} : vector<16xf32> to vector<1xf32>
        %squeeze3A_439 = vector.extract %slice3A_438[0] : f32 from vector<1xf32>
        %slice3A_440 = vector.extract_strided_slice %get3A_210 {offsets = [3], sizes = [1], strides = [1]} : vector<16xf32> to vector<1xf32>
        %squeeze3A_441 = vector.extract %slice3A_440[0] : f32 from vector<1xf32>
        %slice3A_442 = vector.extract_strided_slice %get3A_213 {offsets = [3], sizes = [1], strides = [1]} : vector<16xf32> to vector<1xf32>
        %squeeze3A_443 = vector.extract %slice3A_442[0] : f32 from vector<1xf32>
        %slice3A_444 = vector.extract_strided_slice %get3A_216 {offsets = [3], sizes = [1], strides = [1]} : vector<16xf32> to vector<1xf32>
        %squeeze3A_445 = vector.extract %slice3A_444[0] : f32 from vector<1xf32>
        %get3A_446 = arith.index_cast %add3A_437 : i32 to index
        %get3A_447 = arith.constant 0 : index
        %get3A_448 = tpu.vector_load %arg16[%get3A_446, %get3A_447] {strides = array<i32>} : memref<256x32xf32, #tpu.memory_space<vmem>>, vector<1x16xf32>,
        %get3A_449 = vector.shape_cast %get3A_448 : vector<1x16xf32> to vector<16xf32>
        %get3A_450 = arith.index_cast %add3A_437 : i32 to index
        %get3A_451 = arith.constant 0 : index
        %get3A_452 = tpu.vector_load %arg17[%get3A_450, %get3A_451] {strides = array<i32>} : memref<256x32xf32, #tpu.memory_space<vmem>>, vector<1x16xf32>,
        %get3A_453 = vector.shape_cast %get3A_452 : vector<1x16xf32> to vector<16xf32>
        %get3A_454 = arith.index_cast %add3A_437 : i32 to index
        %get3A_455 = arith.constant 0 : index
        %get3A_456 = tpu.vector_load %arg18[%get3A_454, %get3A_455] {strides = array<i32>} : memref<256x32xf32, #tpu.memory_space<vmem>>, vector<1x16xf32>,
        %get3A_457 = vector.shape_cast %get3A_456 : vector<1x16xf32> to vector<16xf32>
        %get3A_458 = arith.index_cast %add3A_437 : i32 to index
        %get3A_459 = arith.constant 0 : index
        %get3A_460 = tpu.vector_load %arg19[%get3A_458, %get3A_459] {strides = array<i32>} : memref<256x32xf32, #tpu.memory_space<vmem>>, vector<1x16xf32>,
        %get3A_461 = vector.shape_cast %get3A_460 : vector<1x16xf32> to vector<16xf32>
        %mul3A_462 = vector.broadcast %squeeze3A_439 : f32 to vector<16xf32>
        %mul3A_463 = arith.mulf %mul3A_462, %get3A_449 : vector<16xf32>
        %mul3A_464 = vector.broadcast %squeeze3A_441 : f32 to vector<16xf32>
        %mul3A_465 = arith.mulf %mul3A_464, %get3A_453 : vector<16xf32>
        %add3A_466 = arith.addf %mul3A_463, %mul3A_465 : vector<16xf32>
        %mul3A_467 = vector.broadcast %squeeze3A_443 : f32 to vector<16xf32>
        %mul3A_468 = arith.mulf %mul3A_467, %get3A_457 : vector<16xf32>
        %add3A_469 = arith.addf %add3A_466, %mul3A_468 : vector<16xf32>
        %mul3A_470 = vector.broadcast %squeeze3A_445 : f32 to vector<16xf32>
        %mul3A_471 = arith.mulf %mul3A_470, %get3A_461 : vector<16xf32>
        %add3A_472 = arith.addf %add3A_469, %mul3A_471 : vector<16xf32>
        %swap3A_473 = arith.index_cast %add3A_437 : i32 to index
        %swap3A_474 = arith.constant 0 : index
        %swap3A_475 = tpu.vector_load %arg20[%swap3A_473, %swap3A_474] {strides = array<i32>} : memref<256x32xf32, #tpu.memory_space<vmem>>, vector<1x16xf32>,
        %swap3A_476 = vector.shape_cast %swap3A_475 : vector<1x16xf32> to vector<16xf32>
        %swap3A_477 = vector.shape_cast %add3A_472 : vector<16xf32> to vector<1x16xf32>
        tpu.vector_store %arg20[%swap3A_473, %swap3A_474], %swap3A_477 {strides = array<i32>} : memref<256x32xf32, #tpu.memory_space<vmem>>, vector<1x16xf32>,
        %get3A_478 = arith.index_cast %add3A_437 : i32 to index
        %get3A_479 = arith.constant 16 : index
        %get3A_480 = tpu.vector_load %arg16[%get3A_478, %get3A_479] {strides = array<i32>} : memref<256x32xf32, #tpu.memory_space<vmem>>, vector<1x16xf32>,
        %get3A_481 = vector.shape_cast %get3A_480 : vector<1x16xf32> to vector<16xf32>
        %get3A_482 = arith.index_cast %add3A_437 : i32 to index
        %get3A_483 = arith.constant 16 : index
        %get3A_484 = tpu.vector_load %arg17[%get3A_482, %get3A_483] {strides = array<i32>} : memref<256x32xf32, #tpu.memory_space<vmem>>, vector<1x16xf32>,
        %get3A_485 = vector.shape_cast %get3A_484 : vector<1x16xf32> to vector<16xf32>
        %get3A_486 = arith.index_cast %add3A_437 : i32 to index
        %get3A_487 = arith.constant 16 : index
        %get3A_488 = tpu.vector_load %arg18[%get3A_486, %get3A_487] {strides = array<i32>} : memref<256x32xf32, #tpu.memory_space<vmem>>, vector<1x16xf32>,
        %get3A_489 = vector.shape_cast %get3A_488 : vector<1x16xf32> to vector<16xf32>
        %get3A_490 = arith.index_cast %add3A_437 : i32 to index
        %get3A_491 = arith.constant 16 : index
        %get3A_492 = tpu.vector_load %arg19[%get3A_490, %get3A_491] {strides = array<i32>} : memref<256x32xf32, #tpu.memory_space<vmem>>, vector<1x16xf32>,
        %get3A_493 = vector.shape_cast %get3A_492 : vector<1x16xf32> to vector<16xf32>
        %mul3A_494 = vector.broadcast %squeeze3A_439 : f32 to vector<16xf32>
        %mul3A_495 = arith.mulf %mul3A_494, %get3A_481 : vector<16xf32>
        %mul3A_496 = vector.broadcast %squeeze3A_441 : f32 to vector<16xf32>
        %mul3A_497 = arith.mulf %mul3A_496, %get3A_485 : vector<16xf32>
        %add3A_498 = arith.addf %mul3A_495, %mul3A_497 : vector<16xf32>
        %mul3A_499 = vector.broadcast %squeeze3A_443 : f32 to vector<16xf32>
        %mul3A_500 = arith.mulf %mul3A_499, %get3A_489 : vector<16xf32>
        %add3A_501 = arith.addf %add3A_498, %mul3A_500 : vector<16xf32>
        %mul3A_502 = vector.broadcast %squeeze3A_445 : f32 to vector<16xf32>
        %mul3A_503 = arith.mulf %mul3A_502, %get3A_493 : vector<16xf32>
        %add3A_504 = arith.addf %add3A_501, %mul3A_503 : vector<16xf32>
        %swap3A_505 = arith.index_cast %add3A_437 : i32 to index
        %swap3A_506 = arith.constant 16 : index
        %swap3A_507 = tpu.vector_load %arg20[%swap3A_505, %swap3A_506] {strides = array<i32>} : memref<256x32xf32, #tpu.memory_space<vmem>>, vector<1x16xf32>,
        %swap3A_508 = vector.shape_cast %swap3A_507 : vector<1x16xf32> to vector<16xf32>
        %swap3A_509 = vector.shape_cast %add3A_504 : vector<16xf32> to vector<1x16xf32>
        tpu.vector_store %arg20[%swap3A_505, %swap3A_506], %swap3A_509 {strides = array<i32>} : memref<256x32xf32, #tpu.memory_space<vmem>>, vector<1x16xf32>,
        %add3A_510 = arith.constant 4 : i32
        %add3A_511 = arith.addi %mul3A_205, %add3A_510 : i32
        %slice3A_512 = vector.extract_strided_slice %get3A_207 {offsets = [4], sizes = [1], strides = [1]} : vector<16xf32> to vector<1xf32>
        %squeeze3A_513 = vector.extract %slice3A_512[0] : f32 from vector<1xf32>
        %slice3A_514 = vector.extract_strided_slice %get3A_210 {offsets = [4], sizes = [1], strides = [1]} : vector<16xf32> to vector<1xf32>
        %squeeze3A_515 = vector.extract %slice3A_514[0] : f32 from vector<1xf32>
        %slice3A_516 = vector.extract_strided_slice %get3A_213 {offsets = [4], sizes = [1], strides = [1]} : vector<16xf32> to vector<1xf32>
        %squeeze3A_517 = vector.extract %slice3A_516[0] : f32 from vector<1xf32>
        %slice3A_518 = vector.extract_strided_slice %get3A_216 {offsets = [4], sizes = [1], strides = [1]} : vector<16xf32> to vector<1xf32>
        %squeeze3A_519 = vector.extract %slice3A_518[0] : f32 from vector<1xf32>
        %get3A_520 = arith.index_cast %add3A_511 : i32 to index
        %get3A_521 = arith.constant 0 : index
        %get3A_522 = tpu.vector_load %arg16[%get3A_520, %get3A_521] {strides = array<i32>} : memref<256x32xf32, #tpu.memory_space<vmem>>, vector<1x16xf32>,
        %get3A_523 = vector.shape_cast %get3A_522 : vector<1x16xf32> to vector<16xf32>
        %get3A_524 = arith.index_cast %add3A_511 : i32 to index
        %get3A_525 = arith.constant 0 : index
        %get3A_526 = tpu.vector_load %arg17[%get3A_524, %get3A_525] {strides = array<i32>} : memref<256x32xf32, #tpu.memory_space<vmem>>, vector<1x16xf32>,
        %get3A_527 = vector.shape_cast %get3A_526 : vector<1x16xf32> to vector<16xf32>
        %get3A_528 = arith.index_cast %add3A_511 : i32 to index
        %get3A_529 = arith.constant 0 : index
        %get3A_530 = tpu.vector_load %arg18[%get3A_528, %get3A_529] {strides = array<i32>} : memref<256x32xf32, #tpu.memory_space<vmem>>, vector<1x16xf32>,
        %get3A_531 = vector.shape_cast %get3A_530 : vector<1x16xf32> to vector<16xf32>
        %get3A_532 = arith.index_cast %add3A_511 : i32 to index
        %get3A_533 = arith.constant 0 : index
        %get3A_534 = tpu.vector_load %arg19[%get3A_532, %get3A_533] {strides = array<i32>} : memref<256x32xf32, #tpu.memory_space<vmem>>, vector<1x16xf32>,
        %get3A_535 = vector.shape_cast %get3A_534 : vector<1x16xf32> to vector<16xf32>
        %mul3A_536 = vector.broadcast %squeeze3A_513 : f32 to vector<16xf32>
        %mul3A_537 = arith.mulf %mul3A_536, %get3A_523 : vector<16xf32>
        %mul3A_538 = vector.broadcast %squeeze3A_515 : f32 to vector<16xf32>
        %mul3A_539 = arith.mulf %mul3A_538, %get3A_527 : vector<16xf32>
        %add3A_540 = arith.addf %mul3A_537, %mul3A_539 : vector<16xf32>
        %mul3A_541 = vector.broadcast %squeeze3A_517 : f32 to vector<16xf32>
        %mul3A_542 = arith.mulf %mul3A_541, %get3A_531 : vector<16xf32>
        %add3A_543 = arith.addf %add3A_540, %mul3A_542 : vector<16xf32>
        %mul3A_544 = vector.broadcast %squeeze3A_519 : f32 to vector<16xf32>
        %mul3A_545 = arith.mulf %mul3A_544, %get3A_535 : vector<16xf32>
        %add3A_546 = arith.addf %add3A_543, %mul3A_545 : vector<16xf32>
        %swap3A_547 = arith.index_cast %add3A_511 : i32 to index
        %swap3A_548 = arith.constant 0 : index
        %swap3A_549 = tpu.vector_load %arg20[%swap3A_547, %swap3A_548] {strides = array<i32>} : memref<256x32xf32, #tpu.memory_space<vmem>>, vector<1x16xf32>,
        %swap3A_550 = vector.shape_cast %swap3A_549 : vector<1x16xf32> to vector<16xf32>
        %swap3A_551 = vector.shape_cast %add3A_546 : vector<16xf32> to vector<1x16xf32>
        tpu.vector_store %arg20[%swap3A_547, %swap3A_548], %swap3A_551 {strides = array<i32>} : memref<256x32xf32, #tpu.memory_space<vmem>>, vector<1x16xf32>,
        %get3A_552 = arith.index_cast %add3A_511 : i32 to index
        %get3A_553 = arith.constant 16 : index
        %get3A_554 = tpu.vector_load %arg16[%get3A_552, %get3A_553] {strides = array<i32>} : memref<256x32xf32, #tpu.memory_space<vmem>>, vector<1x16xf32>,
        %get3A_555 = vector.shape_cast %get3A_554 : vector<1x16xf32> to vector<16xf32>
        %get3A_556 = arith.index_cast %add3A_511 : i32 to index
        %get3A_557 = arith.constant 16 : index
        %get3A_558 = tpu.vector_load %arg17[%get3A_556, %get3A_557] {strides = array<i32>} : memref<256x32xf32, #tpu.memory_space<vmem>>, vector<1x16xf32>,
        %get3A_559 = vector.shape_cast %get3A_558 : vector<1x16xf32> to vector<16xf32>
        %get3A_560 = arith.index_cast %add3A_511 : i32 to index
        %get3A_561 = arith.constant 16 : index
        %get3A_562 = tpu.vector_load %arg18[%get3A_560, %get3A_561] {strides = array<i32>} : memref<256x32xf32, #tpu.memory_space<vmem>>, vector<1x16xf32>,
        %get3A_563 = vector.shape_cast %get3A_562 : vector<1x16xf32> to vector<16xf32>
        %get3A_564 = arith.index_cast %add3A_511 : i32 to index
        %get3A_565 = arith.constant 16 : index
        %get3A_566 = tpu.vector_load %arg19[%get3A_564, %get3A_565] {strides = array<i32>} : memref<256x32xf32, #tpu.memory_space<vmem>>, vector<1x16xf32>,
        %get3A_567 = vector.shape_cast %get3A_566 : vector<1x16xf32> to vector<16xf32>
        %mul3A_568 = vector.broadcast %squeeze3A_513 : f32 to vector<16xf32>
        %mul3A_569 = arith.mulf %mul3A_568, %get3A_555 : vector<16xf32>
        %mul3A_570 = vector.broadcast %squeeze3A_515 : f32 to vector<16xf32>
        %mul3A_571 = arith.mulf %mul3A_570, %get3A_559 : vector<16xf32>
        %add3A_572 = arith.addf %mul3A_569, %mul3A_571 : vector<16xf32>
        %mul3A_573 = vector.broadcast %squeeze3A_517 : f32 to vector<16xf32>
        %mul3A_574 = arith.mulf %mul3A_573, %get3A_563 : vector<16xf32>
        %add3A_575 = arith.addf %add3A_572, %mul3A_574 : vector<16xf32>
        %mul3A_576 = vector.broadcast %squeeze3A_519 : f32 to vector<16xf32>
        %mul3A_577 = arith.mulf %mul3A_576, %get3A_567 : vector<16xf32>
        %add3A_578 = arith.addf %add3A_575, %mul3A_577 : vector<16xf32>
        %swap3A_579 = arith.index_cast %add3A_511 : i32 to index
        %swap3A_580 = arith.constant 16 : index
        %swap3A_581 = tpu.vector_load %arg20[%swap3A_579, %swap3A_580] {strides = array<i32>} : memref<256x32xf32, #tpu.memory_space<vmem>>, vector<1x16xf32>,
        %swap3A_582 = vector.shape_cast %swap3A_581 : vector<1x16xf32> to vector<16xf32>
        %swap3A_583 = vector.shape_cast %add3A_578 : vector<16xf32> to vector<1x16xf32>
        tpu.vector_store %arg20[%swap3A_579, %swap3A_580], %swap3A_583 {strides = array<i32>} : memref<256x32xf32, #tpu.memory_space<vmem>>, vector<1x16xf32>,
        %add3A_584 = arith.constant 5 : i32
        %add3A_585 = arith.addi %mul3A_205, %add3A_584 : i32
        %slice3A_586 = vector.extract_strided_slice %get3A_207 {offsets = [5], sizes = [1], strides = [1]} : vector<16xf32> to vector<1xf32>
        %squeeze3A_587 = vector.extract %slice3A_586[0] : f32 from vector<1xf32>
        %slice3A_588 = vector.extract_strided_slice %get3A_210 {offsets = [5], sizes = [1], strides = [1]} : vector<16xf32> to vector<1xf32>
        %squeeze3A_589 = vector.extract %slice3A_588[0] : f32 from vector<1xf32>
        %slice3A_590 = vector.extract_strided_slice %get3A_213 {offsets = [5], sizes = [1], strides = [1]} : vector<16xf32> to vector<1xf32>
        %squeeze3A_591 = vector.extract %slice3A_590[0] : f32 from vector<1xf32>
        %slice3A_592 = vector.extract_strided_slice %get3A_216 {offsets = [5], sizes = [1], strides = [1]} : vector<16xf32> to vector<1xf32>
        %squeeze3A_593 = vector.extract %slice3A_592[0] : f32 from vector<1xf32>
        %get3A_594 = arith.index_cast %add3A_585 : i32 to index
        %get3A_595 = arith.constant 0 : index
        %get3A_596 = tpu.vector_load %arg16[%get3A_594, %get3A_595] {strides = array<i32>} : memref<256x32xf32, #tpu.memory_space<vmem>>, vector<1x16xf32>,
        %get3A_597 = vector.shape_cast %get3A_596 : vector<1x16xf32> to vector<16xf32>
        %get3A_598 = arith.index_cast %add3A_585 : i32 to index
        %get3A_599 = arith.constant 0 : index
        %get3A_600 = tpu.vector_load %arg17[%get3A_598, %get3A_599] {strides = array<i32>} : memref<256x32xf32, #tpu.memory_space<vmem>>, vector<1x16xf32>,
        %get3A_601 = vector.shape_cast %get3A_600 : vector<1x16xf32> to vector<16xf32>
        %get3A_602 = arith.index_cast %add3A_585 : i32 to index
        %get3A_603 = arith.constant 0 : index
        %get3A_604 = tpu.vector_load %arg18[%get3A_602, %get3A_603] {strides = array<i32>} : memref<256x32xf32, #tpu.memory_space<vmem>>, vector<1x16xf32>,
        %get3A_605 = vector.shape_cast %get3A_604 : vector<1x16xf32> to vector<16xf32>
        %get3A_606 = arith.index_cast %add3A_585 : i32 to index
        %get3A_607 = arith.constant 0 : index
        %get3A_608 = tpu.vector_load %arg19[%get3A_606, %get3A_607] {strides = array<i32>} : memref<256x32xf32, #tpu.memory_space<vmem>>, vector<1x16xf32>,
        %get3A_609 = vector.shape_cast %get3A_608 : vector<1x16xf32> to vector<16xf32>
        %mul3A_610 = vector.broadcast %squeeze3A_587 : f32 to vector<16xf32>
        %mul3A_611 = arith.mulf %mul3A_610, %get3A_597 : vector<16xf32>
        %mul3A_612 = vector.broadcast %squeeze3A_589 : f32 to vector<16xf32>
        %mul3A_613 = arith.mulf %mul3A_612, %get3A_601 : vector<16xf32>
        %add3A_614 = arith.addf %mul3A_611, %mul3A_613 : vector<16xf32>
        %mul3A_615 = vector.broadcast %squeeze3A_591 : f32 to vector<16xf32>
        %mul3A_616 = arith.mulf %mul3A_615, %get3A_605 : vector<16xf32>
        %add3A_617 = arith.addf %add3A_614, %mul3A_616 : vector<16xf32>
        %mul3A_618 = vector.broadcast %squeeze3A_593 : f32 to vector<16xf32>
        %mul3A_619 = arith.mulf %mul3A_618, %get3A_609 : vector<16xf32>
        %add3A_620 = arith.addf %add3A_617, %mul3A_619 : vector<16xf32>
        %swap3A_621 = arith.index_cast %add3A_585 : i32 to index
        %swap3A_622 = arith.constant 0 : index
        %swap3A_623 = tpu.vector_load %arg20[%swap3A_621, %swap3A_622] {strides = array<i32>} : memref<256x32xf32, #tpu.memory_space<vmem>>, vector<1x16xf32>,
        %swap3A_624 = vector.shape_cast %swap3A_623 : vector<1x16xf32> to vector<16xf32>
        %swap3A_625 = vector.shape_cast %add3A_620 : vector<16xf32> to vector<1x16xf32>
        tpu.vector_store %arg20[%swap3A_621, %swap3A_622], %swap3A_625 {strides = array<i32>} : memref<256x32xf32, #tpu.memory_space<vmem>>, vector<1x16xf32>,
        %get3A_626 = arith.index_cast %add3A_585 : i32 to index
        %get3A_627 = arith.constant 16 : index
        %get3A_628 = tpu.vector_load %arg16[%get3A_626, %get3A_627] {strides = array<i32>} : memref<256x32xf32, #tpu.memory_space<vmem>>, vector<1x16xf32>,
        %get3A_629 = vector.shape_cast %get3A_628 : vector<1x16xf32> to vector<16xf32>
        %get3A_630 = arith.index_cast %add3A_585 : i32 to index
        %get3A_631 = arith.constant 16 : index
        %get3A_632 = tpu.vector_load %arg17[%get3A_630, %get3A_631] {strides = array<i32>} : memref<256x32xf32, #tpu.memory_space<vmem>>, vector<1x16xf32>,
        %get3A_633 = vector.shape_cast %get3A_632 : vector<1x16xf32> to vector<16xf32>
        %get3A_634 = arith.index_cast %add3A_585 : i32 to index
        %get3A_635 = arith.constant 16 : index
        %get3A_636 = tpu.vector_load %arg18[%get3A_634, %get3A_635] {strides = array<i32>} : memref<256x32xf32, #tpu.memory_space<vmem>>, vector<1x16xf32>,
        %get3A_637 = vector.shape_cast %get3A_636 : vector<1x16xf32> to vector<16xf32>
        %get3A_638 = arith.index_cast %add3A_585 : i32 to index
        %get3A_639 = arith.constant 16 : index
        %get3A_640 = tpu.vector_load %arg19[%get3A_638, %get3A_639] {strides = array<i32>} : memref<256x32xf32, #tpu.memory_space<vmem>>, vector<1x16xf32>,
        %get3A_641 = vector.shape_cast %get3A_640 : vector<1x16xf32> to vector<16xf32>
        %mul3A_642 = vector.broadcast %squeeze3A_587 : f32 to vector<16xf32>
        %mul3A_643 = arith.mulf %mul3A_642, %get3A_629 : vector<16xf32>
        %mul3A_644 = vector.broadcast %squeeze3A_589 : f32 to vector<16xf32>
        %mul3A_645 = arith.mulf %mul3A_644, %get3A_633 : vector<16xf32>
        %add3A_646 = arith.addf %mul3A_643, %mul3A_645 : vector<16xf32>
        %mul3A_647 = vector.broadcast %squeeze3A_591 : f32 to vector<16xf32>
        %mul3A_648 = arith.mulf %mul3A_647, %get3A_637 : vector<16xf32>
        %add3A_649 = arith.addf %add3A_646, %mul3A_648 : vector<16xf32>
        %mul3A_650 = vector.broadcast %squeeze3A_593 : f32 to vector<16xf32>
        %mul3A_651 = arith.mulf %mul3A_650, %get3A_641 : vector<16xf32>
        %add3A_652 = arith.addf %add3A_649, %mul3A_651 : vector<16xf32>
        %swap3A_653 = arith.index_cast %add3A_585 : i32 to index
        %swap3A_654 = arith.constant 16 : index
        %swap3A_655 = tpu.vector_load %arg20[%swap3A_653, %swap3A_654] {strides = array<i32>} : memref<256x32xf32, #tpu.memory_space<vmem>>, vector<1x16xf32>,
        %swap3A_656 = vector.shape_cast %swap3A_655 : vector<1x16xf32> to vector<16xf32>
        %swap3A_657 = vector.shape_cast %add3A_652 : vector<16xf32> to vector<1x16xf32>
        tpu.vector_store %arg20[%swap3A_653, %swap3A_654], %swap3A_657 {strides = array<i32>} : memref<256x32xf32, #tpu.memory_space<vmem>>, vector<1x16xf32>,
        %add3A_658 = arith.constant 6 : i32
        %add3A_659 = arith.addi %mul3A_205, %add3A_658 : i32
        %slice3A_660 = vector.extract_strided_slice %get3A_207 {offsets = [6], sizes = [1], strides = [1]} : vector<16xf32> to vector<1xf32>
        %squeeze3A_661 = vector.extract %slice3A_660[0] : f32 from vector<1xf32>
        %slice3A_662 = vector.extract_strided_slice %get3A_210 {offsets = [6], sizes = [1], strides = [1]} : vector<16xf32> to vector<1xf32>
        %squeeze3A_663 = vector.extract %slice3A_662[0] : f32 from vector<1xf32>
        %slice3A_664 = vector.extract_strided_slice %get3A_213 {offsets = [6], sizes = [1], strides = [1]} : vector<16xf32> to vector<1xf32>
        %squeeze3A_665 = vector.extract %slice3A_664[0] : f32 from vector<1xf32>
        %slice3A_666 = vector.extract_strided_slice %get3A_216 {offsets = [6], sizes = [1], strides = [1]} : vector<16xf32> to vector<1xf32>
        %squeeze3A_667 = vector.extract %slice3A_666[0] : f32 from vector<1xf32>
        %get3A_668 = arith.index_cast %add3A_659 : i32 to index
        %get3A_669 = arith.constant 0 : index
        %get3A_670 = tpu.vector_load %arg16[%get3A_668, %get3A_669] {strides = array<i32>} : memref<256x32xf32, #tpu.memory_space<vmem>>, vector<1x16xf32>,
        %get3A_671 = vector.shape_cast %get3A_670 : vector<1x16xf32> to vector<16xf32>
        %get3A_672 = arith.index_cast %add3A_659 : i32 to index
        %get3A_673 = arith.constant 0 : index
        %get3A_674 = tpu.vector_load %arg17[%get3A_672, %get3A_673] {strides = array<i32>} : memref<256x32xf32, #tpu.memory_space<vmem>>, vector<1x16xf32>,
        %get3A_675 = vector.shape_cast %get3A_674 : vector<1x16xf32> to vector<16xf32>
        %get3A_676 = arith.index_cast %add3A_659 : i32 to index
        %get3A_677 = arith.constant 0 : index
        %get3A_678 = tpu.vector_load %arg18[%get3A_676, %get3A_677] {strides = array<i32>} : memref<256x32xf32, #tpu.memory_space<vmem>>, vector<1x16xf32>,
        %get3A_679 = vector.shape_cast %get3A_678 : vector<1x16xf32> to vector<16xf32>
        %get3A_680 = arith.index_cast %add3A_659 : i32 to index
        %get3A_681 = arith.constant 0 : index
        %get3A_682 = tpu.vector_load %arg19[%get3A_680, %get3A_681] {strides = array<i32>} : memref<256x32xf32, #tpu.memory_space<vmem>>, vector<1x16xf32>,
        %get3A_683 = vector.shape_cast %get3A_682 : vector<1x16xf32> to vector<16xf32>
        %mul3A_684 = vector.broadcast %squeeze3A_661 : f32 to vector<16xf32>
        %mul3A_685 = arith.mulf %mul3A_684, %get3A_671 : vector<16xf32>
        %mul3A_686 = vector.broadcast %squeeze3A_663 : f32 to vector<16xf32>
        %mul3A_687 = arith.mulf %mul3A_686, %get3A_675 : vector<16xf32>
        %add3A_688 = arith.addf %mul3A_685, %mul3A_687 : vector<16xf32>
        %mul3A_689 = vector.broadcast %squeeze3A_665 : f32 to vector<16xf32>
        %mul3A_690 = arith.mulf %mul3A_689, %get3A_679 : vector<16xf32>
        %add3A_691 = arith.addf %add3A_688, %mul3A_690 : vector<16xf32>
        %mul3A_692 = vector.broadcast %squeeze3A_667 : f32 to vector<16xf32>
        %mul3A_693 = arith.mulf %mul3A_692, %get3A_683 : vector<16xf32>
        %add3A_694 = arith.addf %add3A_691, %mul3A_693 : vector<16xf32>
        %swap3A_695 = arith.index_cast %add3A_659 : i32 to index
        %swap3A_696 = arith.constant 0 : index
        %swap3A_697 = tpu.vector_load %arg20[%swap3A_695, %swap3A_696] {strides = array<i32>} : memref<256x32xf32, #tpu.memory_space<vmem>>, vector<1x16xf32>,
        %swap3A_698 = vector.shape_cast %swap3A_697 : vector<1x16xf32> to vector<16xf32>
        %swap3A_699 = vector.shape_cast %add3A_694 : vector<16xf32> to vector<1x16xf32>
        tpu.vector_store %arg20[%swap3A_695, %swap3A_696], %swap3A_699 {strides = array<i32>} : memref<256x32xf32, #tpu.memory_space<vmem>>, vector<1x16xf32>,
        %get3A_700 = arith.index_cast %add3A_659 : i32 to index
        %get3A_701 = arith.constant 16 : index
        %get3A_702 = tpu.vector_load %arg16[%get3A_700, %get3A_701] {strides = array<i32>} : memref<256x32xf32, #tpu.memory_space<vmem>>, vector<1x16xf32>,
        %get3A_703 = vector.shape_cast %get3A_702 : vector<1x16xf32> to vector<16xf32>
        %get3A_704 = arith.index_cast %add3A_659 : i32 to index
        %get3A_705 = arith.constant 16 : index
        %get3A_706 = tpu.vector_load %arg17[%get3A_704, %get3A_705] {strides = array<i32>} : memref<256x32xf32, #tpu.memory_space<vmem>>, vector<1x16xf32>,
        %get3A_707 = vector.shape_cast %get3A_706 : vector<1x16xf32> to vector<16xf32>
        %get3A_708 = arith.index_cast %add3A_659 : i32 to index
        %get3A_709 = arith.constant 16 : index
        %get3A_710 = tpu.vector_load %arg18[%get3A_708, %get3A_709] {strides = array<i32>} : memref<256x32xf32, #tpu.memory_space<vmem>>, vector<1x16xf32>,
        %get3A_711 = vector.shape_cast %get3A_710 : vector<1x16xf32> to vector<16xf32>
        %get3A_712 = arith.index_cast %add3A_659 : i32 to index
        %get3A_713 = arith.constant 16 : index
        %get3A_714 = tpu.vector_load %arg19[%get3A_712, %get3A_713] {strides = array<i32>} : memref<256x32xf32, #tpu.memory_space<vmem>>, vector<1x16xf32>,
        %get3A_715 = vector.shape_cast %get3A_714 : vector<1x16xf32> to vector<16xf32>
        %mul3A_716 = vector.broadcast %squeeze3A_661 : f32 to vector<16xf32>
        %mul3A_717 = arith.mulf %mul3A_716, %get3A_703 : vector<16xf32>
        %mul3A_718 = vector.broadcast %squeeze3A_663 : f32 to vector<16xf32>
        %mul3A_719 = arith.mulf %mul3A_718, %get3A_707 : vector<16xf32>
        %add3A_720 = arith.addf %mul3A_717, %mul3A_719 : vector<16xf32>
        %mul3A_721 = vector.broadcast %squeeze3A_665 : f32 to vector<16xf32>
        %mul3A_722 = arith.mulf %mul3A_721, %get3A_711 : vector<16xf32>
        %add3A_723 = arith.addf %add3A_720, %mul3A_722 : vector<16xf32>
        %mul3A_724 = vector.broadcast %squeeze3A_667 : f32 to vector<16xf32>
        %mul3A_725 = arith.mulf %mul3A_724, %get3A_715 : vector<16xf32>
        %add3A_726 = arith.addf %add3A_723, %mul3A_725 : vector<16xf32>
        %swap3A_727 = arith.index_cast %add3A_659 : i32 to index
        %swap3A_728 = arith.constant 16 : index
        %swap3A_729 = tpu.vector_load %arg20[%swap3A_727, %swap3A_728] {strides = array<i32>} : memref<256x32xf32, #tpu.memory_space<vmem>>, vector<1x16xf32>,
        %swap3A_730 = vector.shape_cast %swap3A_729 : vector<1x16xf32> to vector<16xf32>
        %swap3A_731 = vector.shape_cast %add3A_726 : vector<16xf32> to vector<1x16xf32>
        tpu.vector_store %arg20[%swap3A_727, %swap3A_728], %swap3A_731 {strides = array<i32>} : memref<256x32xf32, #tpu.memory_space<vmem>>, vector<1x16xf32>,
        %add3A_732 = arith.constant 7 : i32
        %add3A_733 = arith.addi %mul3A_205, %add3A_732 : i32
        %slice3A_734 = vector.extract_strided_slice %get3A_207 {offsets = [7], sizes = [1], strides = [1]} : vector<16xf32> to vector<1xf32>
        %squeeze3A_735 = vector.extract %slice3A_734[0] : f32 from vector<1xf32>
        %slice3A_736 = vector.extract_strided_slice %get3A_210 {offsets = [7], sizes = [1], strides = [1]} : vector<16xf32> to vector<1xf32>
        %squeeze3A_737 = vector.extract %slice3A_736[0] : f32 from vector<1xf32>
        %slice3A_738 = vector.extract_strided_slice %get3A_213 {offsets = [7], sizes = [1], strides = [1]} : vector<16xf32> to vector<1xf32>
        %squeeze3A_739 = vector.extract %slice3A_738[0] : f32 from vector<1xf32>
        %slice3A_740 = vector.extract_strided_slice %get3A_216 {offsets = [7], sizes = [1], strides = [1]} : vector<16xf32> to vector<1xf32>
        %squeeze3A_741 = vector.extract %slice3A_740[0] : f32 from vector<1xf32>
        %get3A_742 = arith.index_cast %add3A_733 : i32 to index
        %get3A_743 = arith.constant 0 : index
        %get3A_744 = tpu.vector_load %arg16[%get3A_742, %get3A_743] {strides = array<i32>} : memref<256x32xf32, #tpu.memory_space<vmem>>, vector<1x16xf32>,
        %get3A_745 = vector.shape_cast %get3A_744 : vector<1x16xf32> to vector<16xf32>
        %get3A_746 = arith.index_cast %add3A_733 : i32 to index
        %get3A_747 = arith.constant 0 : index
        %get3A_748 = tpu.vector_load %arg17[%get3A_746, %get3A_747] {strides = array<i32>} : memref<256x32xf32, #tpu.memory_space<vmem>>, vector<1x16xf32>,
        %get3A_749 = vector.shape_cast %get3A_748 : vector<1x16xf32> to vector<16xf32>
        %get3A_750 = arith.index_cast %add3A_733 : i32 to index
        %get3A_751 = arith.constant 0 : index
        %get3A_752 = tpu.vector_load %arg18[%get3A_750, %get3A_751] {strides = array<i32>} : memref<256x32xf32, #tpu.memory_space<vmem>>, vector<1x16xf32>,
        %get3A_753 = vector.shape_cast %get3A_752 : vector<1x16xf32> to vector<16xf32>
        %get3A_754 = arith.index_cast %add3A_733 : i32 to index
        %get3A_755 = arith.constant 0 : index
        %get3A_756 = tpu.vector_load %arg19[%get3A_754, %get3A_755] {strides = array<i32>} : memref<256x32xf32, #tpu.memory_space<vmem>>, vector<1x16xf32>,
        %get3A_757 = vector.shape_cast %get3A_756 : vector<1x16xf32> to vector<16xf32>
        %mul3A_758 = vector.broadcast %squeeze3A_735 : f32 to vector<16xf32>
        %mul3A_759 = arith.mulf %mul3A_758, %get3A_745 : vector<16xf32>
        %mul3A_760 = vector.broadcast %squeeze3A_737 : f32 to vector<16xf32>
        %mul3A_761 = arith.mulf %mul3A_760, %get3A_749 : vector<16xf32>
        %add3A_762 = arith.addf %mul3A_759, %mul3A_761 : vector<16xf32>
        %mul3A_763 = vector.broadcast %squeeze3A_739 : f32 to vector<16xf32>
        %mul3A_764 = arith.mulf %mul3A_763, %get3A_753 : vector<16xf32>
        %add3A_765 = arith.addf %add3A_762, %mul3A_764 : vector<16xf32>
        %mul3A_766 = vector.broadcast %squeeze3A_741 : f32 to vector<16xf32>
        %mul3A_767 = arith.mulf %mul3A_766, %get3A_757 : vector<16xf32>
        %add3A_768 = arith.addf %add3A_765, %mul3A_767 : vector<16xf32>
        %swap3A_769 = arith.index_cast %add3A_733 : i32 to index
        %swap3A_770 = arith.constant 0 : index
        %swap3A_771 = tpu.vector_load %arg20[%swap3A_769, %swap3A_770] {strides = array<i32>} : memref<256x32xf32, #tpu.memory_space<vmem>>, vector<1x16xf32>,
        %swap3A_772 = vector.shape_cast %swap3A_771 : vector<1x16xf32> to vector<16xf32>
        %swap3A_773 = vector.shape_cast %add3A_768 : vector<16xf32> to vector<1x16xf32>
        tpu.vector_store %arg20[%swap3A_769, %swap3A_770], %swap3A_773 {strides = array<i32>} : memref<256x32xf32, #tpu.memory_space<vmem>>, vector<1x16xf32>,
        %get3A_774 = arith.index_cast %add3A_733 : i32 to index
        %get3A_775 = arith.constant 16 : index
        %get3A_776 = tpu.vector_load %arg16[%get3A_774, %get3A_775] {strides = array<i32>} : memref<256x32xf32, #tpu.memory_space<vmem>>, vector<1x16xf32>,
        %get3A_777 = vector.shape_cast %get3A_776 : vector<1x16xf32> to vector<16xf32>
        %get3A_778 = arith.index_cast %add3A_733 : i32 to index
        %get3A_779 = arith.constant 16 : index
        %get3A_780 = tpu.vector_load %arg17[%get3A_778, %get3A_779] {strides = array<i32>} : memref<256x32xf32, #tpu.memory_space<vmem>>, vector<1x16xf32>,
        %get3A_781 = vector.shape_cast %get3A_780 : vector<1x16xf32> to vector<16xf32>
        %get3A_782 = arith.index_cast %add3A_733 : i32 to index
        %get3A_783 = arith.constant 16 : index
        %get3A_784 = tpu.vector_load %arg18[%get3A_782, %get3A_783] {strides = array<i32>} : memref<256x32xf32, #tpu.memory_space<vmem>>, vector<1x16xf32>,
        %get3A_785 = vector.shape_cast %get3A_784 : vector<1x16xf32> to vector<16xf32>
        %get3A_786 = arith.index_cast %add3A_733 : i32 to index
        %get3A_787 = arith.constant 16 : index
        %get3A_788 = tpu.vector_load %arg19[%get3A_786, %get3A_787] {strides = array<i32>} : memref<256x32xf32, #tpu.memory_space<vmem>>, vector<1x16xf32>,
        %get3A_789 = vector.shape_cast %get3A_788 : vector<1x16xf32> to vector<16xf32>
        %mul3A_790 = vector.broadcast %squeeze3A_735 : f32 to vector<16xf32>
        %mul3A_791 = arith.mulf %mul3A_790, %get3A_777 : vector<16xf32>
        %mul3A_792 = vector.broadcast %squeeze3A_737 : f32 to vector<16xf32>
        %mul3A_793 = arith.mulf %mul3A_792, %get3A_781 : vector<16xf32>
        %add3A_794 = arith.addf %mul3A_791, %mul3A_793 : vector<16xf32>
        %mul3A_795 = vector.broadcast %squeeze3A_739 : f32 to vector<16xf32>
        %mul3A_796 = arith.mulf %mul3A_795, %get3A_785 : vector<16xf32>
        %add3A_797 = arith.addf %add3A_794, %mul3A_796 : vector<16xf32>
        %mul3A_798 = vector.broadcast %squeeze3A_741 : f32 to vector<16xf32>
        %mul3A_799 = arith.mulf %mul3A_798, %get3A_789 : vector<16xf32>
        %add3A_800 = arith.addf %add3A_797, %mul3A_799 : vector<16xf32>
        %swap3A_801 = arith.index_cast %add3A_733 : i32 to index
        %swap3A_802 = arith.constant 16 : index
        %swap3A_803 = tpu.vector_load %arg20[%swap3A_801, %swap3A_802] {strides = array<i32>} : memref<256x32xf32, #tpu.memory_space<vmem>>, vector<1x16xf32>,
        %swap3A_804 = vector.shape_cast %swap3A_803 : vector<1x16xf32> to vector<16xf32>
        %swap3A_805 = vector.shape_cast %add3A_800 : vector<16xf32> to vector<1x16xf32>
        tpu.vector_store %arg20[%swap3A_801, %swap3A_802], %swap3A_805 {strides = array<i32>} : memref<256x32xf32, #tpu.memory_space<vmem>>, vector<1x16xf32>,
        %add3A_806 = arith.constant 8 : i32
        %add3A_807 = arith.addi %mul3A_205, %add3A_806 : i32
        %slice3A_808 = vector.extract_strided_slice %get3A_207 {offsets = [8], sizes = [1], strides = [1]} : vector<16xf32> to vector<1xf32>
        %squeeze3A_809 = vector.extract %slice3A_808[0] : f32 from vector<1xf32>
        %slice3A_810 = vector.extract_strided_slice %get3A_210 {offsets = [8], sizes = [1], strides = [1]} : vector<16xf32> to vector<1xf32>
        %squeeze3A_811 = vector.extract %slice3A_810[0] : f32 from vector<1xf32>
        %slice3A_812 = vector.extract_strided_slice %get3A_213 {offsets = [8], sizes = [1], strides = [1]} : vector<16xf32> to vector<1xf32>
        %squeeze3A_813 = vector.extract %slice3A_812[0] : f32 from vector<1xf32>
        %slice3A_814 = vector.extract_strided_slice %get3A_216 {offsets = [8], sizes = [1], strides = [1]} : vector<16xf32> to vector<1xf32>
        %squeeze3A_815 = vector.extract %slice3A_814[0] : f32 from vector<1xf32>
        %get3A_816 = arith.index_cast %add3A_807 : i32 to index
        %get3A_817 = arith.constant 0 : index
        %get3A_818 = tpu.vector_load %arg16[%get3A_816, %get3A_817] {strides = array<i32>} : memref<256x32xf32, #tpu.memory_space<vmem>>, vector<1x16xf32>,
        %get3A_819 = vector.shape_cast %get3A_818 : vector<1x16xf32> to vector<16xf32>
        %get3A_820 = arith.index_cast %add3A_807 : i32 to index
        %get3A_821 = arith.constant 0 : index
        %get3A_822 = tpu.vector_load %arg17[%get3A_820, %get3A_821] {strides = array<i32>} : memref<256x32xf32, #tpu.memory_space<vmem>>, vector<1x16xf32>,
        %get3A_823 = vector.shape_cast %get3A_822 : vector<1x16xf32> to vector<16xf32>
        %get3A_824 = arith.index_cast %add3A_807 : i32 to index
        %get3A_825 = arith.constant 0 : index
        %get3A_826 = tpu.vector_load %arg18[%get3A_824, %get3A_825] {strides = array<i32>} : memref<256x32xf32, #tpu.memory_space<vmem>>, vector<1x16xf32>,
        %get3A_827 = vector.shape_cast %get3A_826 : vector<1x16xf32> to vector<16xf32>
        %get3A_828 = arith.index_cast %add3A_807 : i32 to index
        %get3A_829 = arith.constant 0 : index
        %get3A_830 = tpu.vector_load %arg19[%get3A_828, %get3A_829] {strides = array<i32>} : memref<256x32xf32, #tpu.memory_space<vmem>>, vector<1x16xf32>,
        %get3A_831 = vector.shape_cast %get3A_830 : vector<1x16xf32> to vector<16xf32>
        %mul3A_832 = vector.broadcast %squeeze3A_809 : f32 to vector<16xf32>
        %mul3A_833 = arith.mulf %mul3A_832, %get3A_819 : vector<16xf32>
        %mul3A_834 = vector.broadcast %squeeze3A_811 : f32 to vector<16xf32>
        %mul3A_835 = arith.mulf %mul3A_834, %get3A_823 : vector<16xf32>
        %add3A_836 = arith.addf %mul3A_833, %mul3A_835 : vector<16xf32>
        %mul3A_837 = vector.broadcast %squeeze3A_813 : f32 to vector<16xf32>
        %mul3A_838 = arith.mulf %mul3A_837, %get3A_827 : vector<16xf32>
        %add3A_839 = arith.addf %add3A_836, %mul3A_838 : vector<16xf32>
        %mul3A_840 = vector.broadcast %squeeze3A_815 : f32 to vector<16xf32>
        %mul3A_841 = arith.mulf %mul3A_840, %get3A_831 : vector<16xf32>
        %add3A_842 = arith.addf %add3A_839, %mul3A_841 : vector<16xf32>
        %swap3A_843 = arith.index_cast %add3A_807 : i32 to index
        %swap3A_844 = arith.constant 0 : index
        %swap3A_845 = tpu.vector_load %arg20[%swap3A_843, %swap3A_844] {strides = array<i32>} : memref<256x32xf32, #tpu.memory_space<vmem>>, vector<1x16xf32>,
        %swap3A_846 = vector.shape_cast %swap3A_845 : vector<1x16xf32> to vector<16xf32>
        %swap3A_847 = vector.shape_cast %add3A_842 : vector<16xf32> to vector<1x16xf32>
        tpu.vector_store %arg20[%swap3A_843, %swap3A_844], %swap3A_847 {strides = array<i32>} : memref<256x32xf32, #tpu.memory_space<vmem>>, vector<1x16xf32>,
        %get3A_848 = arith.index_cast %add3A_807 : i32 to index
        %get3A_849 = arith.constant 16 : index
        %get3A_850 = tpu.vector_load %arg16[%get3A_848, %get3A_849] {strides = array<i32>} : memref<256x32xf32, #tpu.memory_space<vmem>>, vector<1x16xf32>,
        %get3A_851 = vector.shape_cast %get3A_850 : vector<1x16xf32> to vector<16xf32>
        %get3A_852 = arith.index_cast %add3A_807 : i32 to index
        %get3A_853 = arith.constant 16 : index
        %get3A_854 = tpu.vector_load %arg17[%get3A_852, %get3A_853] {strides = array<i32>} : memref<256x32xf32, #tpu.memory_space<vmem>>, vector<1x16xf32>,
        %get3A_855 = vector.shape_cast %get3A_854 : vector<1x16xf32> to vector<16xf32>
        %get3A_856 = arith.index_cast %add3A_807 : i32 to index
        %get3A_857 = arith.constant 16 : index
        %get3A_858 = tpu.vector_load %arg18[%get3A_856, %get3A_857] {strides = array<i32>} : memref<256x32xf32, #tpu.memory_space<vmem>>, vector<1x16xf32>,
        %get3A_859 = vector.shape_cast %get3A_858 : vector<1x16xf32> to vector<16xf32>
        %get3A_860 = arith.index_cast %add3A_807 : i32 to index
        %get3A_861 = arith.constant 16 : index
        %get3A_862 = tpu.vector_load %arg19[%get3A_860, %get3A_861] {strides = array<i32>} : memref<256x32xf32, #tpu.memory_space<vmem>>, vector<1x16xf32>,
        %get3A_863 = vector.shape_cast %get3A_862 : vector<1x16xf32> to vector<16xf32>
        %mul3A_864 = vector.broadcast %squeeze3A_809 : f32 to vector<16xf32>
        %mul3A_865 = arith.mulf %mul3A_864, %get3A_851 : vector<16xf32>
        %mul3A_866 = vector.broadcast %squeeze3A_811 : f32 to vector<16xf32>
        %mul3A_867 = arith.mulf %mul3A_866, %get3A_855 : vector<16xf32>
        %add3A_868 = arith.addf %mul3A_865, %mul3A_867 : vector<16xf32>
        %mul3A_869 = vector.broadcast %squeeze3A_813 : f32 to vector<16xf32>
        %mul3A_870 = arith.mulf %mul3A_869, %get3A_859 : vector<16xf32>
        %add3A_871 = arith.addf %add3A_868, %mul3A_870 : vector<16xf32>
        %mul3A_872 = vector.broadcast %squeeze3A_815 : f32 to vector<16xf32>
        %mul3A_873 = arith.mulf %mul3A_872, %get3A_863 : vector<16xf32>
        %add3A_874 = arith.addf %add3A_871, %mul3A_873 : vector<16xf32>
        %swap3A_875 = arith.index_cast %add3A_807 : i32 to index
        %swap3A_876 = arith.constant 16 : index
        %swap3A_877 = tpu.vector_load %arg20[%swap3A_875, %swap3A_876] {strides = array<i32>} : memref<256x32xf32, #tpu.memory_space<vmem>>, vector<1x16xf32>,
        %swap3A_878 = vector.shape_cast %swap3A_877 : vector<1x16xf32> to vector<16xf32>
        %swap3A_879 = vector.shape_cast %add3A_874 : vector<16xf32> to vector<1x16xf32>
        tpu.vector_store %arg20[%swap3A_875, %swap3A_876], %swap3A_879 {strides = array<i32>} : memref<256x32xf32, #tpu.memory_space<vmem>>, vector<1x16xf32>,
        %add3A_880 = arith.constant 9 : i32
        %add3A_881 = arith.addi %mul3A_205, %add3A_880 : i32
        %slice3A_882 = vector.extract_strided_slice %get3A_207 {offsets = [9], sizes = [1], strides = [1]} : vector<16xf32> to vector<1xf32>
        %squeeze3A_883 = vector.extract %slice3A_882[0] : f32 from vector<1xf32>
        %slice3A_884 = vector.extract_strided_slice %get3A_210 {offsets = [9], sizes = [1], strides = [1]} : vector<16xf32> to vector<1xf32>
        %squeeze3A_885 = vector.extract %slice3A_884[0] : f32 from vector<1xf32>
        %slice3A_886 = vector.extract_strided_slice %get3A_213 {offsets = [9], sizes = [1], strides = [1]} : vector<16xf32> to vector<1xf32>
        %squeeze3A_887 = vector.extract %slice3A_886[0] : f32 from vector<1xf32>
        %slice3A_888 = vector.extract_strided_slice %get3A_216 {offsets = [9], sizes = [1], strides = [1]} : vector<16xf32> to vector<1xf32>
        %squeeze3A_889 = vector.extract %slice3A_888[0] : f32 from vector<1xf32>
        %get3A_890 = arith.index_cast %add3A_881 : i32 to index
        %get3A_891 = arith.constant 0 : index
        %get3A_892 = tpu.vector_load %arg16[%get3A_890, %get3A_891] {strides = array<i32>} : memref<256x32xf32, #tpu.memory_space<vmem>>, vector<1x16xf32>,
        %get3A_893 = vector.shape_cast %get3A_892 : vector<1x16xf32> to vector<16xf32>
        %get3A_894 = arith.index_cast %add3A_881 : i32 to index
        %get3A_895 = arith.constant 0 : index
        %get3A_896 = tpu.vector_load %arg17[%get3A_894, %get3A_895] {strides = array<i32>} : memref<256x32xf32, #tpu.memory_space<vmem>>, vector<1x16xf32>,
        %get3A_897 = vector.shape_cast %get3A_896 : vector<1x16xf32> to vector<16xf32>
        %get3A_898 = arith.index_cast %add3A_881 : i32 to index
        %get3A_899 = arith.constant 0 : index
        %get3A_900 = tpu.vector_load %arg18[%get3A_898, %get3A_899] {strides = array<i32>} : memref<256x32xf32, #tpu.memory_space<vmem>>, vector<1x16xf32>,
        %get3A_901 = vector.shape_cast %get3A_900 : vector<1x16xf32> to vector<16xf32>
        %get3A_902 = arith.index_cast %add3A_881 : i32 to index
        %get3A_903 = arith.constant 0 : index
        %get3A_904 = tpu.vector_load %arg19[%get3A_902, %get3A_903] {strides = array<i32>} : memref<256x32xf32, #tpu.memory_space<vmem>>, vector<1x16xf32>,
        %get3A_905 = vector.shape_cast %get3A_904 : vector<1x16xf32> to vector<16xf32>
        %mul3A_906 = vector.broadcast %squeeze3A_883 : f32 to vector<16xf32>
        %mul3A_907 = arith.mulf %mul3A_906, %get3A_893 : vector<16xf32>
        %mul3A_908 = vector.broadcast %squeeze3A_885 : f32 to vector<16xf32>
        %mul3A_909 = arith.mulf %mul3A_908, %get3A_897 : vector<16xf32>
        %add3A_910 = arith.addf %mul3A_907, %mul3A_909 : vector<16xf32>
        %mul3A_911 = vector.broadcast %squeeze3A_887 : f32 to vector<16xf32>
        %mul3A_912 = arith.mulf %mul3A_911, %get3A_901 : vector<16xf32>
        %add3A_913 = arith.addf %add3A_910, %mul3A_912 : vector<16xf32>
        %mul3A_914 = vector.broadcast %squeeze3A_889 : f32 to vector<16xf32>
        %mul3A_915 = arith.mulf %mul3A_914, %get3A_905 : vector<16xf32>
        %add3A_916 = arith.addf %add3A_913, %mul3A_915 : vector<16xf32>
        %swap3A_917 = arith.index_cast %add3A_881 : i32 to index
        %swap3A_918 = arith.constant 0 : index
        %swap3A_919 = tpu.vector_load %arg20[%swap3A_917, %swap3A_918] {strides = array<i32>} : memref<256x32xf32, #tpu.memory_space<vmem>>, vector<1x16xf32>,
        %swap3A_920 = vector.shape_cast %swap3A_919 : vector<1x16xf32> to vector<16xf32>
        %swap3A_921 = vector.shape_cast %add3A_916 : vector<16xf32> to vector<1x16xf32>
        tpu.vector_store %arg20[%swap3A_917, %swap3A_918], %swap3A_921 {strides = array<i32>} : memref<256x32xf32, #tpu.memory_space<vmem>>, vector<1x16xf32>,
        %get3A_922 = arith.index_cast %add3A_881 : i32 to index
        %get3A_923 = arith.constant 16 : index
        %get3A_924 = tpu.vector_load %arg16[%get3A_922, %get3A_923] {strides = array<i32>} : memref<256x32xf32, #tpu.memory_space<vmem>>, vector<1x16xf32>,
        %get3A_925 = vector.shape_cast %get3A_924 : vector<1x16xf32> to vector<16xf32>
        %get3A_926 = arith.index_cast %add3A_881 : i32 to index
        %get3A_927 = arith.constant 16 : index
        %get3A_928 = tpu.vector_load %arg17[%get3A_926, %get3A_927] {strides = array<i32>} : memref<256x32xf32, #tpu.memory_space<vmem>>, vector<1x16xf32>,
        %get3A_929 = vector.shape_cast %get3A_928 : vector<1x16xf32> to vector<16xf32>
        %get3A_930 = arith.index_cast %add3A_881 : i32 to index
        %get3A_931 = arith.constant 16 : index
        %get3A_932 = tpu.vector_load %arg18[%get3A_930, %get3A_931] {strides = array<i32>} : memref<256x32xf32, #tpu.memory_space<vmem>>, vector<1x16xf32>,
        %get3A_933 = vector.shape_cast %get3A_932 : vector<1x16xf32> to vector<16xf32>
        %get3A_934 = arith.index_cast %add3A_881 : i32 to index
        %get3A_935 = arith.constant 16 : index
        %get3A_936 = tpu.vector_load %arg19[%get3A_934, %get3A_935] {strides = array<i32>} : memref<256x32xf32, #tpu.memory_space<vmem>>, vector<1x16xf32>,
        %get3A_937 = vector.shape_cast %get3A_936 : vector<1x16xf32> to vector<16xf32>
        %mul3A_938 = vector.broadcast %squeeze3A_883 : f32 to vector<16xf32>
        %mul3A_939 = arith.mulf %mul3A_938, %get3A_925 : vector<16xf32>
        %mul3A_940 = vector.broadcast %squeeze3A_885 : f32 to vector<16xf32>
        %mul3A_941 = arith.mulf %mul3A_940, %get3A_929 : vector<16xf32>
        %add3A_942 = arith.addf %mul3A_939, %mul3A_941 : vector<16xf32>
        %mul3A_943 = vector.broadcast %squeeze3A_887 : f32 to vector<16xf32>
        %mul3A_944 = arith.mulf %mul3A_943, %get3A_933 : vector<16xf32>
        %add3A_945 = arith.addf %add3A_942, %mul3A_944 : vector<16xf32>
        %mul3A_946 = vector.broadcast %squeeze3A_889 : f32 to vector<16xf32>
        %mul3A_947 = arith.mulf %mul3A_946, %get3A_937 : vector<16xf32>
        %add3A_948 = arith.addf %add3A_945, %mul3A_947 : vector<16xf32>
        %swap3A_949 = arith.index_cast %add3A_881 : i32 to index
        %swap3A_950 = arith.constant 16 : index
        %swap3A_951 = tpu.vector_load %arg20[%swap3A_949, %swap3A_950] {strides = array<i32>} : memref<256x32xf32, #tpu.memory_space<vmem>>, vector<1x16xf32>,
        %swap3A_952 = vector.shape_cast %swap3A_951 : vector<1x16xf32> to vector<16xf32>
        %swap3A_953 = vector.shape_cast %add3A_948 : vector<16xf32> to vector<1x16xf32>
        tpu.vector_store %arg20[%swap3A_949, %swap3A_950], %swap3A_953 {strides = array<i32>} : memref<256x32xf32, #tpu.memory_space<vmem>>, vector<1x16xf32>,
        %add3A_954 = arith.constant 10 : i32
        %add3A_955 = arith.addi %mul3A_205, %add3A_954 : i32
        %slice3A_956 = vector.extract_strided_slice %get3A_207 {offsets = [10], sizes = [1], strides = [1]} : vector<16xf32> to vector<1xf32>
        %squeeze3A_957 = vector.extract %slice3A_956[0] : f32 from vector<1xf32>
        %slice3A_958 = vector.extract_strided_slice %get3A_210 {offsets = [10], sizes = [1], strides = [1]} : vector<16xf32> to vector<1xf32>
        %squeeze3A_959 = vector.extract %slice3A_958[0] : f32 from vector<1xf32>
        %slice3A_960 = vector.extract_strided_slice %get3A_213 {offsets = [10], sizes = [1], strides = [1]} : vector<16xf32> to vector<1xf32>
        %squeeze3A_961 = vector.extract %slice3A_960[0] : f32 from vector<1xf32>
        %slice3A_962 = vector.extract_strided_slice %get3A_216 {offsets = [10], sizes = [1], strides = [1]} : vector<16xf32> to vector<1xf32>
        %squeeze3A_963 = vector.extract %slice3A_962[0] : f32 from vector<1xf32>
        %get3A_964 = arith.index_cast %add3A_955 : i32 to index
        %get3A_965 = arith.constant 0 : index
        %get3A_966 = tpu.vector_load %arg16[%get3A_964, %get3A_965] {strides = array<i32>} : memref<256x32xf32, #tpu.memory_space<vmem>>, vector<1x16xf32>,
        %get3A_967 = vector.shape_cast %get3A_966 : vector<1x16xf32> to vector<16xf32>
        %get3A_968 = arith.index_cast %add3A_955 : i32 to index
        %get3A_969 = arith.constant 0 : index
        %get3A_970 = tpu.vector_load %arg17[%get3A_968, %get3A_969] {strides = array<i32>} : memref<256x32xf32, #tpu.memory_space<vmem>>, vector<1x16xf32>,
        %get3A_971 = vector.shape_cast %get3A_970 : vector<1x16xf32> to vector<16xf32>
        %get3A_972 = arith.index_cast %add3A_955 : i32 to index
        %get3A_973 = arith.constant 0 : index
        %get3A_974 = tpu.vector_load %arg18[%get3A_972, %get3A_973] {strides = array<i32>} : memref<256x32xf32, #tpu.memory_space<vmem>>, vector<1x16xf32>,
        %get3A_975 = vector.shape_cast %get3A_974 : vector<1x16xf32> to vector<16xf32>
        %get3A_976 = arith.index_cast %add3A_955 : i32 to index
        %get3A_977 = arith.constant 0 : index
        %get3A_978 = tpu.vector_load %arg19[%get3A_976, %get3A_977] {strides = array<i32>} : memref<256x32xf32, #tpu.memory_space<vmem>>, vector<1x16xf32>,
        %get3A_979 = vector.shape_cast %get3A_978 : vector<1x16xf32> to vector<16xf32>
        %mul3A_980 = vector.broadcast %squeeze3A_957 : f32 to vector<16xf32>
        %mul3A_981 = arith.mulf %mul3A_980, %get3A_967 : vector<16xf32>
        %mul3A_982 = vector.broadcast %squeeze3A_959 : f32 to vector<16xf32>
        %mul3A_983 = arith.mulf %mul3A_982, %get3A_971 : vector<16xf32>
        %add3A_984 = arith.addf %mul3A_981, %mul3A_983 : vector<16xf32>
        %mul3A_985 = vector.broadcast %squeeze3A_961 : f32 to vector<16xf32>
        %mul3A_986 = arith.mulf %mul3A_985, %get3A_975 : vector<16xf32>
        %add3A_987 = arith.addf %add3A_984, %mul3A_986 : vector<16xf32>
        %mul3A_988 = vector.broadcast %squeeze3A_963 : f32 to vector<16xf32>
        %mul3A_989 = arith.mulf %mul3A_988, %get3A_979 : vector<16xf32>
        %add3A_990 = arith.addf %add3A_987, %mul3A_989 : vector<16xf32>
        %swap3A_991 = arith.index_cast %add3A_955 : i32 to index
        %swap3A_992 = arith.constant 0 : index
        %swap3A_993 = tpu.vector_load %arg20[%swap3A_991, %swap3A_992] {strides = array<i32>} : memref<256x32xf32, #tpu.memory_space<vmem>>, vector<1x16xf32>,
        %swap3A_994 = vector.shape_cast %swap3A_993 : vector<1x16xf32> to vector<16xf32>
        %swap3A_995 = vector.shape_cast %add3A_990 : vector<16xf32> to vector<1x16xf32>
        tpu.vector_store %arg20[%swap3A_991, %swap3A_992], %swap3A_995 {strides = array<i32>} : memref<256x32xf32, #tpu.memory_space<vmem>>, vector<1x16xf32>,
        %get3A_996 = arith.index_cast %add3A_955 : i32 to index
        %get3A_997 = arith.constant 16 : index
        %get3A_998 = tpu.vector_load %arg16[%get3A_996, %get3A_997] {strides = array<i32>} : memref<256x32xf32, #tpu.memory_space<vmem>>, vector<1x16xf32>,
        %get3A_999 = vector.shape_cast %get3A_998 : vector<1x16xf32> to vector<16xf32>
        %get3A_1000 = arith.index_cast %add3A_955 : i32 to index
        %get3A_1001 = arith.constant 16 : index
        %get3A_1002 = tpu.vector_load %arg17[%get3A_1000, %get3A_1001] {strides = array<i32>} : memref<256x32xf32, #tpu.memory_space<vmem>>, vector<1x16xf32>,
        %get3A_1003 = vector.shape_cast %get3A_1002 : vector<1x16xf32> to vector<16xf32>
        %get3A_1004 = arith.index_cast %add3A_955 : i32 to index
        %get3A_1005 = arith.constant 16 : index
        %get3A_1006 = tpu.vector_load %arg18[%get3A_1004, %get3A_1005] {strides = array<i32>} : memref<256x32xf32, #tpu.memory_space<vmem>>, vector<1x16xf32>,
        %get3A_1007 = vector.shape_cast %get3A_1006 : vector<1x16xf32> to vector<16xf32>
        %get3A_1008 = arith.index_cast %add3A_955 : i32 to index
        %get3A_1009 = arith.constant 16 : index
        %get3A_1010 = tpu.vector_load %arg19[%get3A_1008, %get3A_1009] {strides = array<i32>} : memref<256x32xf32, #tpu.memory_space<vmem>>, vector<1x16xf32>,
        %get3A_1011 = vector.shape_cast %get3A_1010 : vector<1x16xf32> to vector<16xf32>
        %mul3A_1012 = vector.broadcast %squeeze3A_957 : f32 to vector<16xf32>
        %mul3A_1013 = arith.mulf %mul3A_1012, %get3A_999 : vector<16xf32>
        %mul3A_1014 = vector.broadcast %squeeze3A_959 : f32 to vector<16xf32>
        %mul3A_1015 = arith.mulf %mul3A_1014, %get3A_1003 : vector<16xf32>
        %add3A_1016 = arith.addf %mul3A_1013, %mul3A_1015 : vector<16xf32>
        %mul3A_1017 = vector.broadcast %squeeze3A_961 : f32 to vector<16xf32>
        %mul3A_1018 = arith.mulf %mul3A_1017, %get3A_1007 : vector<16xf32>
        %add3A_1019 = arith.addf %add3A_1016, %mul3A_1018 : vector<16xf32>
        %mul3A_1020 = vector.broadcast %squeeze3A_963 : f32 to vector<16xf32>
        %mul3A_1021 = arith.mulf %mul3A_1020, %get3A_1011 : vector<16xf32>
        %add3A_1022 = arith.addf %add3A_1019, %mul3A_1021 : vector<16xf32>
        %swap3A_1023 = arith.index_cast %add3A_955 : i32 to index
        %swap3A_1024 = arith.constant 16 : index
        %swap3A_1025 = tpu.vector_load %arg20[%swap3A_1023, %swap3A_1024] {strides = array<i32>} : memref<256x32xf32, #tpu.memory_space<vmem>>, vector<1x16xf32>,
        %swap3A_1026 = vector.shape_cast %swap3A_1025 : vector<1x16xf32> to vector<16xf32>
        %swap3A_1027 = vector.shape_cast %add3A_1022 : vector<16xf32> to vector<1x16xf32>
        tpu.vector_store %arg20[%swap3A_1023, %swap3A_1024], %swap3A_1027 {strides = array<i32>} : memref<256x32xf32, #tpu.memory_space<vmem>>, vector<1x16xf32>,
        %add3A_1028 = arith.constant 11 : i32
        %add3A_1029 = arith.addi %mul3A_205, %add3A_1028 : i32
        %slice3A_1030 = vector.extract_strided_slice %get3A_207 {offsets = [11], sizes = [1], strides = [1]} : vector<16xf32> to vector<1xf32>
        %squeeze3A_1031 = vector.extract %slice3A_1030[0] : f32 from vector<1xf32>
        %slice3A_1032 = vector.extract_strided_slice %get3A_210 {offsets = [11], sizes = [1], strides = [1]} : vector<16xf32> to vector<1xf32>
        %squeeze3A_1033 = vector.extract %slice3A_1032[0] : f32 from vector<1xf32>
        %slice3A_1034 = vector.extract_strided_slice %get3A_213 {offsets = [11], sizes = [1], strides = [1]} : vector<16xf32> to vector<1xf32>
        %squeeze3A_1035 = vector.extract %slice3A_1034[0] : f32 from vector<1xf32>
        %slice3A_1036 = vector.extract_strided_slice %get3A_216 {offsets = [11], sizes = [1], strides = [1]} : vector<16xf32> to vector<1xf32>
        %squeeze3A_1037 = vector.extract %slice3A_1036[0] : f32 from vector<1xf32>
        %get3A_1038 = arith.index_cast %add3A_1029 : i32 to index
        %get3A_1039 = arith.constant 0 : index
        %get3A_1040 = tpu.vector_load %arg16[%get3A_1038, %get3A_1039] {strides = array<i32>} : memref<256x32xf32, #tpu.memory_space<vmem>>, vector<1x16xf32>,
        %get3A_1041 = vector.shape_cast %get3A_1040 : vector<1x16xf32> to vector<16xf32>
        %get3A_1042 = arith.index_cast %add3A_1029 : i32 to index
        %get3A_1043 = arith.constant 0 : index
        %get3A_1044 = tpu.vector_load %arg17[%get3A_1042, %get3A_1043] {strides = array<i32>} : memref<256x32xf32, #tpu.memory_space<vmem>>, vector<1x16xf32>,
        %get3A_1045 = vector.shape_cast %get3A_1044 : vector<1x16xf32> to vector<16xf32>
        %get3A_1046 = arith.index_cast %add3A_1029 : i32 to index
        %get3A_1047 = arith.constant 0 : index
        %get3A_1048 = tpu.vector_load %arg18[%get3A_1046, %get3A_1047] {strides = array<i32>} : memref<256x32xf32, #tpu.memory_space<vmem>>, vector<1x16xf32>,
        %get3A_1049 = vector.shape_cast %get3A_1048 : vector<1x16xf32> to vector<16xf32>
        %get3A_1050 = arith.index_cast %add3A_1029 : i32 to index
        %get3A_1051 = arith.constant 0 : index
        %get3A_1052 = tpu.vector_load %arg19[%get3A_1050, %get3A_1051] {strides = array<i32>} : memref<256x32xf32, #tpu.memory_space<vmem>>, vector<1x16xf32>,
        %get3A_1053 = vector.shape_cast %get3A_1052 : vector<1x16xf32> to vector<16xf32>
        %mul3A_1054 = vector.broadcast %squeeze3A_1031 : f32 to vector<16xf32>
        %mul3A_1055 = arith.mulf %mul3A_1054, %get3A_1041 : vector<16xf32>
        %mul3A_1056 = vector.broadcast %squeeze3A_1033 : f32 to vector<16xf32>
        %mul3A_1057 = arith.mulf %mul3A_1056, %get3A_1045 : vector<16xf32>
        %add3A_1058 = arith.addf %mul3A_1055, %mul3A_1057 : vector<16xf32>
        %mul3A_1059 = vector.broadcast %squeeze3A_1035 : f32 to vector<16xf32>
        %mul3A_1060 = arith.mulf %mul3A_1059, %get3A_1049 : vector<16xf32>
        %add3A_1061 = arith.addf %add3A_1058, %mul3A_1060 : vector<16xf32>
        %mul3A_1062 = vector.broadcast %squeeze3A_1037 : f32 to vector<16xf32>
        %mul3A_1063 = arith.mulf %mul3A_1062, %get3A_1053 : vector<16xf32>
        %add3A_1064 = arith.addf %add3A_1061, %mul3A_1063 : vector<16xf32>
        %swap3A_1065 = arith.index_cast %add3A_1029 : i32 to index
        %swap3A_1066 = arith.constant 0 : index
        %swap3A_1067 = tpu.vector_load %arg20[%swap3A_1065, %swap3A_1066] {strides = array<i32>} : memref<256x32xf32, #tpu.memory_space<vmem>>, vector<1x16xf32>,
        %swap3A_1068 = vector.shape_cast %swap3A_1067 : vector<1x16xf32> to vector<16xf32>
        %swap3A_1069 = vector.shape_cast %add3A_1064 : vector<16xf32> to vector<1x16xf32>
        tpu.vector_store %arg20[%swap3A_1065, %swap3A_1066], %swap3A_1069 {strides = array<i32>} : memref<256x32xf32, #tpu.memory_space<vmem>>, vector<1x16xf32>,
        %get3A_1070 = arith.index_cast %add3A_1029 : i32 to index
        %get3A_1071 = arith.constant 16 : index
        %get3A_1072 = tpu.vector_load %arg16[%get3A_1070, %get3A_1071] {strides = array<i32>} : memref<256x32xf32, #tpu.memory_space<vmem>>, vector<1x16xf32>,
        %get3A_1073 = vector.shape_cast %get3A_1072 : vector<1x16xf32> to vector<16xf32>
        %get3A_1074 = arith.index_cast %add3A_1029 : i32 to index
        %get3A_1075 = arith.constant 16 : index
        %get3A_1076 = tpu.vector_load %arg17[%get3A_1074, %get3A_1075] {strides = array<i32>} : memref<256x32xf32, #tpu.memory_space<vmem>>, vector<1x16xf32>,
        %get3A_1077 = vector.shape_cast %get3A_1076 : vector<1x16xf32> to vector<16xf32>
        %get3A_1078 = arith.index_cast %add3A_1029 : i32 to index
        %get3A_1079 = arith.constant 16 : index
        %get3A_1080 = tpu.vector_load %arg18[%get3A_1078, %get3A_1079] {strides = array<i32>} : memref<256x32xf32, #tpu.memory_space<vmem>>, vector<1x16xf32>,
        %get3A_1081 = vector.shape_cast %get3A_1080 : vector<1x16xf32> to vector<16xf32>
        %get3A_1082 = arith.index_cast %add3A_1029 : i32 to index
        %get3A_1083 = arith.constant 16 : index
        %get3A_1084 = tpu.vector_load %arg19[%get3A_1082, %get3A_1083] {strides = array<i32>} : memref<256x32xf32, #tpu.memory_space<vmem>>, vector<1x16xf32>,
        %get3A_1085 = vector.shape_cast %get3A_1084 : vector<1x16xf32> to vector<16xf32>
        %mul3A_1086 = vector.broadcast %squeeze3A_1031 : f32 to vector<16xf32>
        %mul3A_1087 = arith.mulf %mul3A_1086, %get3A_1073 : vector<16xf32>
        %mul3A_1088 = vector.broadcast %squeeze3A_1033 : f32 to vector<16xf32>
        %mul3A_1089 = arith.mulf %mul3A_1088, %get3A_1077 : vector<16xf32>
        %add3A_1090 = arith.addf %mul3A_1087, %mul3A_1089 : vector<16xf32>
        %mul3A_1091 = vector.broadcast %squeeze3A_1035 : f32 to vector<16xf32>
        %mul3A_1092 = arith.mulf %mul3A_1091, %get3A_1081 : vector<16xf32>
        %add3A_1093 = arith.addf %add3A_1090, %mul3A_1092 : vector<16xf32>
        %mul3A_1094 = vector.broadcast %squeeze3A_1037 : f32 to vector<16xf32>
        %mul3A_1095 = arith.mulf %mul3A_1094, %get3A_1085 : vector<16xf32>
        %add3A_1096 = arith.addf %add3A_1093, %mul3A_1095 : vector<16xf32>
        %swap3A_1097 = arith.index_cast %add3A_1029 : i32 to index
        %swap3A_1098 = arith.constant 16 : index
        %swap3A_1099 = tpu.vector_load %arg20[%swap3A_1097, %swap3A_1098] {strides = array<i32>} : memref<256x32xf32, #tpu.memory_space<vmem>>, vector<1x16xf32>,
        %swap3A_1100 = vector.shape_cast %swap3A_1099 : vector<1x16xf32> to vector<16xf32>
        %swap3A_1101 = vector.shape_cast %add3A_1096 : vector<16xf32> to vector<1x16xf32>
        tpu.vector_store %arg20[%swap3A_1097, %swap3A_1098], %swap3A_1101 {strides = array<i32>} : memref<256x32xf32, #tpu.memory_space<vmem>>, vector<1x16xf32>,
        %add3A_1102 = arith.constant 12 : i32
        %add3A_1103 = arith.addi %mul3A_205, %add3A_1102 : i32
        %slice3A_1104 = vector.extract_strided_slice %get3A_207 {offsets = [12], sizes = [1], strides = [1]} : vector<16xf32> to vector<1xf32>
        %squeeze3A_1105 = vector.extract %slice3A_1104[0] : f32 from vector<1xf32>
        %slice3A_1106 = vector.extract_strided_slice %get3A_210 {offsets = [12], sizes = [1], strides = [1]} : vector<16xf32> to vector<1xf32>
        %squeeze3A_1107 = vector.extract %slice3A_1106[0] : f32 from vector<1xf32>
        %slice3A_1108 = vector.extract_strided_slice %get3A_213 {offsets = [12], sizes = [1], strides = [1]} : vector<16xf32> to vector<1xf32>
        %squeeze3A_1109 = vector.extract %slice3A_1108[0] : f32 from vector<1xf32>
        %slice3A_1110 = vector.extract_strided_slice %get3A_216 {offsets = [12], sizes = [1], strides = [1]} : vector<16xf32> to vector<1xf32>
        %squeeze3A_1111 = vector.extract %slice3A_1110[0] : f32 from vector<1xf32>
        %get3A_1112 = arith.index_cast %add3A_1103 : i32 to index
        %get3A_1113 = arith.constant 0 : index
        %get3A_1114 = tpu.vector_load %arg16[%get3A_1112, %get3A_1113] {strides = array<i32>} : memref<256x32xf32, #tpu.memory_space<vmem>>, vector<1x16xf32>,
        %get3A_1115 = vector.shape_cast %get3A_1114 : vector<1x16xf32> to vector<16xf32>
        %get3A_1116 = arith.index_cast %add3A_1103 : i32 to index
        %get3A_1117 = arith.constant 0 : index
        %get3A_1118 = tpu.vector_load %arg17[%get3A_1116, %get3A_1117] {strides = array<i32>} : memref<256x32xf32, #tpu.memory_space<vmem>>, vector<1x16xf32>,
        %get3A_1119 = vector.shape_cast %get3A_1118 : vector<1x16xf32> to vector<16xf32>
        %get3A_1120 = arith.index_cast %add3A_1103 : i32 to index
        %get3A_1121 = arith.constant 0 : index
        %get3A_1122 = tpu.vector_load %arg18[%get3A_1120, %get3A_1121] {strides = array<i32>} : memref<256x32xf32, #tpu.memory_space<vmem>>, vector<1x16xf32>,
        %get3A_1123 = vector.shape_cast %get3A_1122 : vector<1x16xf32> to vector<16xf32>
        %get3A_1124 = arith.index_cast %add3A_1103 : i32 to index
        %get3A_1125 = arith.constant 0 : index
        %get3A_1126 = tpu.vector_load %arg19[%get3A_1124, %get3A_1125] {strides = array<i32>} : memref<256x32xf32, #tpu.memory_space<vmem>>, vector<1x16xf32>,
        %get3A_1127 = vector.shape_cast %get3A_1126 : vector<1x16xf32> to vector<16xf32>
        %mul3A_1128 = vector.broadcast %squeeze3A_1105 : f32 to vector<16xf32>
        %mul3A_1129 = arith.mulf %mul3A_1128, %get3A_1115 : vector<16xf32>
        %mul3A_1130 = vector.broadcast %squeeze3A_1107 : f32 to vector<16xf32>
        %mul3A_1131 = arith.mulf %mul3A_1130, %get3A_1119 : vector<16xf32>
        %add3A_1132 = arith.addf %mul3A_1129, %mul3A_1131 : vector<16xf32>
        %mul3A_1133 = vector.broadcast %squeeze3A_1109 : f32 to vector<16xf32>
        %mul3A_1134 = arith.mulf %mul3A_1133, %get3A_1123 : vector<16xf32>
        %add3A_1135 = arith.addf %add3A_1132, %mul3A_1134 : vector<16xf32>
        %mul3A_1136 = vector.broadcast %squeeze3A_1111 : f32 to vector<16xf32>
        %mul3A_1137 = arith.mulf %mul3A_1136, %get3A_1127 : vector<16xf32>
        %add3A_1138 = arith.addf %add3A_1135, %mul3A_1137 : vector<16xf32>
        %swap3A_1139 = arith.index_cast %add3A_1103 : i32 to index
        %swap3A_1140 = arith.constant 0 : index
        %swap3A_1141 = tpu.vector_load %arg20[%swap3A_1139, %swap3A_1140] {strides = array<i32>} : memref<256x32xf32, #tpu.memory_space<vmem>>, vector<1x16xf32>,
        %swap3A_1142 = vector.shape_cast %swap3A_1141 : vector<1x16xf32> to vector<16xf32>
        %swap3A_1143 = vector.shape_cast %add3A_1138 : vector<16xf32> to vector<1x16xf32>
        tpu.vector_store %arg20[%swap3A_1139, %swap3A_1140], %swap3A_1143 {strides = array<i32>} : memref<256x32xf32, #tpu.memory_space<vmem>>, vector<1x16xf32>,
        %get3A_1144 = arith.index_cast %add3A_1103 : i32 to index
        %get3A_1145 = arith.constant 16 : index
        %get3A_1146 = tpu.vector_load %arg16[%get3A_1144, %get3A_1145] {strides = array<i32>} : memref<256x32xf32, #tpu.memory_space<vmem>>, vector<1x16xf32>,
        %get3A_1147 = vector.shape_cast %get3A_1146 : vector<1x16xf32> to vector<16xf32>
        %get3A_1148 = arith.index_cast %add3A_1103 : i32 to index
        %get3A_1149 = arith.constant 16 : index
        %get3A_1150 = tpu.vector_load %arg17[%get3A_1148, %get3A_1149] {strides = array<i32>} : memref<256x32xf32, #tpu.memory_space<vmem>>, vector<1x16xf32>,
        %get3A_1151 = vector.shape_cast %get3A_1150 : vector<1x16xf32> to vector<16xf32>
        %get3A_1152 = arith.index_cast %add3A_1103 : i32 to index
        %get3A_1153 = arith.constant 16 : index
        %get3A_1154 = tpu.vector_load %arg18[%get3A_1152, %get3A_1153] {strides = array<i32>} : memref<256x32xf32, #tpu.memory_space<vmem>>, vector<1x16xf32>,
        %get3A_1155 = vector.shape_cast %get3A_1154 : vector<1x16xf32> to vector<16xf32>
        %get3A_1156 = arith.index_cast %add3A_1103 : i32 to index
        %get3A_1157 = arith.constant 16 : index
        %get3A_1158 = tpu.vector_load %arg19[%get3A_1156, %get3A_1157] {strides = array<i32>} : memref<256x32xf32, #tpu.memory_space<vmem>>, vector<1x16xf32>,
        %get3A_1159 = vector.shape_cast %get3A_1158 : vector<1x16xf32> to vector<16xf32>
        %mul3A_1160 = vector.broadcast %squeeze3A_1105 : f32 to vector<16xf32>
        %mul3A_1161 = arith.mulf %mul3A_1160, %get3A_1147 : vector<16xf32>
        %mul3A_1162 = vector.broadcast %squeeze3A_1107 : f32 to vector<16xf32>
        %mul3A_1163 = arith.mulf %mul3A_1162, %get3A_1151 : vector<16xf32>
        %add3A_1164 = arith.addf %mul3A_1161, %mul3A_1163 : vector<16xf32>
        %mul3A_1165 = vector.broadcast %squeeze3A_1109 : f32 to vector<16xf32>
        %mul3A_1166 = arith.mulf %mul3A_1165, %get3A_1155 : vector<16xf32>
        %add3A_1167 = arith.addf %add3A_1164, %mul3A_1166 : vector<16xf32>
        %mul3A_1168 = vector.broadcast %squeeze3A_1111 : f32 to vector<16xf32>
        %mul3A_1169 = arith.mulf %mul3A_1168, %get3A_1159 : vector<16xf32>
        %add3A_1170 = arith.addf %add3A_1167, %mul3A_1169 : vector<16xf32>
        %swap3A_1171 = arith.index_cast %add3A_1103 : i32 to index
        %swap3A_1172 = arith.constant 16 : index
        %swap3A_1173 = tpu.vector_load %arg20[%swap3A_1171, %swap3A_1172] {strides = array<i32>} : memref<256x32xf32, #tpu.memory_space<vmem>>, vector<1x16xf32>,
        %swap3A_1174 = vector.shape_cast %swap3A_1173 : vector<1x16xf32> to vector<16xf32>
        %swap3A_1175 = vector.shape_cast %add3A_1170 : vector<16xf32> to vector<1x16xf32>
        tpu.vector_store %arg20[%swap3A_1171, %swap3A_1172], %swap3A_1175 {strides = array<i32>} : memref<256x32xf32, #tpu.memory_space<vmem>>, vector<1x16xf32>,
        %add3A_1176 = arith.constant 13 : i32
        %add3A_1177 = arith.addi %mul3A_205, %add3A_1176 : i32
        %slice3A_1178 = vector.extract_strided_slice %get3A_207 {offsets = [13], sizes = [1], strides = [1]} : vector<16xf32> to vector<1xf32>
        %squeeze3A_1179 = vector.extract %slice3A_1178[0] : f32 from vector<1xf32>
        %slice3A_1180 = vector.extract_strided_slice %get3A_210 {offsets = [13], sizes = [1], strides = [1]} : vector<16xf32> to vector<1xf32>
        %squeeze3A_1181 = vector.extract %slice3A_1180[0] : f32 from vector<1xf32>
        %slice3A_1182 = vector.extract_strided_slice %get3A_213 {offsets = [13], sizes = [1], strides = [1]} : vector<16xf32> to vector<1xf32>
        %squeeze3A_1183 = vector.extract %slice3A_1182[0] : f32 from vector<1xf32>
        %slice3A_1184 = vector.extract_strided_slice %get3A_216 {offsets = [13], sizes = [1], strides = [1]} : vector<16xf32> to vector<1xf32>
        %squeeze3A_1185 = vector.extract %slice3A_1184[0] : f32 from vector<1xf32>
        %get3A_1186 = arith.index_cast %add3A_1177 : i32 to index
        %get3A_1187 = arith.constant 0 : index
        %get3A_1188 = tpu.vector_load %arg16[%get3A_1186, %get3A_1187] {strides = array<i32>} : memref<256x32xf32, #tpu.memory_space<vmem>>, vector<1x16xf32>,
        %get3A_1189 = vector.shape_cast %get3A_1188 : vector<1x16xf32> to vector<16xf32>
        %get3A_1190 = arith.index_cast %add3A_1177 : i32 to index
        %get3A_1191 = arith.constant 0 : index
        %get3A_1192 = tpu.vector_load %arg17[%get3A_1190, %get3A_1191] {strides = array<i32>} : memref<256x32xf32, #tpu.memory_space<vmem>>, vector<1x16xf32>,
        %get3A_1193 = vector.shape_cast %get3A_1192 : vector<1x16xf32> to vector<16xf32>
        %get3A_1194 = arith.index_cast %add3A_1177 : i32 to index
        %get3A_1195 = arith.constant 0 : index
        %get3A_1196 = tpu.vector_load %arg18[%get3A_1194, %get3A_1195] {strides = array<i32>} : memref<256x32xf32, #tpu.memory_space<vmem>>, vector<1x16xf32>,
        %get3A_1197 = vector.shape_cast %get3A_1196 : vector<1x16xf32> to vector<16xf32>
        %get3A_1198 = arith.index_cast %add3A_1177 : i32 to index
        %get3A_1199 = arith.constant 0 : index
        %get3A_1200 = tpu.vector_load %arg19[%get3A_1198, %get3A_1199] {strides = array<i32>} : memref<256x32xf32, #tpu.memory_space<vmem>>, vector<1x16xf32>,
        %get3A_1201 = vector.shape_cast %get3A_1200 : vector<1x16xf32> to vector<16xf32>
        %mul3A_1202 = vector.broadcast %squeeze3A_1179 : f32 to vector<16xf32>
        %mul3A_1203 = arith.mulf %mul3A_1202, %get3A_1189 : vector<16xf32>
        %mul3A_1204 = vector.broadcast %squeeze3A_1181 : f32 to vector<16xf32>
        %mul3A_1205 = arith.mulf %mul3A_1204, %get3A_1193 : vector<16xf32>
        %add3A_1206 = arith.addf %mul3A_1203, %mul3A_1205 : vector<16xf32>
        %mul3A_1207 = vector.broadcast %squeeze3A_1183 : f32 to vector<16xf32>
        %mul3A_1208 = arith.mulf %mul3A_1207, %get3A_1197 : vector<16xf32>
        %add3A_1209 = arith.addf %add3A_1206, %mul3A_1208 : vector<16xf32>
        %mul3A_1210 = vector.broadcast %squeeze3A_1185 : f32 to vector<16xf32>
        %mul3A_1211 = arith.mulf %mul3A_1210, %get3A_1201 : vector<16xf32>
        %add3A_1212 = arith.addf %add3A_1209, %mul3A_1211 : vector<16xf32>
        %swap3A_1213 = arith.index_cast %add3A_1177 : i32 to index
        %swap3A_1214 = arith.constant 0 : index
        %swap3A_1215 = tpu.vector_load %arg20[%swap3A_1213, %swap3A_1214] {strides = array<i32>} : memref<256x32xf32, #tpu.memory_space<vmem>>, vector<1x16xf32>,
        %swap3A_1216 = vector.shape_cast %swap3A_1215 : vector<1x16xf32> to vector<16xf32>
        %swap3A_1217 = vector.shape_cast %add3A_1212 : vector<16xf32> to vector<1x16xf32>
        tpu.vector_store %arg20[%swap3A_1213, %swap3A_1214], %swap3A_1217 {strides = array<i32>} : memref<256x32xf32, #tpu.memory_space<vmem>>, vector<1x16xf32>,
        %get3A_1218 = arith.index_cast %add3A_1177 : i32 to index
        %get3A_1219 = arith.constant 16 : index
        %get3A_1220 = tpu.vector_load %arg16[%get3A_1218, %get3A_1219] {strides = array<i32>} : memref<256x32xf32, #tpu.memory_space<vmem>>, vector<1x16xf32>,
        %get3A_1221 = vector.shape_cast %get3A_1220 : vector<1x16xf32> to vector<16xf32>
        %get3A_1222 = arith.index_cast %add3A_1177 : i32 to index
        %get3A_1223 = arith.constant 16 : index
        %get3A_1224 = tpu.vector_load %arg17[%get3A_1222, %get3A_1223] {strides = array<i32>} : memref<256x32xf32, #tpu.memory_space<vmem>>, vector<1x16xf32>,
        %get3A_1225 = vector.shape_cast %get3A_1224 : vector<1x16xf32> to vector<16xf32>
        %get3A_1226 = arith.index_cast %add3A_1177 : i32 to index
        %get3A_1227 = arith.constant 16 : index
        %get3A_1228 = tpu.vector_load %arg18[%get3A_1226, %get3A_1227] {strides = array<i32>} : memref<256x32xf32, #tpu.memory_space<vmem>>, vector<1x16xf32>,
        %get3A_1229 = vector.shape_cast %get3A_1228 : vector<1x16xf32> to vector<16xf32>
        %get3A_1230 = arith.index_cast %add3A_1177 : i32 to index
        %get3A_1231 = arith.constant 16 : index
        %get3A_1232 = tpu.vector_load %arg19[%get3A_1230, %get3A_1231] {strides = array<i32>} : memref<256x32xf32, #tpu.memory_space<vmem>>, vector<1x16xf32>,
        %get3A_1233 = vector.shape_cast %get3A_1232 : vector<1x16xf32> to vector<16xf32>
        %mul3A_1234 = vector.broadcast %squeeze3A_1179 : f32 to vector<16xf32>
        %mul3A_1235 = arith.mulf %mul3A_1234, %get3A_1221 : vector<16xf32>
        %mul3A_1236 = vector.broadcast %squeeze3A_1181 : f32 to vector<16xf32>
        %mul3A_1237 = arith.mulf %mul3A_1236, %get3A_1225 : vector<16xf32>
        %add3A_1238 = arith.addf %mul3A_1235, %mul3A_1237 : vector<16xf32>
        %mul3A_1239 = vector.broadcast %squeeze3A_1183 : f32 to vector<16xf32>
        %mul3A_1240 = arith.mulf %mul3A_1239, %get3A_1229 : vector<16xf32>
        %add3A_1241 = arith.addf %add3A_1238, %mul3A_1240 : vector<16xf32>
        %mul3A_1242 = vector.broadcast %squeeze3A_1185 : f32 to vector<16xf32>
        %mul3A_1243 = arith.mulf %mul3A_1242, %get3A_1233 : vector<16xf32>
        %add3A_1244 = arith.addf %add3A_1241, %mul3A_1243 : vector<16xf32>
        %swap3A_1245 = arith.index_cast %add3A_1177 : i32 to index
        %swap3A_1246 = arith.constant 16 : index
        %swap3A_1247 = tpu.vector_load %arg20[%swap3A_1245, %swap3A_1246] {strides = array<i32>} : memref<256x32xf32, #tpu.memory_space<vmem>>, vector<1x16xf32>,
        %swap3A_1248 = vector.shape_cast %swap3A_1247 : vector<1x16xf32> to vector<16xf32>
        %swap3A_1249 = vector.shape_cast %add3A_1244 : vector<16xf32> to vector<1x16xf32>
        tpu.vector_store %arg20[%swap3A_1245, %swap3A_1246], %swap3A_1249 {strides = array<i32>} : memref<256x32xf32, #tpu.memory_space<vmem>>, vector<1x16xf32>,
        %add3A_1250 = arith.constant 14 : i32
        %add3A_1251 = arith.addi %mul3A_205, %add3A_1250 : i32
        %slice3A_1252 = vector.extract_strided_slice %get3A_207 {offsets = [14], sizes = [1], strides = [1]} : vector<16xf32> to vector<1xf32>
        %squeeze3A_1253 = vector.extract %slice3A_1252[0] : f32 from vector<1xf32>
        %slice3A_1254 = vector.extract_strided_slice %get3A_210 {offsets = [14], sizes = [1], strides = [1]} : vector<16xf32> to vector<1xf32>
        %squeeze3A_1255 = vector.extract %slice3A_1254[0] : f32 from vector<1xf32>
        %slice3A_1256 = vector.extract_strided_slice %get3A_213 {offsets = [14], sizes = [1], strides = [1]} : vector<16xf32> to vector<1xf32>
        %squeeze3A_1257 = vector.extract %slice3A_1256[0] : f32 from vector<1xf32>
        %slice3A_1258 = vector.extract_strided_slice %get3A_216 {offsets = [14], sizes = [1], strides = [1]} : vector<16xf32> to vector<1xf32>
        %squeeze3A_1259 = vector.extract %slice3A_1258[0] : f32 from vector<1xf32>
        %get3A_1260 = arith.index_cast %add3A_1251 : i32 to index
        %get3A_1261 = arith.constant 0 : index
        %get3A_1262 = tpu.vector_load %arg16[%get3A_1260, %get3A_1261] {strides = array<i32>} : memref<256x32xf32, #tpu.memory_space<vmem>>, vector<1x16xf32>,
        %get3A_1263 = vector.shape_cast %get3A_1262 : vector<1x16xf32> to vector<16xf32>
        %get3A_1264 = arith.index_cast %add3A_1251 : i32 to index
        %get3A_1265 = arith.constant 0 : index
        %get3A_1266 = tpu.vector_load %arg17[%get3A_1264, %get3A_1265] {strides = array<i32>} : memref<256x32xf32, #tpu.memory_space<vmem>>, vector<1x16xf32>,
        %get3A_1267 = vector.shape_cast %get3A_1266 : vector<1x16xf32> to vector<16xf32>
        %get3A_1268 = arith.index_cast %add3A_1251 : i32 to index
        %get3A_1269 = arith.constant 0 : index
        %get3A_1270 = tpu.vector_load %arg18[%get3A_1268, %get3A_1269] {strides = array<i32>} : memref<256x32xf32, #tpu.memory_space<vmem>>, vector<1x16xf32>,
        %get3A_1271 = vector.shape_cast %get3A_1270 : vector<1x16xf32> to vector<16xf32>
        %get3A_1272 = arith.index_cast %add3A_1251 : i32 to index
        %get3A_1273 = arith.constant 0 : index
        %get3A_1274 = tpu.vector_load %arg19[%get3A_1272, %get3A_1273] {strides = array<i32>} : memref<256x32xf32, #tpu.memory_space<vmem>>, vector<1x16xf32>,
        %get3A_1275 = vector.shape_cast %get3A_1274 : vector<1x16xf32> to vector<16xf32>
        %mul3A_1276 = vector.broadcast %squeeze3A_1253 : f32 to vector<16xf32>
        %mul3A_1277 = arith.mulf %mul3A_1276, %get3A_1263 : vector<16xf32>
        %mul3A_1278 = vector.broadcast %squeeze3A_1255 : f32 to vector<16xf32>
        %mul3A_1279 = arith.mulf %mul3A_1278, %get3A_1267 : vector<16xf32>
        %add3A_1280 = arith.addf %mul3A_1277, %mul3A_1279 : vector<16xf32>
        %mul3A_1281 = vector.broadcast %squeeze3A_1257 : f32 to vector<16xf32>
        %mul3A_1282 = arith.mulf %mul3A_1281, %get3A_1271 : vector<16xf32>
        %add3A_1283 = arith.addf %add3A_1280, %mul3A_1282 : vector<16xf32>
        %mul3A_1284 = vector.broadcast %squeeze3A_1259 : f32 to vector<16xf32>
        %mul3A_1285 = arith.mulf %mul3A_1284, %get3A_1275 : vector<16xf32>
        %add3A_1286 = arith.addf %add3A_1283, %mul3A_1285 : vector<16xf32>
        %swap3A_1287 = arith.index_cast %add3A_1251 : i32 to index
        %swap3A_1288 = arith.constant 0 : index
        %swap3A_1289 = tpu.vector_load %arg20[%swap3A_1287, %swap3A_1288] {strides = array<i32>} : memref<256x32xf32, #tpu.memory_space<vmem>>, vector<1x16xf32>,
        %swap3A_1290 = vector.shape_cast %swap3A_1289 : vector<1x16xf32> to vector<16xf32>
        %swap3A_1291 = vector.shape_cast %add3A_1286 : vector<16xf32> to vector<1x16xf32>
        tpu.vector_store %arg20[%swap3A_1287, %swap3A_1288], %swap3A_1291 {strides = array<i32>} : memref<256x32xf32, #tpu.memory_space<vmem>>, vector<1x16xf32>,
        %get3A_1292 = arith.index_cast %add3A_1251 : i32 to index
        %get3A_1293 = arith.constant 16 : index
        %get3A_1294 = tpu.vector_load %arg16[%get3A_1292, %get3A_1293] {strides = array<i32>} : memref<256x32xf32, #tpu.memory_space<vmem>>, vector<1x16xf32>,
        %get3A_1295 = vector.shape_cast %get3A_1294 : vector<1x16xf32> to vector<16xf32>
        %get3A_1296 = arith.index_cast %add3A_1251 : i32 to index
        %get3A_1297 = arith.constant 16 : index
        %get3A_1298 = tpu.vector_load %arg17[%get3A_1296, %get3A_1297] {strides = array<i32>} : memref<256x32xf32, #tpu.memory_space<vmem>>, vector<1x16xf32>,
        %get3A_1299 = vector.shape_cast %get3A_1298 : vector<1x16xf32> to vector<16xf32>
        %get3A_1300 = arith.index_cast %add3A_1251 : i32 to index
        %get3A_1301 = arith.constant 16 : index
        %get3A_1302 = tpu.vector_load %arg18[%get3A_1300, %get3A_1301] {strides = array<i32>} : memref<256x32xf32, #tpu.memory_space<vmem>>, vector<1x16xf32>,
        %get3A_1303 = vector.shape_cast %get3A_1302 : vector<1x16xf32> to vector<16xf32>
        %get3A_1304 = arith.index_cast %add3A_1251 : i32 to index
        %get3A_1305 = arith.constant 16 : index
        %get3A_1306 = tpu.vector_load %arg19[%get3A_1304, %get3A_1305] {strides = array<i32>} : memref<256x32xf32, #tpu.memory_space<vmem>>, vector<1x16xf32>,
        %get3A_1307 = vector.shape_cast %get3A_1306 : vector<1x16xf32> to vector<16xf32>
        %mul3A_1308 = vector.broadcast %squeeze3A_1253 : f32 to vector<16xf32>
        %mul3A_1309 = arith.mulf %mul3A_1308, %get3A_1295 : vector<16xf32>
        %mul3A_1310 = vector.broadcast %squeeze3A_1255 : f32 to vector<16xf32>
        %mul3A_1311 = arith.mulf %mul3A_1310, %get3A_1299 : vector<16xf32>
        %add3A_1312 = arith.addf %mul3A_1309, %mul3A_1311 : vector<16xf32>
        %mul3A_1313 = vector.broadcast %squeeze3A_1257 : f32 to vector<16xf32>
        %mul3A_1314 = arith.mulf %mul3A_1313, %get3A_1303 : vector<16xf32>
        %add3A_1315 = arith.addf %add3A_1312, %mul3A_1314 : vector<16xf32>
        %mul3A_1316 = vector.broadcast %squeeze3A_1259 : f32 to vector<16xf32>
        %mul3A_1317 = arith.mulf %mul3A_1316, %get3A_1307 : vector<16xf32>
        %add3A_1318 = arith.addf %add3A_1315, %mul3A_1317 : vector<16xf32>
        %swap3A_1319 = arith.index_cast %add3A_1251 : i32 to index
        %swap3A_1320 = arith.constant 16 : index
        %swap3A_1321 = tpu.vector_load %arg20[%swap3A_1319, %swap3A_1320] {strides = array<i32>} : memref<256x32xf32, #tpu.memory_space<vmem>>, vector<1x16xf32>,
        %swap3A_1322 = vector.shape_cast %swap3A_1321 : vector<1x16xf32> to vector<16xf32>
        %swap3A_1323 = vector.shape_cast %add3A_1318 : vector<16xf32> to vector<1x16xf32>
        tpu.vector_store %arg20[%swap3A_1319, %swap3A_1320], %swap3A_1323 {strides = array<i32>} : memref<256x32xf32, #tpu.memory_space<vmem>>, vector<1x16xf32>,
        %add3A_1324 = arith.constant 15 : i32
        %add3A_1325 = arith.addi %mul3A_205, %add3A_1324 : i32
        %slice3A_1326 = vector.extract_strided_slice %get3A_207 {offsets = [15], sizes = [1], strides = [1]} : vector<16xf32> to vector<1xf32>
        %squeeze3A_1327 = vector.extract %slice3A_1326[0] : f32 from vector<1xf32>
        %slice3A_1328 = vector.extract_strided_slice %get3A_210 {offsets = [15], sizes = [1], strides = [1]} : vector<16xf32> to vector<1xf32>
        %squeeze3A_1329 = vector.extract %slice3A_1328[0] : f32 from vector<1xf32>
        %slice3A_1330 = vector.extract_strided_slice %get3A_213 {offsets = [15], sizes = [1], strides = [1]} : vector<16xf32> to vector<1xf32>
        %squeeze3A_1331 = vector.extract %slice3A_1330[0] : f32 from vector<1xf32>
        %slice3A_1332 = vector.extract_strided_slice %get3A_216 {offsets = [15], sizes = [1], strides = [1]} : vector<16xf32> to vector<1xf32>
        %squeeze3A_1333 = vector.extract %slice3A_1332[0] : f32 from vector<1xf32>
        %get3A_1334 = arith.index_cast %add3A_1325 : i32 to index
        %get3A_1335 = arith.constant 0 : index
        %get3A_1336 = tpu.vector_load %arg16[%get3A_1334, %get3A_1335] {strides = array<i32>} : memref<256x32xf32, #tpu.memory_space<vmem>>, vector<1x16xf32>,
        %get3A_1337 = vector.shape_cast %get3A_1336 : vector<1x16xf32> to vector<16xf32>
        %get3A_1338 = arith.index_cast %add3A_1325 : i32 to index
        %get3A_1339 = arith.constant 0 : index
        %get3A_1340 = tpu.vector_load %arg17[%get3A_1338, %get3A_1339] {strides = array<i32>} : memref<256x32xf32, #tpu.memory_space<vmem>>, vector<1x16xf32>,
        %get3A_1341 = vector.shape_cast %get3A_1340 : vector<1x16xf32> to vector<16xf32>
        %get3A_1342 = arith.index_cast %add3A_1325 : i32 to index
        %get3A_1343 = arith.constant 0 : index
        %get3A_1344 = tpu.vector_load %arg18[%get3A_1342, %get3A_1343] {strides = array<i32>} : memref<256x32xf32, #tpu.memory_space<vmem>>, vector<1x16xf32>,
        %get3A_1345 = vector.shape_cast %get3A_1344 : vector<1x16xf32> to vector<16xf32>
        %get3A_1346 = arith.index_cast %add3A_1325 : i32 to index
        %get3A_1347 = arith.constant 0 : index
        %get3A_1348 = tpu.vector_load %arg19[%get3A_1346, %get3A_1347] {strides = array<i32>} : memref<256x32xf32, #tpu.memory_space<vmem>>, vector<1x16xf32>,
        %get3A_1349 = vector.shape_cast %get3A_1348 : vector<1x16xf32> to vector<16xf32>
        %mul3A_1350 = vector.broadcast %squeeze3A_1327 : f32 to vector<16xf32>
        %mul3A_1351 = arith.mulf %mul3A_1350, %get3A_1337 : vector<16xf32>
        %mul3A_1352 = vector.broadcast %squeeze3A_1329 : f32 to vector<16xf32>
        %mul3A_1353 = arith.mulf %mul3A_1352, %get3A_1341 : vector<16xf32>
        %add3A_1354 = arith.addf %mul3A_1351, %mul3A_1353 : vector<16xf32>
        %mul3A_1355 = vector.broadcast %squeeze3A_1331 : f32 to vector<16xf32>
        %mul3A_1356 = arith.mulf %mul3A_1355, %get3A_1345 : vector<16xf32>
        %add3A_1357 = arith.addf %add3A_1354, %mul3A_1356 : vector<16xf32>
        %mul3A_1358 = vector.broadcast %squeeze3A_1333 : f32 to vector<16xf32>
        %mul3A_1359 = arith.mulf %mul3A_1358, %get3A_1349 : vector<16xf32>
        %add3A_1360 = arith.addf %add3A_1357, %mul3A_1359 : vector<16xf32>
        %swap3A_1361 = arith.index_cast %add3A_1325 : i32 to index
        %swap3A_1362 = arith.constant 0 : index
        %swap3A_1363 = tpu.vector_load %arg20[%swap3A_1361, %swap3A_1362] {strides = array<i32>} : memref<256x32xf32, #tpu.memory_space<vmem>>, vector<1x16xf32>,
        %swap3A_1364 = vector.shape_cast %swap3A_1363 : vector<1x16xf32> to vector<16xf32>
        %swap3A_1365 = vector.shape_cast %add3A_1360 : vector<16xf32> to vector<1x16xf32>
        tpu.vector_store %arg20[%swap3A_1361, %swap3A_1362], %swap3A_1365 {strides = array<i32>} : memref<256x32xf32, #tpu.memory_space<vmem>>, vector<1x16xf32>,
        %get3A_1366 = arith.index_cast %add3A_1325 : i32 to index
        %get3A_1367 = arith.constant 16 : index
        %get3A_1368 = tpu.vector_load %arg16[%get3A_1366, %get3A_1367] {strides = array<i32>} : memref<256x32xf32, #tpu.memory_space<vmem>>, vector<1x16xf32>,
        %get3A_1369 = vector.shape_cast %get3A_1368 : vector<1x16xf32> to vector<16xf32>
        %get3A_1370 = arith.index_cast %add3A_1325 : i32 to index
        %get3A_1371 = arith.constant 16 : index
        %get3A_1372 = tpu.vector_load %arg17[%get3A_1370, %get3A_1371] {strides = array<i32>} : memref<256x32xf32, #tpu.memory_space<vmem>>, vector<1x16xf32>,
        %get3A_1373 = vector.shape_cast %get3A_1372 : vector<1x16xf32> to vector<16xf32>
        %get3A_1374 = arith.index_cast %add3A_1325 : i32 to index
        %get3A_1375 = arith.constant 16 : index
        %get3A_1376 = tpu.vector_load %arg18[%get3A_1374, %get3A_1375] {strides = array<i32>} : memref<256x32xf32, #tpu.memory_space<vmem>>, vector<1x16xf32>,
        %get3A_1377 = vector.shape_cast %get3A_1376 : vector<1x16xf32> to vector<16xf32>
        %get3A_1378 = arith.index_cast %add3A_1325 : i32 to index
        %get3A_1379 = arith.constant 16 : index
        %get3A_1380 = tpu.vector_load %arg19[%get3A_1378, %get3A_1379] {strides = array<i32>} : memref<256x32xf32, #tpu.memory_space<vmem>>, vector<1x16xf32>,
        %get3A_1381 = vector.shape_cast %get3A_1380 : vector<1x16xf32> to vector<16xf32>
        %mul3A_1382 = vector.broadcast %squeeze3A_1327 : f32 to vector<16xf32>
        %mul3A_1383 = arith.mulf %mul3A_1382, %get3A_1369 : vector<16xf32>
        %mul3A_1384 = vector.broadcast %squeeze3A_1329 : f32 to vector<16xf32>
        %mul3A_1385 = arith.mulf %mul3A_1384, %get3A_1373 : vector<16xf32>
        %add3A_1386 = arith.addf %mul3A_1383, %mul3A_1385 : vector<16xf32>
        %mul3A_1387 = vector.broadcast %squeeze3A_1331 : f32 to vector<16xf32>
        %mul3A_1388 = arith.mulf %mul3A_1387, %get3A_1377 : vector<16xf32>
        %add3A_1389 = arith.addf %add3A_1386, %mul3A_1388 : vector<16xf32>
        %mul3A_1390 = vector.broadcast %squeeze3A_1333 : f32 to vector<16xf32>
        %mul3A_1391 = arith.mulf %mul3A_1390, %get3A_1381 : vector<16xf32>
        %add3A_1392 = arith.addf %add3A_1389, %mul3A_1391 : vector<16xf32>
        %swap3A_1393 = arith.index_cast %add3A_1325 : i32 to index
        %swap3A_1394 = arith.constant 16 : index
        %swap3A_1395 = tpu.vector_load %arg20[%swap3A_1393, %swap3A_1394] {strides = array<i32>} : memref<256x32xf32, #tpu.memory_space<vmem>>, vector<1x16xf32>,
        %swap3A_1396 = vector.shape_cast %swap3A_1395 : vector<1x16xf32> to vector<16xf32>
        %swap3A_1397 = vector.shape_cast %add3A_1392 : vector<16xf32> to vector<1x16xf32>
        tpu.vector_store %arg20[%swap3A_1393, %swap3A_1394], %swap3A_1397 {strides = array<i32>} : memref<256x32xf32, #tpu.memory_space<vmem>>, vector<1x16xf32>,
      }
      %scan3A_187 = arith.constant 16 : i32
      %mul3A_188 = arith.constant 16 : i32
      %mul3A_189 = arith.muli %arg0, %mul3A_188 : i32
      %add3A_190 = arith.addi %mul3A_189, %arg1 : i32
      %dma_start3A_191 = arith.constant 0 : i32
      %dma_start3A_192 = tpu.memref_slice %arg5[%add3A_190, %mul3A_11, %dma_start3A_191] : memref<32x20480x32xf32, #tpu.memory_space<hbm>> -> memref<1x256x32xf32, #tpu.memory_space<hbm>>
      %dma_start3A_193 = tpu.memref_squeeze %dma_start3A_192 : memref<1x256x32xf32, #tpu.memory_space<hbm>> -> memref<256x32xf32, #tpu.memory_space<hbm>>
      %dma_start3A_194 = arith.constant 0 : i32
      %dma_start3A_195 = tpu.memref_slice %arg5[%add3A_190, %mul3A_11, %dma_start3A_194] : memref<32x20480x32xf32, #tpu.memory_space<hbm>> -> memref<1x256x32xf32, #tpu.memory_space<hbm>>
      %dma_start3A_196 = tpu.memref_squeeze %dma_start3A_195 : memref<1x256x32xf32, #tpu.memory_space<hbm>> -> memref<256x32xf32, #tpu.memory_space<hbm>>
      tpu.enqueue_dma source(%arg20 : memref<256x32xf32, #tpu.memory_space<vmem>>) target(%dma_start3A_196 : memref<256x32xf32, #tpu.memory_space<hbm>>) target_semaphore(%arg22 : memref<!tpu.dma_semaphore, #tpu.memory_space<semaphore_mem>>)
      %dma_wait3A_197 = arith.constant 0 : i32
      %dma_wait3A_198 = tpu.memref_slice %arg5[%add3A_190, %mul3A_11, %dma_wait3A_197] : memref<32x20480x32xf32, #tpu.memory_space<hbm>> -> memref<1x256x32xf32, #tpu.memory_space<hbm>>
      %dma_wait3A_199 = tpu.memref_squeeze %dma_wait3A_198 : memref<1x256x32xf32, #tpu.memory_space<hbm>> -> memref<256x32xf32, #tpu.memory_space<hbm>>
      %dma_wait3A_200 = arith.constant 0 : i32
      %dma_wait3A_201 = tpu.memref_slice %arg5[%add3A_190, %mul3A_11, %dma_wait3A_200] : memref<32x20480x32xf32, #tpu.memory_space<hbm>> -> memref<1x256x32xf32, #tpu.memory_space<hbm>>
      %dma_wait3A_202 = tpu.memref_squeeze %dma_wait3A_201 : memref<1x256x32xf32, #tpu.memory_space<hbm>> -> memref<256x32xf32, #tpu.memory_space<hbm>>
      tpu.wait_dma2 semaphore(%arg22 : memref<!tpu.dma_semaphore, #tpu.memory_space<semaphore_mem>>) src(%arg20 : memref<256x32xf32, #tpu.memory_space<vmem>>) dst(%dma_wait3A_202 : memref<256x32xf32, #tpu.memory_space<hbm>>)
    }
    %scan3A_8 = arith.constant 80 : i32
    return
  }
}

</mosaic_0001>

<sc_bundles>
// kernel: kernel.3.cloned.1.call-start
scs
__scs_entry_jumppad:
0x0: {  	(pc) =	sbr.rel $0x88, $3  }
0x1: {  	(tag) =	ssettag $0x0;
	lr =	simm.s32 $0x1  }
0x2: {  	[smem:$0x3F9B] =	sst lr;
	_ =	strace $0xD0000000  }
0x3: {  	_ = 	snop  }
0x4: {  	_ = 	snop  }
0x5: {  	_ = 	snop  }
0x6: {  	_ = 	snop  }
0x7: {  	_ = 	snop  }
__scs_overlays_trampoline_lowered:
0x8: {  	[smem:$0x3FAA] =	sst s0  }
0x9: {  	[smem:$0x3FAB] =	sst s1  }
0xa: {  	[smem:$0x3FAC] =	sst s2  }
0xb: {  	[smem:$0x3FAD] =	sst s3  }
0xc: {  	[smem:$0x3FAE] =	sst s4  }
0xd: {  	[smem:$0x3FAF] =	sst s5  }
0xe: {  	[smem:$0x3FB0] =	sst s6  }
0xf: {  	[smem:$0x3FB1] =	sst s7  }
0x10: {  	[smem:$0x3FB2] =	sst s8  }
0x11: {  	[smem:$0x3FB3] =	sst s9;
	s0 =	simm.s32 @!p0 $0x0  }
0x12: {  	s1 =	sld [smem:$0x3F99];
	s0 =	simm.s32 @p0 $0x1  }
0x13: {  	[smem:$0x3FB4] =	sst s0;
	s0 =	simm.s32 @!p1 $0x0  }
0x14: {  	s2 =	sld [smem:$0x3F98];
	s0 =	simm.s32 @p1 $0x1  }
0x15: {  	[smem:$0x3FB5] =	sst s0;
	s0 =	simm.s32 @!p2 $0x0  }
0x16: {  	s3 =	sld [smem:$0x3FDB];
	s0 =	simm.s32 @p2 $0x1  }
0x17: {  	s4 =	simm.s32 $0x1BF5;
	[smem:$0x3FB7] =	sst s0  }
0x18: {  	s0 =	sld [smem:$0x3F9A];
	_ =	swait.ge [sflag:s4], $0x0  }
0x19: {  	s7 =	sld [smem:$0x3F9B]  }
0x1a: {  	s8 =	sadd.s32 $0xFFFFE003, lr  }
0x1b: {  	s9 =	sadd.s32 $0xFFFFFEF7, lr;
	s5 =	simm.s32 $0xFFFFFFFF;
	p2 =	slt.u32 s8, $0xFFFFF086  }
0x1c: {  	p1 =	slt.u32 s9, $0xF7A;
	s5 =	simm.s32 @!p2 $0x0  }
0x1d: {  	s5 =	simm.s32 @p1 $0x1;
	p0 =	seq.s32 s7, s2  }
0x1e: {  	s7 =	smul.u32 @!p0 $0xF7A, s2;
	p2 =	seq.s32 @!p0 s5, $0x0  }
0x1f: {  	s9 =	smul.u32 $0xF7A, s1;
	s8 =	simm.s32 @!p0 $0x1BF5;
	p2 =	por !p2, p0  }
0x20: {  	[sflag:s8] =	ssyncset.s32 @!p0 $0xFFFFF086;
	s6 =	sadd.s32 @!p0 s3, s7;
	s7 =	simm.s32 @!p0 $0x108  }
0x21: {  	s3 =	sadd.s32 s3, s9;
	s6 =	sadd.s32 @!p0 $0x88, s6;
	s7 =	simm.s32 @p2 $0x1082  }
0x22: {  	[simem:s7], [sflag:s8] =	dma.local @!p0 [hbm:s6], $0xF7A  }
0x23: {  	s9 =	sor.u32 $0xD0000000, s2;
	s6 =	simm.s32 $0x108;
	_ =	swait.ge @!p0 [sflag:s8], $0x0  }
0x24: {  	s3 =	sadd.s32 $0x88, s3;
	s6 =	simm.s32 @!p1 $0x1082;
	[sflag:s4] =	ssyncset.s32 $0xFFFFF086  }
0x25: {  	[simem:s6], [sflag:s4] =	dma.local [hbm:s3], $0xF7A  }
0x26: {  	[smem:$0x3F9B] =	sst s1;
	(tag) =	ssettag s2;
	_ =	strace s9  }
0x27: {  	s1 =	sld [smem:$0x3FAB]  }
0x28: {  	s2 =	sld [smem:$0x3FAC]  }
0x29: {  	s4 =	sld [smem:$0x3FAE]  }
0x2a: {  	p0 =	seq.s32 s5, $0x0;
	s5 =	sld [smem:$0x3FAF]  }
0x2b: {  	s6 =	sld [smem:$0x3FB0]  }
0x2c: {  	s7 =	sld [smem:$0x3FB1]  }
0x2d: {  	s3 =	simm.s32 $0x108;
	s8 =	sld [smem:$0x3FB2]  }
0x2e: {  	s3 =	simm.s32 @!p0 $0x1082;
	s9 =	sld [smem:$0x3FB3]  }
0x2f: {  	lr =	sadd.s32 s0, s3;
	s0 =	sld [smem:$0x3FAA]  }
0x30: {  	s3 =	sld [smem:$0x3FAD]  }
0x31: {  	[smem:$0x3FB6] =	sst s10  }
0x32: {  	s10 =	sld [smem:$0x3FB4];
	_ =	sdelay $0x3  }
0x33: {  	p0 =	seq.s32 s10, $0x1;
	s10 =	sld [smem:$0x3FB6];
	_ =	sdelay $0x3  }
0x34: {  	[smem:$0x3FB6] =	sst s10  }
0x35: {  	s10 =	sld [smem:$0x3FB5];
	_ =	sdelay $0x3  }
0x36: {  	p1 =	seq.s32 s10, $0x1;
	s10 =	sld [smem:$0x3FB6];
	_ =	sdelay $0x3  }
0x37: {  	[smem:$0x3FB6] =	sst s10  }
0x38: {  	s10 =	sld [smem:$0x3FB7]  }
0x39: {  	_ = 	snop;
	(pc) =	sbr.ind lr, $3  }
0x3a: {  	_ = 	snop  }
0x3b: {  	_ = 	snop  }
0x3c: {  	p2 =	seq.s32 s10, $0x1;
	s10 =	sld [smem:$0x3FB6]  }
0x3d: {  	_ =	shalt  }
0x3e: {  	_ =	shalt  }
0x3f: {  	_ =	shalt  }
0x40: {  	_ =	shalt  }
0x41: {  	_ =	shalt  }
0x42: {  	_ =	shalt  }
0x43: {  	_ =	shalt  }
0x44: {  	_ =	shalt  }
0x45: {  	_ =	shalt  }
0x46: {  	_ =	shalt  }
0x47: {  	_ =	shalt  }
0x48: {  	_ =	shalt  }
0x49: {  	_ =	shalt  }
0x4a: {  	_ =	shalt  }
0x4b: {  	_ =	shalt  }
0x4c: {  	_ =	shalt  }
0x4d: {  	_ =	shalt  }
0x4e: {  	_ =	shalt  }
0x4f: {  	_ =	shalt  }
0x50: {  	_ =	shalt  }
0x51: {  	_ =	shalt  }
0x52: {  	_ =	shalt  }
0x53: {  	_ =	shalt  }
0x54: {  	_ =	shalt  }
0x55: {  	_ =	shalt  }
0x56: {  	_ =	shalt  }
0x57: {  	_ =	shalt  }
0x58: {  	_ =	shalt  }
0x59: {  	_ =	shalt  }
0x5a: {  	_ =	shalt  }
0x5b: {  	_ =	shalt  }
0x5c: {  	_ =	shalt  }
0x5d: {  	_ =	shalt  }
0x5e: {  	_ =	shalt  }
0x5f: {  	_ =	shalt  }
0x60: {  	_ =	shalt  }
0x61: {  	_ =	shalt  }
0x62: {  	_ =	shalt  }
0x63: {  	_ =	shalt  }
0x64: {  	_ =	shalt  }
0x65: {  	_ =	shalt  }
0x66: {  	_ =	shalt  }
0x67: {  	_ =	shalt  }
0x68: {  	_ =	shalt  }
0x69: {  	_ =	shalt  }
0x6a: {  	_ =	shalt  }
0x6b: {  	_ =	shalt  }
0x6c: {  	_ =	shalt  }
0x6d: {  	_ =	shalt  }
0x6e: {  	_ =	shalt  }
0x6f: {  	_ =	shalt  }
0x70: {  	_ =	shalt  }
0x71: {  	_ =	shalt  }
0x72: {  	_ =	shalt  }
0x73: {  	_ =	shalt  }
0x74: {  	_ =	shalt  }
0x75: {  	_ =	shalt  }
0x76: {  	_ =	shalt  }
0x77: {  	_ =	shalt  }
0x78: {  	_ =	shalt  }
0x79: {  	_ =	shalt  }
0x7a: {  	_ =	shalt  }
0x7b: {  	_ =	shalt  }
0x7c: {  	_ =	shalt  }
0x7d: {  	_ =	shalt  }
0x7e: {  	_ =	shalt  }
0x7f: {  	_ =	shalt  }
0x80: {  	_ =	shalt  }
0x81: {  	_ =	shalt  }
0x82: {  	_ =	shalt  }
0x83: {  	_ =	shalt  }
0x84: {  	_ =	shalt  }
0x85: {  	_ =	shalt  }
0x86: {  	_ =	shalt  }
0x87: {  	_ =	shalt  }
.Lfunc_end0:
.L_simem_size_0:
called_computation.2_lowered:
.L_overlay_start_0:
0x88: {  	s2 =	sld [smem:$0x3FD9]  }
0x89: {  	s3 =	sld [smem:$0x3FFE];
	_ =	sdelay $0x1  }
0x8a: {  	s1 =	srdreg.scid  }
0x8b: {  	s0 =	sand.u32 $0x1, s1  }
0x8c: {  	s17 =	sshll.u32 s0, $0xA;
	s2 =	sadd.s32 s3, s2  }
0x8d: {  	s2 =	sadd.s32 s2, s17  }
0x8e: {  	[smem:$0x3FC2] =	sst s2  }
0x8f: {  	_ = 	snop  }
0x90: {  	s2 =	sld [smem:$0x3FD0];
	(tm) =	ssettm $0x1  }
0x91: {  	s18 =	sld [smem:$0x3FFB];
	_ =	sdelay $0x3  }
0x92: {  	_ =	strace s18  }
0x93: {  	s3 =	sld [smem:$0x3FFC];
	_ =	sdelay $0x3  }
0x94: {  	_ =	strace s3  }
0x95: {  	s3 =	sld [smem:$0x3FFD];
	_ =	sdelay $0x3  }
0x96: {  	_ =	strace s3  }
0x97: {  	_ =	strace $0x8FFFFFFF  }
0x98: {  	s19 =	sld [smem:$0x3FDB];
	_ =	sdelay $0x1  }
0x99: {  	s4 =	simm.s32 $_scs_section_size  }
0x9a: {  	s5 =	simm.s32 $_size__tile_overlayer_lowered;
	s6 =	simm.s32 $_tile_overlayer_lowered  }
0x9b: {  	s22 =	simm.s32 $0x1BFF;
	s21 =	sshll.u32 s6, $0x1;
	s3 =	sadd.s32 s4, s19  }
0x9c: {  	s7 =	simm.s32 $0x0;
	s20 =	sshll.u32 s5, $0x1;
	s5 =	sadd.s32 s21, s3  }
0x9d: {  	[timem:s7], [sflag:s22] =	dma.local [hbm:s5], s20  }
0x9e: {  	_ =	swait.ge [sflag:s22], s20  }
0x9f: {  	s4 =	ssub.s32 $0x0, s20;
	[sflag:s22] =	ssyncset.done $0x0  }
0xa0: {  	[sflag:s22] =	ssyncadd.s32 s4;
	_ =	sdelay $0x1  }
0xa1: {  	s23 =	simm.s32 $0x1B8B  }
0xa2: {  	_ =	swait.ge [sflag:s23], $0x1  }
0xa3: {  	[sflag:s23] =	ssyncset.done $0x0  }
0xa4: {  	s25 =	simm.s32 $0x1B8E;
	s24 =	sld [smem:$0x3FFE];
	[sflag:s23] =	ssyncadd.s32 $0xFFFFFFFF  }
0xa5: {  	s26 =	simm.s32 $execute0_lowered;
	[smem:$0x3FD2] =	sst s25  }
0xa6: {  	s5 =	sshll.u32 s26, $0x1;
	_ =	strace $0x80000046;
	[dreg:$0x1] =	wrdreg $0xFFFFFFFF  }
0xa7: {  	s28 =	simm.s32 $_size_execute0_lowered;
	s3 =	sadd.s32 s3, s5;
	[dreg:$0x0] =	wrdreg $0x0  }
0xa8: {  	s5 =	sshll.u32 s28, $0x1;
	[dreg:$0x2] =	wrdreg s3  }
0xa9: {  	[dreg:$0x3] =	wrdreg s5  }
0xaa: {  	[dreg:$0x4] =	wrdreg $0xC0  }
0xab: {  	_ =	task [dreg:s7], $0x5FFFF  }
0xac: {  	[dreg:$0x1] =	wrdreg $0xFFFFFFFF  }
0xad: {  	[dreg:$0x0] =	wrdreg $0x60  }
0xae: {  	[dreg:$0x2] =	wrdreg s24  }
0xaf: {  	[dreg:$0x3] =	wrdreg s2  }
0xb0: {  	[dreg:$0x4] =	wrdreg $0x148000  }
0xb1: {  	[dreg:$0x5] =	wrdreg $0x9  }
0xb2: {  	_ =	task.clear_ibuf [dreg:s7], $0x6FFFF;
	_ =	strace $0x90000046  }
0xb3: {  	s29 =	simm.s32 $0x9;
	_ =	strace $0x80000048  }
0xb4: {  	_ =	swait.ge [sflag:s29], $0x1  }
0xb5: {  	[sflag:s29] =	ssyncadd.s32 $0xFFFFFFFF  }
0xb6: {  	_ =	strace $0x90000048  }
0xb7: {  	_ =	sfence  }
0xb8: {  	s30 =	sld [smem:$0x0];
	_ =	sdelay $0x2  }
0xb9: {  	s31 =	sshll.u32 s1, $0xD;
	s1 =	sshrl.u32 s1, $0x2  }
0xba: {  	s3 =	sand.u32 $0x4000, s31;
	s1 =	sadd.s32 s1, s30  }
0xbb: {  	s0 =	sor.u32 s3, s0;
	s1 =	sshll.u32 s1, $0x11  }
0xbc: {  	s0 =	sor.u32 s1, s0  }
0xbd: {  	s0 =	sadd.s32 $0x8F2B, s0  }
0xbe: {  	[sflag:s0] =	ssyncadd.remote.s32 $0x1  }
0xbf: {  	_ =	sfence.sel $0xFFFF  }
0xc0: {  	[dreg:$0x0] =	wrdreg $0xFFFFFFFF;
	(pc) =	sbr.abs _section_cstart, $3  }
0xc1: {  	[dreg:$0x1] =	wrdreg $0xFFFFFFFF  }
0xc2: {  	_ =	task.clear_ibuf [dreg:s7], $0x2FFFF;
	_ =	strace $0x9FFFFFFF  }
0xc3: {  	(tm) =	ssettm $0x7FFFFFFF  }
tec
execute0_lowered:
.L_overlay_start_1:
0x0: {  	(tag) =	ssettag $0x1  }
0x1: {  	s0 =	rddreg [dreg:$0x0];
	s1 =	srdreg.scid  }
0x2: {  	s2 =	rddreg [dreg:$0x2];
	s4 =	stileid.u32  }
0x3: {  	s3 =	simm.s32 $0x0;
	s11 =	simm.s32 $0x80;
	s13 =	simm.s32 $0xA800  }
0x4: {  	s14 =	simm.s32 $0xA080;
	s15 =	simm.s32 $0xB800;
	s16 =	simm.s32 $0xA100  }
0x5: {  	s17 =	simm.s32 $0xC800;
	s18 =	simm.s32 $0xA180;
	s19 =	simm.s32 $0xD800  }
0x6: {  	s20 =	simm.s32 $0xA200;
	s21 =	simm.s32 $0xE800;
	s22 =	simm.s32 $0xA280  }
0x7: {  	s23 =	simm.s32 $0xF800;
	s28 =	simm.s32 $0x11800;
	s29 =	simm.s32 $0x1  }
0x8: {  	s30 =	simm.s32 $0x12800;
	s31 =	simm.s32 $0x2;
	s1 =	sand.u32 $0x1, s1  }
0x9: {  	[smem:$0x7FF] =	sst s3;
	s5 =	sshll.u32 s1, $0x4;
	s6 =	smul.u32 $0x14000, s1  }
0xa: {  	p0 =	sne.s32 s4, $0x0;
	s1 =	ssub.s32 $0x2, s1;
	s5 =	sor.u32 s4, s5  }
0xb: {  	s24 =	sshrl.u32 s1, $0x1;
	s7 =	smul.u32 $0xA00, s5;
	s6 =	sadd.s32 s6, s0  }
0xc: {  	_ =	strace $0x80000047;
	s1 =	ssub.s32 s1, s24;
	s6 =	sadd.s32 $0x29000, s6  }
0xd: {  	s26 =	smax.u32 s1, $0x1;
	s0 =	sadd.s32 s7, s0;
	[dreg:$0x4] =	wrdreg s6  }
0xe: {  	s24 =	simm.s32 $0xA300;
	[dreg:$0x7] =	wrdreg s26;
	s25 =	sadd.s32 $0x15000, s0  }
0xf: {  	s1 =	simm.s32 $0x0;
	s0 =	sadd.s32 $0x1000, s0;
	[dreg:$0x5] =	wrdreg s25  }
0x10: {  	s7 =	smul.u32 $0xA0000, s5;
	[dreg:$0x6] =	wrdreg s0;
	s0 =	sshrl.u32 @!p0 s2, $0x3  }
0x11: {  	s26 =	simm.s32 $0xA380;
	s25 =	simm.s32 $0x10800;
	[dreg:$0x8] =	wrdreg s0  }
.LBB2_1:
0x12: {  	[dreg:$0x9] =	wrdreg s1  }
0x13: {  	s1 =	rddreg [dreg:$0x4]  }
0x14: {  	s0 =	simm.s32 @!p0 $0x1C03;
	s4 =	rddreg [dreg:$0x8]  }
0x15: {  	[spmem:s4], [sflag:s0] =	dma.local @!p0 [hbm:s1], $0x14000  }
0x16: {  	s0 =	simm.s32 @!p0 $0x3  }
0x17: {  	_ =	swait.ge @!p0 [sflag:s0], $0x14000  }
0x18: {  	[sflag:s0] =	ssyncset.done @!p0 $0x0  }
0x19: {  	s10 =	simm.s32 $0x3;
	s9 =	rddreg [dreg:$0x5];
	[sflag:s0] =	ssyncadd.s32 @!p0 $0xFFFEC000  }
0x1a: {  	[tilespmem:s3], [sflag:$0x3] =	stream.linear.gather [hbm4b:s9+s3], $0x5000, $0x38;
	[tilespmem:$0x1E800] =	vst v63  }
0x1b: {  	_ =	swait.ge [sflag:s10], $0x5000  }
0x1c: {  	[sflag:s10] =	ssyncset.done $0x0  }
0x1d: {  	s4 =	simm.s32 $0x5000;
	s12 =	rddreg [dreg:$0x6];
	[sflag:s10] =	ssyncadd.s32 $0xFFFFB000  }
0x1e: {  	[tilespmem:s4], [sflag:$0x3] =	stream.linear.gather [hbm4b:s12+s3], $0x5000, $0x38;
	[tilespmem:$0x1E800] =	vst v63  }
0x1f: {  	_ =	swait.ge [sflag:s10], $0x5000  }
0x20: {  	[sflag:s10] =	ssyncset.done $0x0  }
0x21: {  	[sflag:s10] =	ssyncadd.s32 $0xFFFFB000  }
0x22: {  	s5 =	simm.s32 $0x0;
	s6 =	simm.s32 $0x0;
	[bflag:$0x0] =	sbarrier.arrive $0xFFFF  }
.LBB2_2:
0x23: {  	v0 =	vmov s4  }
0x24: {  	v1 =	vmov s5;
	_ =	sdelay $0x2  }
0x25: {  	s0 =	simm.s32 $0x0  }
0x26: {  	v3 =	vld.idx.msk [tilespmem:v0+s0+$0x0 ss:$0x1], $0xffff  }
0x27: {  	s1 =	simm.s32 $0x40;
	v2 =	vld.idx.msk [tilespmem:v1+s0+$0x0 ss:$0x1], $0xffff  }
.LBB2_3:
0x28: {  	_ = 	snop  }
0x29: {  	p1 =	sne.s32 s1, $0x1C0;
	s8 =	smov.u32 s1;
	s1 =	sadd.s32 $0x40, s1  }
0x2a: {  	_ = 	snop  }
0x2b: {  	v4 =	vtrunc.f32 v3  }
0x2c: {  	v5 =	vtrunc.f32 v2;
	v4 =	vcvt.f32.s32 v4  }
0x2d: {  	s8 =	sshra.s32 s8, $0x2;
	v5 =	vcvt.f32.s32 v5  }
0x2e: {  	v6 =	vcvt.s32.f32 v4;
	v7 =	vadd.s32 $0x1, v4;
	v4 =	vmul.u32 $0xA0, v4  }
0x2f: {  	v8 =	vcvt.s32.f32 v5;
	v9 =	vadd.s32 $0x1, v5;
	vm0 =	vlt.s32 v7, $0x7F  }
0x30: {  	v3 =	vsub.f32 v3, v6;
	vm1 =	vlt.s32 v9, $0x9F;
	v6 =	vnsel vm0, $0x7F, v7  }
0x31: {  	v2 =	vsub.f32 v2, v8;
	v7 =	vnsel vm1, $0x9F, v9;
	v6 =	vmul.u32 $0xA0, v6  }
0x32: {  	v8 =	vadd.s32 v5, v4;
	v4 =	vadd.s32 v7, v4  }
0x33: {  	v10 =	vsub.f32 $1.000000000e+00, v3;
	v9 =	vsub.f32 $1.000000000e+00, v2;
	v11 =	vmul.f32 v3, v2;
	[tilespmem:s0+$0xA200] =	vst v4  }
0x34: {  	v4 =	vadd.s32 v5, v6;
	v5 =	vadd.s32 v7, v6;
	[tilespmem:s0+$0xA000] =	vst v8  }
0x35: {  	v6 =	vmul.f32 v10, v9;
	v3 =	vmul.f32 v3, v9;
	[tilespmem:s0+$0xA700] =	vst v11  }
0x36: {  	v2 =	vmul.f32 v10, v2;
	[tilespmem:s0+$0xA100] =	vst v4  }
0x37: {  	[tilespmem:s0+$0xA400] =	vst v6  }
.Ltmp0:
0x38: {  	[tilespmem:s0+$0xA500] =	vst v3;
	(pc) =	sbr.rel @p1 .LBB2_3-.Ltmp0, $4  }
0x39: {  	[tilespmem:s0+$0xA600] =	vst v2  }
0x3a: {  	[tilespmem:s0+$0xA300] =	vst v5;
	s0 =	smov.u32 s8  }
0x3b: {  	v3 =	vld.idx.msk [tilespmem:v0+s0+$0x0 ss:$0x1], $0xffff  }
0x3c: {  	v2 =	vld.idx.msk [tilespmem:v1+s0+$0x0 ss:$0x1], $0xffff  }
0x3d: {  	_ =	sdelay $0x2  }
0x3e: {  	v4 =	vtrunc.f32 v3  }
0x3f: {  	v5 =	vtrunc.f32 v2;
	v4 =	vcvt.f32.s32 v4  }
0x40: {  	v5 =	vcvt.f32.s32 v5  }
0x41: {  	v6 =	vcvt.s32.f32 v4  }
0x42: {  	v7 =	vadd.s32 $0x1, v4;
	v4 =	vmul.u32 $0xA0, v4;
	v8 =	vcvt.s32.f32 v5  }
0x43: {  	v9 =	vadd.s32 $0x1, v5;
	vm0 =	vlt.s32 v7, $0x7F;
	v3 =	vsub.f32 v3, v6  }
0x44: {  	vm1 =	vlt.s32 v9, $0x9F;
	v60 =	vnsel vm0, $0x7F, v7;
	v62 =	vadd.s32 v5, v4  }
0x45: {  	v2 =	vsub.f32 v2, v8;
	v61 =	vnsel vm1, $0x9F, v9;
	v6 =	vmul.u32 $0xA0, v60  }
0x46: {  	[tilespmem:s0+$0xA000] =	vst v62;
	v4 =	vadd.s32 v61, v4;
	v10 =	vsub.f32 $1.000000000e+00, v3  }
0x47: {  	v63 =	vsub.f32 $1.000000000e+00, v2;
	v11 =	vmul.f32 v3, v2;
	[tilespmem:s0+$0xA200] =	vst v4;
	v4 =	vadd.s32 v5, v6  }
0x48: {  	[tilespmem:s0+$0xA100] =	vst v4;
	v2 =	vmul.f32 v10, v2  }
0x49: {  	v5 =	vmul.f32 v10, v63;
	[tilespmem:s0+$0xA700] =	vst v11  }
0x4a: {  	v3 =	vmul.f32 v3, v63;
	[tilespmem:s0+$0xA600] =	vst v2  }
0x4b: {  	[tilespmem:s0+$0xA400] =	vst v5  }
0x4c: {  	[tilespmem:s0+$0xA500] =	vst v3;
	v3 =	vadd.s32 v61, v6  }
0x4d: {  	[tilespmem:s0+$0xA300] =	vst v3;
	s0 =	simm.s32 $0x80  }
0x4e: {  	v3 =	vld.idx.msk [tilespmem:v0+s0+$0x0 ss:$0x1], $0xffff  }
0x4f: {  	s1 =	simm.s32 $0x240;
	v2 =	vld.idx.msk [tilespmem:v1+s0+$0x0 ss:$0x1], $0xffff  }
.LBB2_5:
0x50: {  	_ = 	snop  }
0x51: {  	p1 =	sne.s32 s1, $0x3C0;
	s8 =	smov.u32 s1;
	s1 =	sadd.s32 $0x40, s1  }
0x52: {  	_ = 	snop  }
0x53: {  	v4 =	vtrunc.f32 v3  }
0x54: {  	v5 =	vtrunc.f32 v2;
	v4 =	vcvt.f32.s32 v4  }
0x55: {  	s8 =	sshra.s32 s8, $0x2;
	v5 =	vcvt.f32.s32 v5  }
0x56: {  	v6 =	vcvt.s32.f32 v4;
	v7 =	vadd.s32 $0x1, v4;
	v4 =	vmul.u32 $0xA0, v4  }
0x57: {  	v8 =	vcvt.s32.f32 v5;
	v9 =	vadd.s32 $0x1, v5;
	vm0 =	vlt.s32 v7, $0x7F  }
0x58: {  	v3 =	vsub.f32 v3, v6;
	vm1 =	vlt.s32 v9, $0x9F;
	v6 =	vnsel vm0, $0x7F, v7  }
0x59: {  	v2 =	vsub.f32 v2, v8;
	v7 =	vnsel vm1, $0x9F, v9;
	v6 =	vmul.u32 $0xA0, v6  }
0x5a: {  	v8 =	vadd.s32 v5, v4;
	v4 =	vadd.s32 v7, v4  }
0x5b: {  	v10 =	vsub.f32 $1.000000000e+00, v3;
	v9 =	vsub.f32 $1.000000000e+00, v2;
	v11 =	vmul.f32 v3, v2;
	[tilespmem:s0+$0xA200] =	vst v4  }
0x5c: {  	v4 =	vadd.s32 v5, v6;
	v5 =	vadd.s32 v7, v6;
	[tilespmem:s0+$0xA000] =	vst v8  }
0x5d: {  	v6 =	vmul.f32 v10, v9;
	v3 =	vmul.f32 v3, v9;
	[tilespmem:s0+$0xA700] =	vst v11  }
0x5e: {  	v2 =	vmul.f32 v10, v2;
	[tilespmem:s0+$0xA100] =	vst v4  }
0x5f: {  	[tilespmem:s0+$0xA400] =	vst v6  }
.Ltmp1:
0x60: {  	[tilespmem:s0+$0xA500] =	vst v3;
	(pc) =	sbr.rel @p1 .LBB2_5-.Ltmp1, $4  }
0x61: {  	[tilespmem:s0+$0xA600] =	vst v2  }
0x62: {  	[tilespmem:s0+$0xA300] =	vst v5;
	s0 =	smov.u32 s8  }
0x63: {  	v3 =	vld.idx.msk [tilespmem:v0+s0+$0x0 ss:$0x1], $0xffff  }
0x64: {  	v2 =	vld.idx.msk [tilespmem:v1+s0+$0x0 ss:$0x1], $0xffff  }
0x65: {  	_ =	sdelay $0x2  }
0x66: {  	v0 =	vtrunc.f32 v3  }
0x67: {  	v1 =	vtrunc.f32 v2;
	v0 =	vcvt.f32.s32 v0  }
0x68: {  	v1 =	vcvt.f32.s32 v1  }
0x69: {  	v4 =	vcvt.s32.f32 v0;
	v5 =	vadd.s32 $0x1, v0;
	v0 =	vmul.u32 $0xA0, v0  }
0x6a: {  	v6 =	vcvt.s32.f32 v1;
	v7 =	vadd.s32 $0x1, v1;
	vm0 =	vlt.s32 v5, $0x7F  }
0x6b: {  	v54 =	vsub.f32 v3, v4;
	vm1 =	vlt.s32 v7, $0x9F;
	v55 =	vnsel vm0, $0x7F, v5  }
0x6c: {  	v58 =	vadd.s32 v1, v0;
	v57 =	vnsel vm1, $0x9F, v7;
	v4 =	vmul.u32 $0xA0, v55  }
0x6d: {  	v56 =	vsub.f32 v2, v6;
	[tilespmem:s0+$0xA000] =	vst v58;
	v0 =	vadd.s32 v57, v0  }
0x6e: {  	v8 =	vsub.f32 $1.000000000e+00, v54;
	[tilespmem:s0+$0xA200] =	vst v0;
	v60 =	vadd.s32 v1, v4  }
0x6f: {  	v59 =	vsub.f32 $1.000000000e+00, v56;
	v9 =	vmul.f32 v54, v56;
	v63 =	vadd.s32 v57, v4;
	[tilespmem:s0+$0xA100] =	vst v60  }
0x70: {  	v62 =	vmul.f32 v8, v56;
	[tilespmem:s0+$0xA300] =	vst v63  }
0x71: {  	v61 =	vmul.f32 v8, v59;
	[tilespmem:s0+$0xA700] =	vst v9  }
0x72: {  	v3 =	vmul.f32 v54, v59;
	[tilespmem:s0+$0xA600] =	vst v62  }
0x73: {  	[tilespmem:s0+$0xA400] =	vst v61  }
0x74: {  	s12 =	simm.s32 $0xA000;
	[tilespmem:s0+$0xA500] =	vst v3  }
0x75: {  	[tilespmem:s13], [sflag:$0x1] =	stream.indirect.gather [spmem:s2], $0x20, s12, s11, $0xb8;
	[tilespmem:$0x1E800] =	vst v63  }
0x76: {  	_ = 	snop  }
0x77: {  	[tilespmem:s15], [sflag:$0x1] =	stream.indirect.gather [spmem:s2], $0x20, s14, s11, $0xb8;
	[tilespmem:$0x1E800] =	vst v63  }
0x78: {  	_ = 	snop  }
0x79: {  	[tilespmem:s17], [sflag:$0x1] =	stream.indirect.gather [spmem:s2], $0x20, s16, s11, $0xb8;
	[tilespmem:$0x1E800] =	vst v63  }
0x7a: {  	_ = 	snop  }
0x7b: {  	[tilespmem:s19], [sflag:$0x1] =	stream.indirect.gather [spmem:s2], $0x20, s18, s11, $0xb8;
	[tilespmem:$0x1E800] =	vst v63  }
0x7c: {  	_ = 	snop  }
0x7d: {  	[tilespmem:s21], [sflag:$0x1] =	stream.indirect.gather [spmem:s2], $0x20, s20, s11, $0xb8;
	[tilespmem:$0x1E800] =	vst v63  }
0x7e: {  	_ = 	snop  }
0x7f: {  	[tilespmem:s23], [sflag:$0x1] =	stream.indirect.gather [spmem:s2], $0x20, s22, s11, $0xb8;
	[tilespmem:$0x1E800] =	vst v63  }
0x80: {  	_ = 	snop  }
0x81: {  	[tilespmem:s25], [sflag:$0x1] =	stream.indirect.gather [spmem:s2], $0x20, s24, s11, $0xb8;
	[tilespmem:$0x1E800] =	vst v63  }
0x82: {  	_ = 	snop  }
0x83: {  	[tilespmem:s28], [sflag:$0x1] =	stream.indirect.gather [spmem:s2], $0x20, s26, s11, $0xb8;
	[tilespmem:$0x1E800] =	vst v63  }
0x84: {  	_ =	swait.ge [sflag:s29], $0x1000  }
0x85: {  	[sflag:s29] =	ssyncset.done $0x0  }
0x86: {  	[sflag:s29] =	ssyncadd.s32 $0xFFFFF000  }
0x87: {  	_ =	swait.ge [sflag:s29], $0x1000  }
0x88: {  	[sflag:s29] =	ssyncset.done $0x0  }
0x89: {  	[sflag:s29] =	ssyncadd.s32 $0xFFFFF000  }
0x8a: {  	_ =	swait.ge [sflag:s29], $0x1000  }
0x8b: {  	[sflag:s29] =	ssyncset.done $0x0  }
0x8c: {  	[sflag:s29] =	ssyncadd.s32 $0xFFFFF000  }
0x8d: {  	_ =	swait.ge [sflag:s29], $0x1000  }
0x8e: {  	[sflag:s29] =	ssyncset.done $0x0  }
0x8f: {  	[sflag:s29] =	ssyncadd.s32 $0xFFFFF000  }
0x90: {  	_ =	swait.ge [sflag:s29], $0x1000  }
0x91: {  	[sflag:s29] =	ssyncset.done $0x0  }
0x92: {  	[sflag:s29] =	ssyncadd.s32 $0xFFFFF000  }
0x93: {  	_ =	swait.ge [sflag:s29], $0x1000  }
0x94: {  	[sflag:s29] =	ssyncset.done $0x0  }
0x95: {  	[sflag:s29] =	ssyncadd.s32 $0xFFFFF000  }
0x96: {  	_ =	swait.ge [sflag:s29], $0x1000  }
0x97: {  	[sflag:s29] =	ssyncset.done $0x0  }
0x98: {  	[sflag:s29] =	ssyncadd.s32 $0xFFFFF000  }
0x99: {  	s8 =	simm.s32 $0x0;
	_ =	swait.ge [sflag:s29], $0x1000  }
0x9a: {  	s9 =	simm.s32 $0xA700;
	s10 =	simm.s32 $0xA600;
	[sflag:s29] =	ssyncset.done $0x0  }
0x9b: {  	s1 =	simm.s32 $0xA400;
	s0 =	simm.s32 $0xA500;
	[sflag:s29] =	ssyncadd.s32 $0xFFFFF000  }
.LBB2_7:
0x9c: {  	v2 =	vld [tilespmem:s1+$0x0]  }
0x9d: {  	v3 =	vld [tilespmem:s0+$0x0]  }
0x9e: {  	v1 =	vld [tilespmem:s10+$0x0]  }
0x9f: {  	v0 =	vld [tilespmem:s9+$0x0];
	s12 =	sshra.s32 s8, $0x2  }
0xa0: {  	v4 =	vld [tilespmem:s12+$0xA800]  }
0xa1: {  	v5 =	vld [tilespmem:s12+$0xC800]  }
0xa2: {  	v6 =	vld [tilespmem:s12+$0xE800]  }
0xa3: {  	v7 =	vld [tilespmem:s12+$0x10800]  }
0xa4: {  	v8 =	vld [tilespmem:s12+$0xA810]  }
0xa5: {  	v9 =	vld [tilespmem:s12+$0xC810]  }
0xa6: {  	v10 =	vld [tilespmem:s12+$0xE810]  }
0xa7: {  	v11 =	vld [tilespmem:s12+$0x10810]  }
0xa8: {  	v12 =	vld [tilespmem:s12+$0xA820]  }
0xa9: {  	v13 =	vld [tilespmem:s12+$0xC820]  }
0xaa: {  	v14 =	vld [tilespmem:s12+$0xE820]  }
0xab: {  	v15 =	vld [tilespmem:s12+$0x10820]  }
0xac: {  	v16 =	vld [tilespmem:s12+$0xA830]  }
0xad: {  	v17 =	vld [tilespmem:s12+$0xC830]  }
0xae: {  	v18 =	vld [tilespmem:s12+$0xE830]  }
0xaf: {  	v19 =	vld [tilespmem:s12+$0x10830]  }
0xb0: {  	v20 =	vld [tilespmem:s12+$0xA840]  }
0xb1: {  	v21 =	vld [tilespmem:s12+$0xC840]  }
0xb2: {  	v22 =	vld [tilespmem:s12+$0xE840]  }
0xb3: {  	v23 =	vld [tilespmem:s12+$0x10840]  }
0xb4: {  	v24 =	vld [tilespmem:s12+$0xA850]  }
0xb5: {  	v25 =	vld [tilespmem:s12+$0xC850]  }
0xb6: {  	v26 =	vld [tilespmem:s12+$0xE850]  }
0xb7: {  	v27 =	vld [tilespmem:s12+$0x10850]  }
0xb8: {  	v28 =	vld [tilespmem:s12+$0xA860]  }
0xb9: {  	v29 =	vld [tilespmem:s12+$0xC860]  }
0xba: {  	v30 =	vld [tilespmem:s12+$0xE860]  }
0xbb: {  	v31 =	vld [tilespmem:s12+$0x10860]  }
0xbc: {  	v32 =	vld [tilespmem:s12+$0xA870]  }
0xbd: {  	v33 =	vld [tilespmem:s12+$0xC870];
	v40 =	vbroadcast v2, $0x0  }
0xbe: {  	v34 =	vld [tilespmem:s12+$0xE870];
	v41 =	vbroadcast v3, $0x0;
	v43 =	vbroadcast v1, $0x0  }
0xbf: {  	v35 =	vld [tilespmem:s12+$0x10870];
	v44 =	vbroadcast v0, $0x0;
	v60 =	vbroadcast v2, $0x1  }
0xc0: {  	v36 =	vld [tilespmem:s12+$0xA880];
	v61 =	vbroadcast v3, $0x1;
	v62 =	vbroadcast v1, $0x1  }
0xc1: {  	v37 =	vld [tilespmem:s12+$0xC880];
	v63 =	vbroadcast v0, $0x1;
	v4 =	vmul.f32 v4, v40  }
0xc2: {  	v38 =	vld [tilespmem:s12+$0xE880];
	v5 =	vmul.f32 v5, v41;
	v6 =	vmul.f32 v6, v43  }
0xc3: {  	v39 =	vld [tilespmem:s12+$0x10880];
	v7 =	vmul.f32 v7, v44;
	v8 =	vmul.f32 v8, v40  }
0xc4: {  	v42 =	vld [tilespmem:s12+$0xA890];
	v9 =	vmul.f32 v9, v41;
	v58 =	vmul.f32 v10, v43  }
0xc5: {  	v45 =	vld [tilespmem:s12+$0xC890];
	v59 =	vmul.f32 v11, v44;
	v12 =	vmul.f32 v12, v60  }
0xc6: {  	v46 =	vld [tilespmem:s12+$0xE890];
	v13 =	vmul.f32 v13, v61;
	v52 =	vmul.f32 v14, v62  }
0xc7: {  	v47 =	vld [tilespmem:s12+$0x10890];
	v53 =	vmul.f32 v15, v63;
	v54 =	vmul.f32 v16, v60  }
0xc8: {  	v48 =	vld [tilespmem:s12+$0x108A0];
	v55 =	vmul.f32 v17, v61;
	v60 =	vbroadcast v1, $0x2  }
0xc9: {  	v49 =	vld [tilespmem:s12+$0xA8B0];
	v61 =	vbroadcast v0, $0x2;
	v4 =	vadd.f32 v5, v4;
	v8 =	vadd.f32 v9, v8  }
0xca: {  	v40 =	vld [tilespmem:s12+$0xA8A0];
	v57 =	vmul.f32 v19, v63;
	v44 =	vmul.f32 v22, v60  }
0xcb: {  	v41 =	vld [tilespmem:s12+$0xC8A0];
	v50 =	vmul.f32 v23, v61;
	v4 =	vadd.f32 v6, v4;
	v8 =	vadd.f32 v58, v8  }
0xcc: {  	v43 =	vld [tilespmem:s12+$0xE8A0];
	v56 =	vadd.f32 v13, v12;
	v10 =	vmul.f32 v26, v60;
	v58 =	vbroadcast v2, $0x2  }
0xcd: {  	v15 =	vld [tilespmem:s12+$0xC8B0];
	v6 =	vmul.f32 v18, v62;
	v5 =	vadd.f32 v7, v4;
	v4 =	vadd.f32 v59, v8  }
0xce: {  	v16 =	vld [tilespmem:s12+$0xE8B0];
	v8 =	vadd.f32 v55, v54;
	v59 =	vbroadcast v3, $0x2;
	v62 =	vmul.f32 v20, v58  }
0xcf: {  	v17 =	vld [tilespmem:s12+$0x108B0];
	v7 =	vadd.f32 v52, v56;
	v9 =	vmul.f32 v24, v58;
	v52 =	vmul.f32 v27, v61  }
0xd0: {  	v19 =	vld [tilespmem:s12+$0xC8C0];
	v54 =	vbroadcast v3, $0x3;
	v55 =	vbroadcast v1, $0x3  }
0xd1: {  	v23 =	vld [tilespmem:s12+$0x108C0];
	v56 =	vbroadcast v0, $0x3;
	v6 =	vadd.f32 v6, v8;
	v63 =	vmul.f32 v21, v59  }
0xd2: {  	v26 =	vld [tilespmem:s12+$0x108E0];
	v7 =	vadd.f32 v53, v7;
	v51 =	vmul.f32 v25, v59;
	v53 =	vbroadcast v2, $0x3  }
0xd3: {  	v18 =	vld [tilespmem:s12+$0xA8C0];
	v29 =	vmul.f32 v29, v54;
	v58 =	vmul.f32 v31, v56  }
0xd4: {  	v24 =	vld [tilespmem:s12+$0xA8D0];
	v60 =	vmul.f32 v33, v54;
	v54 =	vbroadcast v0, $0x4;
	v6 =	vadd.f32 v57, v6  }
0xd5: {  	v20 =	vld [tilespmem:s12+$0xC8D0];
	v8 =	vadd.f32 v63, v62;
	v28 =	vmul.f32 v28, v53;
	v57 =	vmul.f32 v30, v55  }
0xd6: {  	v27 =	vld [tilespmem:s12+$0x108D0];
	v9 =	vadd.f32 v51, v9;
	v59 =	vmul.f32 v32, v53;
	v62 =	vmul.f32 v34, v55  }
0xd7: {  	v21 =	vld [tilespmem:s12+$0xE8C0];
	v63 =	vmul.f32 v35, v56;
	v51 =	vbroadcast v3, $0x4  }
0xd8: {  	v25 =	vld [tilespmem:s12+$0xE8D0];
	v53 =	vbroadcast v1, $0x4;
	v8 =	vadd.f32 v44, v8;
	v10 =	vadd.f32 v10, v9  }
0xd9: {  	v31 =	vld [tilespmem:s12+$0xC8E0];
	v22 =	vmul.f32 v47, v54;
	v61 =	vadd.f32 v29, v28;
	v56 =	vmul.f32 v37, v51  }
0xda: {  	v33 =	vld [tilespmem:s12+$0xA8F0];
	v12 =	vmul.f32 v46, v53;
	v9 =	vadd.f32 v50, v8;
	v8 =	vadd.f32 v52, v10  }
0xdb: {  	v32 =	vld [tilespmem:s12+$0xE8E0];
	v50 =	vbroadcast v2, $0x4;
	v52 =	vadd.f32 v57, v61;
	v57 =	vmul.f32 v38, v53  }
0xdc: {  	v34 =	vld [tilespmem:s12+$0xC8F0];
	v10 =	vadd.f32 v60, v59;
	v60 =	vmul.f32 v45, v51;
	v61 =	vbroadcast v2, $0x5  }
0xdd: {  	v35 =	vld [tilespmem:s12+$0xC900];
	v55 =	vmul.f32 v36, v50;
	v11 =	vadd.f32 v58, v52;
	v58 =	vmul.f32 v39, v54  }
0xde: {  	v47 =	vld [tilespmem:s12+$0xC910];
	v10 =	vadd.f32 v62, v10;
	v59 =	vmul.f32 v42, v50;
	v62 =	vbroadcast v3, $0x5  }
0xdf: {  	v30 =	vld [tilespmem:s12+$0x10910];
	v50 =	vbroadcast v0, $0x5;
	v51 =	vmul.f32 v40, v61  }
0xe0: {  	v44 =	vld [tilespmem:s12+$0xA8E0];
	v10 =	vadd.f32 v63, v10;
	v63 =	vbroadcast v1, $0x5;
	v52 =	vmul.f32 v41, v62  }
0xe1: {  	v29 =	vld [tilespmem:s12+$0xA900];
	v13 =	vadd.f32 v56, v55;
	v54 =	vmul.f32 v48, v50;
	v55 =	vmul.f32 v49, v61  }
0xe2: {  	v46 =	vld [tilespmem:s12+$0x10900];
	v15 =	vmul.f32 v15, v62;
	v17 =	vmul.f32 v17, v50  }
0xe3: {  	v28 =	vld [tilespmem:s12+$0xE910];
	v14 =	vadd.f32 v60, v59;
	v56 =	vbroadcast v2, $0x6;
	v59 =	vbroadcast v0, $0x6  }
0xe4: {  	v37 =	vld [tilespmem:s12+$0xE930];
	v50 =	vbroadcast v2, $0x7;
	v53 =	vmul.f32 v43, v63  }
0xe5: {  	v38 =	vld [tilespmem:s12+$0x108F0];
	v13 =	vadd.f32 v57, v13;
	v16 =	vmul.f32 v16, v63;
	v57 =	vbroadcast v3, $0x6  }
0xe6: {  	v45 =	vld [tilespmem:s12+$0x10950];
	v12 =	vadd.f32 v12, v14;
	v18 =	vmul.f32 v18, v56;
	v23 =	vmul.f32 v23, v59  }
0xe7: {  	v36 =	vld [tilespmem:s12+$0xE8F0];
	v14 =	vadd.f32 v52, v51;
	v60 =	vmul.f32 v24, v56;
	v63 =	vmul.f32 v27, v59  }
0xe8: {  	v42 =	vld [tilespmem:s12+$0xE900];
	v15 =	vadd.f32 v15, v55;
	v51 =	vbroadcast v3, $0x7;
	v55 =	vmul.f32 v44, v50  }
0xe9: {  	v40 =	vld [tilespmem:s12+$0xA920];
	v59 =	vbroadcast v2, $0x8;
	v13 =	vadd.f32 v58, v13;
	v12 =	vadd.f32 v22, v12  }
0xea: {  	v39 =	vld [tilespmem:s12+$0x10930];
	v14 =	vadd.f32 v53, v14;
	v58 =	vbroadcast v1, $0x6;
	v19 =	vmul.f32 v19, v57  }
0xeb: {  	v41 =	vld [tilespmem:s12+$0xA910];
	v16 =	vadd.f32 v16, v15;
	v61 =	vmul.f32 v20, v57;
	v53 =	vbroadcast v1, $0x7  }
0xec: {  	v48 =	vld [tilespmem:s12+$0xC920];
	v31 =	vmul.f32 v31, v51;
	v57 =	vmul.f32 v33, v50;
	v15 =	vadd.f32 v54, v14  }
0xed: {  	v49 =	vld [tilespmem:s12+$0xE920];
	v21 =	vmul.f32 v21, v58;
	v14 =	vadd.f32 v17, v16;
	v62 =	vmul.f32 v25, v58  }
0xee: {  	v43 =	vld [tilespmem:s12+$0x10920];
	v18 =	vadd.f32 v19, v18;
	v54 =	vbroadcast v0, $0x7;
	v56 =	vmul.f32 v32, v53  }
0xef: {  	v24 =	vld [tilespmem:s12+$0xC930];
	v16 =	vadd.f32 v61, v60;
	v58 =	vmul.f32 v34, v51;
	v60 =	vbroadcast v3, $0x8  }
0xf0: {  	v44 =	vld [tilespmem:s12+$0xA940];
	v19 =	vadd.f32 v31, v55;
	v61 =	vbroadcast v1, $0x8;
	v26 =	vmul.f32 v26, v54  }
0xf1: {  	v27 =	vld [tilespmem:s12+$0xE940];
	v52 =	vadd.f32 v21, v18;
	v18 =	vmul.f32 v36, v53;
	v21 =	vmul.f32 v38, v54  }
0xf2: {  	v22 =	vld [tilespmem:s12+$0xA930];
	v16 =	vadd.f32 v62, v16;
	v62 =	vbroadcast v0, $0x8;
	v50 =	vmul.f32 v35, v60  }
0xf3: {  	v33 =	vld [tilespmem:s12+$0xA960];
	v20 =	vadd.f32 v58, v57;
	v51 =	vmul.f32 v42, v61;
	v53 =	vmul.f32 v41, v59  }
0xf4: {  	v32 =	vld [tilespmem:s12+$0xC940];
	v19 =	vadd.f32 v56, v19;
	v54 =	vmul.f32 v47, v60;
	v56 =	vbroadcast v2, $0x9  }
0xf5: {  	v31 =	vld [tilespmem:s12+$0x10940];
	v57 =	vbroadcast v3, $0x9;
	v58 =	vbroadcast v1, $0x9;
	v17 =	vadd.f32 v23, v52  }
0xf6: {  	v34 =	vld [tilespmem:s12+$0xA950];
	v16 =	vadd.f32 v63, v16;
	v63 =	vmul.f32 v29, v59;
	v52 =	vmul.f32 v46, v62  }
0xf7: {  	v38 =	vld [tilespmem:s12+$0xC950];
	v23 =	vmul.f32 v28, v61;
	v55 =	vmul.f32 v30, v62  }
0xf8: {  	v35 =	vld [tilespmem:s12+$0xE950];
	v18 =	vadd.f32 v18, v20;
	v59 =	vbroadcast v0, $0x9;
	v60 =	vmul.f32 v40, v56  }
0xf9: {  	v36 =	vld [tilespmem:s12+$0xE960];
	v61 =	vmul.f32 v48, v57;
	v62 =	vmul.f32 v49, v58  }
0xfa: {  	v47 =	vld [tilespmem:s12+$0xA970];
	v48 =	vbroadcast v1, $0xB;
	v18 =	vadd.f32 v21, v18;
	v43 =	vmul.f32 v43, v59  }
0xfb: {  	v41 =	vld [tilespmem:s12+$0xC980];
	v20 =	vadd.f32 v50, v63;
	v63 =	vmul.f32 v22, v56;
	v50 =	vmul.f32 v24, v57  }
0xfc: {  	v29 =	vld [tilespmem:s12+$0xC960];
	v21 =	vadd.f32 v54, v53;
	v53 =	vbroadcast v2, $0xA;
	v54 =	vbroadcast v3, $0xA  }
0xfd: {  	v46 =	vld [tilespmem:s12+$0x10960];
	v56 =	vbroadcast v0, $0xA;
	v20 =	vadd.f32 v51, v20;
	v51 =	vmul.f32 v37, v58  }
0xfe: {  	v49 =	vld [tilespmem:s12+$0xC970];
	v57 =	vmul.f32 v44, v53;
	v32 =	vmul.f32 v32, v54  }
0xff: {  	v30 =	vld [tilespmem:s12+$0xA990];
	v21 =	vadd.f32 v23, v21;
	v31 =	vmul.f32 v31, v56;
	v22 =	vmul.f32 v34, v53  }
0x100: {  	v24 =	vld [tilespmem:s12+$0xE970];
	v23 =	vadd.f32 v61, v60;
	v58 =	vmul.f32 v38, v54;
	v60 =	vbroadcast v2, $0xB  }
0x101: {  	v28 =	vld [tilespmem:s12+$0x10970];
	v61 =	vmul.f32 v45, v56;
	v56 =	vbroadcast v2, $0xC  }
0x102: {  	v40 =	vld [tilespmem:s12+$0x10990];
	v42 =	vadd.f32 v52, v20;
	v20 =	vadd.f32 v55, v21;
	v52 =	vmul.f32 v39, v59  }
0x103: {  	v37 =	vld [tilespmem:s12+$0xA980];
	v23 =	vadd.f32 v62, v23;
	v55 =	vbroadcast v1, $0xA;
	v62 =	vbroadcast v3, $0xB  }
0x104: {  	v44 =	vld [tilespmem:s12+$0xE980];
	v21 =	vadd.f32 v50, v63;
	v63 =	vmul.f32 v33, v60;
	v50 =	vbroadcast v0, $0xB  }
0x105: {  	v45 =	vld [tilespmem:s12+$0xA9A0];
	v25 =	vadd.f32 v32, v57;
	v38 =	vmul.f32 v30, v56;
	v24 =	vmul.f32 v24, v48  }
0x106: {  	v34 =	vld [tilespmem:s12+$0xC9A0];
	v22 =	vadd.f32 v58, v22;
	v27 =	vmul.f32 v27, v55;
	v59 =	vmul.f32 v35, v55  }
0x107: {  	v39 =	vld [tilespmem:s12+$0xE990];
	v21 =	vadd.f32 v51, v21;
	v29 =	vmul.f32 v29, v62;
	v51 =	vmul.f32 v36, v48  }
0x108: {  	v32 =	vld [tilespmem:s12+$0xC9B0];
	v23 =	vadd.f32 v43, v23;
	v53 =	vmul.f32 v46, v50;
	v54 =	vmul.f32 v49, v62  }
0x109: {  	[tilespmem:s12+$0x12800] =	vst v5;
	v33 =	vld [tilespmem:s12+$0xE9B0];
	v58 =	vmul.f32 v28, v50;
	v49 =	vbroadcast v2, $0xD;
	v21 =	vadd.f32 v52, v21  }
0x10a: {  	[tilespmem:s12+$0x12810] =	vst v4;
	v43 =	vld [tilespmem:s12+$0x10980];
	v25 =	vadd.f32 v27, v25;
	v22 =	vadd.f32 v59, v22;
	v52 =	vmul.f32 v47, v60  }
0x10b: {  	[tilespmem:s12+$0x12820] =	vst v7;
	v35 =	vld [tilespmem:s12+$0xC990];
	v55 =	vadd.f32 v29, v63;
	v59 =	vbroadcast v3, $0xC;
	v60 =	vmul.f32 v37, v56  }
0x10c: {  	[tilespmem:s12+$0x12830] =	vst v6;
	v36 =	vld [tilespmem:s12+$0xE9A0];
	v63 =	vbroadcast v0, $0xC;
	v56 =	vbroadcast v1, $0xD;
	v4 =	vadd.f32 v61, v22  }
0x10d: {  	[tilespmem:s12+$0x12840] =	vst v9;
	v50 =	vld [tilespmem:s12+$0xC9C0];
	v57 =	vadd.f32 v54, v52;
	v61 =	vbroadcast v1, $0xC;
	v62 =	vmul.f32 v41, v59  }
0x10e: {  	[tilespmem:s12+$0x12850] =	vst v8;
	v29 =	vld [tilespmem:s12+$0x109A0];
	v7 =	vadd.f32 v51, v55;
	v52 =	vmul.f32 v40, v63;
	v55 =	vmul.f32 v45, v49  }
0x10f: {  	[tilespmem:s12+$0x12860] =	vst v11;
	v47 =	vld [tilespmem:s12+$0xA9C0];
	v33 =	vmul.f32 v33, v56;
	v40 =	vbroadcast v1, $0xE  }
0x110: {  	[tilespmem:s12+$0x12870] =	vst v10;
	v5 =	vadd.f32 v31, v25;
	v31 =	vld [tilespmem:s12+$0xA9B0];
	v1 =	vbroadcast v1, $0xF;
	v46 =	vmul.f32 v35, v59  }
0x111: {  	[tilespmem:s12+$0x12880] =	vst v13;
	v19 =	vadd.f32 v26, v19;
	v41 =	vld [tilespmem:s12+$0x109B0];
	v59 =	vbroadcast v0, $0xD;
	v35 =	vbroadcast v2, $0xE  }
0x112: {  	[tilespmem:s12+$0x12890] =	vst v12;
	v54 =	vld [tilespmem:s12+$0xE9C0];
	v2 =	vbroadcast v2, $0xF;
	v6 =	vadd.f32 v24, v57;
	v37 =	vmul.f32 v44, v61  }
0x113: {  	[tilespmem:s12+$0x128A0] =	vst v15;
	v45 =	vld [tilespmem:s12+$0xC9F0];
	v7 =	vadd.f32 v53, v7;
	v44 =	vmul.f32 v43, v63;
	v48 =	vmul.f32 v39, v61  }
0x114: {  	[tilespmem:s12+$0x128B0] =	vst v14;
	v8 =	vadd.f32 v62, v60;
	v53 =	vbroadcast v3, $0xD;
	v57 =	vld [tilespmem:s12+$0x109C0];
	v61 =	vmul.f32 v36, v56  }
0x115: {  	[tilespmem:s12+$0x128C0] =	vst v17;
	v60 =	vld [tilespmem:s12+$0xA9D0];
	v63 =	vmul.f32 v29, v59;
	v39 =	vmul.f32 v47, v35;
	v6 =	vadd.f32 v58, v6  }
0x116: {  	[tilespmem:s12+$0x128D0] =	vst v16;
	v62 =	vld [tilespmem:s12+$0xC9D0];
	v8 =	vadd.f32 v37, v8;
	v58 =	vmul.f32 v34, v53;
	v37 =	vbroadcast v3, $0xE  }
0x117: {  	[tilespmem:s12+$0x128E0] =	vst v19;
	v36 =	vld [tilespmem:s12+$0x109D0];
	v51 =	vadd.f32 v46, v38;
	v3 =	vbroadcast v3, $0xF;
	v13 =	vmul.f32 v31, v49  }
0x118: {  	[tilespmem:s12+$0x128F0] =	vst v18;
	v43 =	vld [tilespmem:s12+$0xA9F0];
	v31 =	vmul.f32 v32, v53;
	v14 =	vmul.f32 v41, v59  }
0x119: {  	[tilespmem:s12+$0x12900] =	vst v42;
	v38 =	vld [tilespmem:s12+$0xA9E0];
	v9 =	vadd.f32 v48, v51;
	v48 =	vbroadcast v0, $0xE;
	v0 =	vbroadcast v0, $0xF  }
0x11a: {  	[tilespmem:s12+$0x12910] =	vst v20;
	v41 =	vld [tilespmem:s12+$0xC9E0];
	v8 =	vadd.f32 v44, v8;
	v11 =	vadd.f32 v58, v55;
	v42 =	vmul.f32 v50, v37  }
0x11b: {  	[tilespmem:s12+$0x12920] =	vst v23;
	v32 =	vld [tilespmem:s12+$0xE9D0];
	v44 =	vmul.f32 v54, v40;
	v9 =	vadd.f32 v52, v9;
	v15 =	vmul.f32 v60, v35  }
0x11c: {  	[tilespmem:s12+$0x12930] =	vst v21;
	v46 =	vld [tilespmem:s12+$0xE9E0];
	v13 =	vadd.f32 v31, v13;
	v17 =	vmul.f32 v62, v37;
	v56 =	vmul.f32 v57, v48  }
0x11d: {  	[tilespmem:s12+$0x12940] =	vst v5;
	v50 =	vld [tilespmem:s12+$0xE9F0];
	v59 =	vmul.f32 v36, v48;
	v10 =	vadd.f32 v61, v11;
	v47 =	vadd.f32 v42, v39  }
0x11e: {  	[tilespmem:s12+$0x12950] =	vst v4;
	v52 =	vld [tilespmem:s12+$0x109E0];
	v53 =	vmul.f32 v38, v2;
	v2 =	vmul.f32 v43, v2;
	v12 =	vadd.f32 v33, v13  }
0x11f: {  	[tilespmem:s12+$0x12960] =	vst v7;
	v55 =	vld [tilespmem:s12+$0x109F0];
	v51 =	vadd.f32 v17, v15;
	v10 =	vadd.f32 v63, v10;
	v54 =	vmul.f32 v41, v3  }
0x120: {  	[tilespmem:s12+$0x12970] =	vst v6;
	v49 =	vmul.f32 v32, v40;
	v5 =	vadd.f32 v44, v47;
	v3 =	vmul.f32 v45, v3  }
0x121: {  	[tilespmem:s12+$0x12980] =	vst v8;
	v58 =	vmul.f32 v46, v1;
	v12 =	vadd.f32 v14, v12;
	v57 =	vadd.f32 v54, v53  }
0x122: {  	[tilespmem:s12+$0x12990] =	vst v9;
	v1 =	vmul.f32 v50, v1;
	v4 =	vadd.f32 v49, v51;
	v2 =	vadd.f32 v3, v2  }
0x123: {  	p1 =	sne.s32 s8, $0x7800;
	[tilespmem:s12+$0x129A0] =	vst v10;
	v60 =	vadd.f32 v56, v5;
	v62 =	vmul.f32 v52, v0;
	v61 =	vadd.f32 v58, v57  }
.Ltmp2:
0x124: {  	v0 =	vmul.f32 v55, v0;
	[tilespmem:s12+$0x129B0] =	vst v12;
	v4 =	vadd.f32 v59, v4;
	v1 =	vadd.f32 v1, v2;
	(pc) =	sbr.rel @p1 .LBB2_7-.Ltmp2, $4  }
0x125: {  	[tilespmem:s12+$0x129C0] =	vst v60;
	v63 =	vadd.f32 v62, v61  }
0x126: {  	[tilespmem:s12+$0x129D0] =	vst v4;
	v0 =	vadd.f32 v0, v1  }
0x127: {  	s9 =	sadd.s32 $0x10, s9;
	s10 =	sadd.s32 $0x10, s10;
	[tilespmem:s12+$0x129E0] =	vst v63  }
0x128: {  	s0 =	sadd.s32 $0x10, s0;
	s1 =	sadd.s32 $0x10, s1;
	s8 =	sadd.s32 $0x800, s8;
	[tilespmem:s12+$0x129F0] =	vst v0  }
0x129: {  	s0 =	sshll.u32 s6, $0xD  }
0x12a: {  	s6 =	sadd.s32 $0x1, s6;
	s0 =	sadd.s32 s7, s0  }
0x12b: {  	s1 =	rddreg [dreg:$0x1];
	p1 =	sne.s32 s6, $0x50;
	s0 =	sshrl.u32 s0, $0x3  }
.Ltmp3:
0x12c: {  	s0 =	sadd.s32 s1, s0;
	(pc) =	sbr.rel @p1 .LBB2_2-.Ltmp3, $4  }
0x12d: {  	[hbm4b:s0+s3] =	stream.linear.scatter [tilespmem:s30], [sflag:$0x2], $0x2000, $0x38;
	[tilespmem:$0x1E800] =	vst v63  }
0x12e: {  	_ =	swait.ge [sflag:s31], $0x2000  }
0x12f: {  	[sflag:s31] =	ssyncset.done $0x0  }
0x130: {  	s4 =	sadd.s32 $0x100, s4;
	s5 =	sadd.s32 $0x100, s5;
	[sflag:s31] =	ssyncadd.s32 $0xFFFFE000  }
0x131: {  	s1 =	rddreg [dreg:$0x9]  }
0x132: {  	s0 =	rddreg [dreg:$0x7];
	s1 =	sadd.s32 $0x1, s1  }
0x133: {  	p1 =	sne.s32 s1, s0  }
.Ltmp4:
0x134: {  	_ = 	snop;
	(pc) =	sbr.rel @p1 .LBB2_1-.Ltmp4, $1  }
0x135: {  	_ =	sdelay $0x3  }
0x136: {  	_ =	sfence.sel $0x180000  }
0x137: {  	[bflag:$0x0] =	sbarrier.arrive $0xFFFF  }
0x138: {  	_ =	strace $0x90000047  }
0x139: {  	[bflag:$0x2] =	sbarrier.arrive $0xFFFF  }
0x13a: {  	s0 =	rddreg [dreg:$0x3]  }
0x13b: {  	s0 =	sadd.s32 @!p0 $0x100000, s0  }
0x13c: {  	[sflag:s0] =	ssyncadd.tile.s32 @!p0 $0x1;
	_ =	shalt  }
.Lfunc_end2:
_tile_overlayer_lowered:
.L_overlay_start_2:
0x13d: {  	(tag) =	ssettag $0x2  }
0x13e: {  	s0 =	rddreg [dreg:$0x0];
	s2 =	stileid.u32  }
0x13f: {  	s1 =	rddreg [dreg:$0x1];
	p0 =	sne.s32 s2, $0x0  }
0x140: {  	s3 =	rddreg [dreg:$0x2];
	[bflag:$0x3] =	sbarrier.arrive $0xFFFF;
	s2 =	simm.s32 @!p0 $0x1C03  }
0x141: {  	[timem:s3], [sflag:s2] =	dma.local @!p0 [hbm:s0], s1  }
0x142: {  	s0 =	simm.s32 @!p0 $0x3  }
0x143: {  	_ =	swait.ge @!p0 [sflag:s0], s1  }
0x144: {  	s1 =	ssub.s32 @!p0 $0x0, s1;
	[sflag:s0] =	ssyncset.done @!p0 $0x0  }
0x145: {  	[sflag:s0] =	ssyncadd.s32 @!p0 s1  }
0x146: {  	[bflag:$0x3] =	sbarrier.arrive $0xFFFF  }
0x147: {  	_ =	shalt  }

// kernel: sparse-core-data-format-call.1.cloned.1.call-start
scs
called_computation.1_lowered:
.L_overlay_start_0:
0x0: {  	s2 =	sld [smem:$0x3FD9]  }
0x1: {  	s3 =	sld [smem:$0x3FFE];
	_ =	sdelay $0x1  }
0x2: {  	s1 =	srdreg.scid  }
0x3: {  	s0 =	sand.u32 $0x1, s1  }
0x4: {  	s18 =	sshll.u32 s0, $0xA;
	s2 =	sadd.s32 s3, s2  }
0x5: {  	s2 =	sadd.s32 s2, s18  }
0x6: {  	[smem:$0x3FC2] =	sst s2  }
0x7: {  	_ = 	snop  }
0x8: {  	s2 =	sld [smem:$0x3FD0];
	(tm) =	ssettm $0x1  }
0x9: {  	s19 =	sld [smem:$0x3FFB];
	_ =	sdelay $0x3  }
0xa: {  	_ =	strace s19  }
0xb: {  	s3 =	sld [smem:$0x3FFC];
	_ =	sdelay $0x3  }
0xc: {  	_ =	strace s3  }
0xd: {  	s3 =	sld [smem:$0x3FFD];
	_ =	sdelay $0x3  }
0xe: {  	_ =	strace s3  }
0xf: {  	_ =	strace $0x8FFFFFFF  }
0x10: {  	s20 =	sld [smem:$0x3FDB];
	_ =	sdelay $0x1  }
0x11: {  	s4 =	simm.s32 $_scs_section_size  }
0x12: {  	s5 =	simm.s32 $_size__tile_overlayer_lowered;
	s6 =	simm.s32 $_tile_overlayer_lowered  }
0x13: {  	s23 =	simm.s32 $0x1BFF;
	s22 =	sshll.u32 s6, $0x1;
	s3 =	sadd.s32 s4, s20  }
0x14: {  	s7 =	simm.s32 $0x0;
	s21 =	sshll.u32 s5, $0x1;
	s5 =	sadd.s32 s22, s3  }
0x15: {  	[timem:s7], [sflag:s23] =	dma.local [hbm:s5], s21  }
0x16: {  	_ =	swait.ge [sflag:s23], s21  }
0x17: {  	s4 =	ssub.s32 $0x0, s21;
	[sflag:s23] =	ssyncset.done $0x0  }
0x18: {  	[sflag:s23] =	ssyncadd.s32 s4;
	_ =	sdelay $0x1  }
0x19: {  	s24 =	simm.s32 $0x1B8B  }
0x1a: {  	_ =	swait.ge [sflag:s24], $0x1  }
0x1b: {  	[sflag:s24] =	ssyncset.done $0x0  }
0x1c: {  	s26 =	simm.s32 $0x1B8E;
	s25 =	sld [smem:$0x3FFE];
	[sflag:s24] =	ssyncadd.s32 $0xFFFFFFFF  }
0x1d: {  	s27 =	simm.s32 $execute0_lowered;
	[smem:$0x3FD2] =	sst s26  }
0x1e: {  	s5 =	sshll.u32 s27, $0x1;
	_ =	strace $0x80000049;
	[dreg:$0x1] =	wrdreg $0xFFFFFFFF  }
0x1f: {  	s28 =	simm.s32 $_size_execute0_lowered;
	s3 =	sadd.s32 s3, s5;
	[dreg:$0x0] =	wrdreg $0x0  }
0x20: {  	s5 =	sshll.u32 s28, $0x1;
	[dreg:$0x2] =	wrdreg s3  }
0x21: {  	[dreg:$0x3] =	wrdreg s5  }
0x22: {  	[dreg:$0x4] =	wrdreg $0xC0  }
0x23: {  	_ =	task [dreg:s7], $0x5FFFF  }
0x24: {  	[dreg:$0x1] =	wrdreg $0xFFFFFFFF  }
0x25: {  	[dreg:$0x0] =	wrdreg $0x60  }
0x26: {  	[dreg:$0x2] =	wrdreg s25  }
0x27: {  	[dreg:$0x3] =	wrdreg s2  }
0x28: {  	[dreg:$0x4] =	wrdreg $0x9  }
0x29: {  	_ =	task.clear_ibuf [dreg:s7], $0x5FFFF;
	_ =	strace $0x90000049  }
0x2a: {  	s29 =	simm.s32 $0x9;
	_ =	strace $0x8000004B  }
0x2b: {  	_ =	swait.ge [sflag:s29], $0x1  }
0x2c: {  	[sflag:s29] =	ssyncadd.s32 $0xFFFFFFFF  }
0x2d: {  	_ =	strace $0x9000004B  }
0x2e: {  	_ =	sfence  }
0x2f: {  	s30 =	sld [smem:$0x0];
	_ =	sdelay $0x2  }
0x30: {  	s31 =	sshll.u32 s1, $0xD;
	s1 =	sshrl.u32 s1, $0x2  }
0x31: {  	s3 =	sand.u32 $0x4000, s31;
	s1 =	sadd.s32 s1, s30  }
0x32: {  	s0 =	sor.u32 s3, s0;
	s1 =	sshll.u32 s1, $0x11  }
0x33: {  	s0 =	sor.u32 s1, s0  }
0x34: {  	s0 =	sadd.s32 $0x8F2B, s0  }
0x35: {  	[sflag:s0] =	ssyncadd.remote.s32 $0x1  }
0x36: {  	_ =	sfence.sel $0xFFFF  }
0x37: {  	[dreg:$0x0] =	wrdreg $0xFFFFFFFF;
	(pc) =	sbr.abs _section_cstart, $3  }
0x38: {  	[dreg:$0x1] =	wrdreg $0xFFFFFFFF  }
0x39: {  	_ =	task.clear_ibuf [dreg:s7], $0x2FFFF;
	_ =	strace $0x9FFFFFFF  }
0x3a: {  	(tm) =	ssettm $0x7FFFFFFF  }
0x3b: {  	_ =	shalt  }
tec
execute0_lowered:
.L_overlay_start_1:
0x0: {  	(tag) =	ssettag $0x1  }
0x1: {  	s11 =	rddreg [dreg:$0x0]  }
0x2: {  	s2 =	rddreg [dreg:$0x1]  }
0x3: {  	s1 =	stileid.u32;
	s0 =	rddreg [dreg:$0x2]  }
0x4: {  	s4 =	srdreg.scid;
	_ =	strace $0x8000004A;
	s31 =	simm.s32 $0x2  }
0x5: {  	s19 =	simm.s32 $0x0;
	s13 =	simm.s32 $0x50000;
	s20 =	simm.s32 $0x0  }
0x6: {  	s18 =	simm.s32 $0x0;
	s17 =	simm.s32 $0x0;
	s3 =	sand.u32 $0x1, s1  }
0x7: {  	s5 =	sshll.u32 s1, $0x1;
	s6 =	sshll.u32 s1, $0x4;
	s7 =	sshll.u32 s4, $0x8  }
0x8: {  	s4 =	sand.u32 $0xC, s5;
	s27 =	sor.u32 s6, s7;
	s28 =	ssub.s32 $0x2, s3  }
0x9: {  	s7 =	simm.s32 $0x1;
	s16 =	smov.u32 s3;
	s8 =	ssub.s32 $0x10, s4  }
0xa: {  	s29 =	sshrl.u32 s28, $0x1;
	s6 =	sand.u32 $0x1, s28;
	s30 =	sand.u32 $0xC, s8  }
0xb: {  	s5 =	sand.u32 $0x180, s27;
	s15 =	smov.u32 s4;
	p0 =	sne.s32 s30, $0x0  }
0xc: {  	s9 =	ssub.s32 $0x5000, s5;
	s8 =	sshrl.u32 s8, $0x4;
	s7 =	simm.s32 @!p0 $0x0  }
0xd: {  	s6 =	sadd.s32 s6, s29;
	s10 =	sand.u32 $0x180, s9;
	s7 =	sadd.s32 s7, s8  }
0xe: {  	p0 =	sne.s32 s10, $0x0;
	s8 =	simm.s32 $0x1;
	s7 =	smul.u32 s6, s7  }
.Ltmp0:
0xf: {  	s9 =	sshrl.u32 s9, $0x9;
	s8 =	simm.s32 @!p0 $0x0;
	(pc) =	sbr.rel .LBB1_1-.Ltmp0, $4  }
0x10: {  	s14 =	smov.u32 s5;
	s10 =	sadd.s32 $0xA1000, s11;
	s8 =	sadd.s32 s8, s9  }
0x11: {  	s6 =	simm.s32 $0x1;
	p0 =	por $0x0, $0x0;
	s7 =	smul.u32 s8, s7  }
0x12: {  	[sflag:s6] =	ssyncpa.u1 $0x0;
	s9 =	sadd.s32 $0x51000, s11;
	s8 =	sadd.s32 $0x1000, s11  }
0x13: {  	[sflag:s31] =	ssyncpa.u1 $0x0;
	s11 =	sadd.s32 $0xF1000, s11;
	s12 =	sadd.s32 $0x1, s7  }
.LBB1_7:
0x14: {  	s21 =	sadd.s32 $0x200, s14  }
0x15: {  	s18 =	sadd.s32 $0x10, s15;
	s22 =	smov.u32 s15;
	p2 =	sgt.s32 s21, $0x4FFF  }
0x16: {  	s22 =	smov.u32 @p2 s18  }
0x17: {  	s24 =	smov.u32 s16;
	s18 =	sadd.s32 $0x2, s16;
	p3 =	sgt.s32 s22, $0xF  }
0x18: {  	s24 =	smov.u32 @p3 s18  }
0x19: {  	s21 =	smov.u32 @p2 s5;
	p2 =	sgt.s32 s24, $0x1  }
0x1a: {  	p1 =	slt.u32 s17, $0x2;
	s24 =	smov.u32 @p2 s3;
	p2 =	sne.s32 s17, s12  }
.Ltmp1:
0x1b: {  	s23 =	simm.s32 @!p1 $0x2;
	(pc) =	sbr.rel @!p2 .LBB1_8-.Ltmp1, $4  }
0x1c: {  	s19 =	smov.u32 s14;
	s20 =	smov.u32 s15;
	_ =	swait.ge @!p1 [sflag:s23], $0x4000  }
0x1d: {  	p0 =	por !p0, !p0;
	[sflag:s23] =	ssyncset.done @!p1 $0x0;
	s14 =	smov.u32 s21  }
0x1e: {  	s22 =	smov.u32 @p3 s4;
	s18 =	smov.u32 s16;
	[sflag:s23] =	ssyncadd.s32 @!p1 $0xFFFFC000  }
0x1f: {  	s15 =	smov.u32 s22;
	s17 =	sadd.s32 $0x1, s17;
	s16 =	smov.u32 s24  }
.LBB1_1:
0x20: {  	p1 =	sge.u32 s17, s7  }
0x21: {  	s21 =	sand.u32 @!p1 $0x1FFFFFF, s14  }
0x22: {  	s22 =	smulhi.u32 @!p1 $0xCCCCCD, s21;
	_ =	sdelay $0x1  }
0x23: {  	s23 =	smul.u32 @!p1 $0x500000, s16;
	s22 =	sshrl.u32 @!p1 s22, $0x6  }
0x24: {  	s22 =	smul.u32 @!p1 $0x5000, s22  }
0x25: {  	s24 =	sxor.u32 @!p1 $0xFFFFFFFF, s17;
	s25 =	smul.u32 @!p1 $0x50000, s15  }
0x26: {  	s26 =	simm.s32 @!p1 $0x20;
	s21 =	ssub.s32 @!p1 s21, s22;
	s22 =	sadd.s32 @!p1 s8, s23  }
0x27: {  	s24 =	sshll.u32 @!p1 s24, $0xE;
	s21 =	sshll.u32 @!p1 s21, $0x4;
	s22 =	sadd.s32 @!p1 s25, s22  }
0x28: {  	s27 =	simm.s32 @!p1 $0x80;
	s24 =	sand.u32 @!p1 $0x4000, s24;
	s22 =	sadd.s32 @!p1 s21, s22  }
0x29: {  	[tilespmem:s24], [sflag:$0x1] =	stream.strided.gather @!p1 [hbm4b:s22+s26], $0x1000, s27, s26, $0x38;
	[tilespmem:$0x10100] =	vst v63  }
0x2a: {  	s22 =	sadd.s32 @!p1 s23, s9  }
0x2b: {  	s22 =	sadd.s32 @!p1 s25, s22  }
0x2c: {  	s28 =	sor.u32 @!p1 $0x1000, s24;
	s22 =	sadd.s32 @!p1 s21, s22  }
0x2d: {  	[tilespmem:s28], [sflag:$0x1] =	stream.strided.gather @!p1 [hbm4b:s22+s26], $0x1000, s27, s26, $0x38;
	[tilespmem:$0x10100] =	vst v63  }
0x2e: {  	s22 =	sadd.s32 @!p1 s23, s10  }
0x2f: {  	s22 =	sadd.s32 @!p1 s25, s22  }
0x30: {  	s28 =	sor.u32 @!p1 $0x2000, s24;
	s22 =	sadd.s32 @!p1 s21, s22  }
0x31: {  	[tilespmem:s28], [sflag:$0x1] =	stream.strided.gather @!p1 [hbm4b:s22+s26], $0x1000, s27, s26, $0x38;
	[tilespmem:$0x10100] =	vst v63  }
0x32: {  	s22 =	sadd.s32 @!p1 s23, s11  }
0x33: {  	s22 =	sadd.s32 @!p1 s25, s22  }
0x34: {  	s31 =	sadd.s32 $0xFFFFFFFF, s17;
	s21 =	sadd.s32 @!p1 s21, s22;
	s22 =	sor.u32 @!p1 $0x3000, s24  }
0x35: {  	[tilespmem:s22], [sflag:$0x1] =	stream.strided.gather @!p1 [hbm4b:s21+s26], $0x1000, s27, s26, $0x38;
	[tilespmem:$0x10100] =	vst v63  }
0x36: {  	p1 =	sge.u32 s31, s7  }
.Ltmp2:
0x37: {  	_ = 	snop;
	(pc) =	sbr.rel @p1 .LBB1_7-.Ltmp2, $1  }
0x38: {  	_ =	sdelay $0x3  }
0x39: {  	s21 =	simm.s32 $0x1;
	s23 =	sand.u32 $0x1, s17  }
0x3a: {  	_ =	swait.ge [sflag:s6], $0x4000;
	s21 =	simm.s32 @!p0 $0x0;
	s24 =	smul.u32 $0x10200, s23  }
0x3b: {  	[sflag:s6] =	ssyncset.done $0x0;
	s22 =	smul.u32 $0x10200, s21  }
0x3c: {  	s21 =	sshll.u32 s21, $0xE;
	[sflag:s6] =	ssyncadd.s32 $0xFFFFC000  }
0x3d: {  	s23 =	sor.u32 $0x10, s21;
	s31 =	sshrl.u32 s24, $0x2;
	s22 =	sshrl.u32 s22, $0x2  }
0x3e: {  	s24 =	simm.s32 $0x0;
	s21 =	sor.u32 $0x8000, s31;
	s22 =	sor.u32 $0x8000, s22  }
.LBB1_3:
0x3f: {  	v1 =	vld [tilespmem:s23+$0x0]  }
0x40: {  	v0 =	vld [tilespmem:s23+$0xFFFFFFF0];
	_ =	sdelay $0x2  }
0x41: {  	s27 =	sadd.s32 $0x0, s22  }
0x42: {  	s25 =	simm.s32 $0x4;
	s26 =	sadd.s32 $0x20, s23;
	[tilespmem:s27+$0x2040 ss:$0x204] =	vst.msk $0xffff, v1  }
.LBB1_4:
0x43: {  	v1 =	vld [tilespmem:s26+$0x0];
	p1 =	sne.s32 s25, $0x1FC;
	[tilespmem:s27+$0x0 ss:$0x204] =	vst.msk $0xffff, v0;
	s27 =	smov.u32 s25;
	s25 =	sadd.s32 $0x4, s25  }
.Ltmp3:
0x44: {  	v0 =	vld [tilespmem:s26+$0xFFFFFFF0];
	(pc) =	sbr.rel @p1 .LBB1_4-.Ltmp3, $4  }
0x45: {  	_ = 	snop  }
0x46: {  	s27 =	sshra.s32 s27, $0x2  }
0x47: {  	s27 =	sadd.s32 s27, s22  }
0x48: {  	s26 =	sadd.s32 $0x20, s26;
	[tilespmem:s27+$0x2040 ss:$0x204] =	vst.msk $0xffff, v1  }
0x49: {  	s24 =	sadd.s32 $0x1, s24  }
0x4a: {  	p1 =	sne.s32 s24, $0x4  }
.Ltmp4:
0x4b: {  	_ = 	snop;
	(pc) =	sbr.rel @p1 .LBB1_3-.Ltmp4, $2  }
0x4c: {  	_ =	sdelay $0x2  }
0x4d: {  	[tilespmem:s27+$0x0 ss:$0x204] =	vst.msk $0xffff, v0;
	s22 =	sadd.s32 $0x81, s22;
	s23 =	sadd.s32 $0x1000, s23  }
0x4e: {  	s22 =	sshrl.u32 s20, $0x3  }
0x4f: {  	s23 =	sshll.u32 s19, $0x3;
	s25 =	sshll.u32 s20, $0x7;
	s22 =	smul.u32 $0x28000, s22  }
0x50: {  	s26 =	sand.u32 $0x7F, s19;
	s23 =	sand.u32 $0xFFFFFC00, s23;
	s20 =	sand.u32 $0x380, s25  }
0x51: {  	s19 =	sor.u32 s26, s20;
	s22 =	sadd.s32 s22, s23  }
0x52: {  	s19 =	sor.u32 s22, s19;
	s22 =	smulhi.u32 $0xCCCCCCCD, s22  }
0x53: {  	s27 =	smulhi.u32 $0xCCCCCCCD, s19;
	_ =	sdelay $0x1  }
0x54: {  	s18 =	smul.u32 $0x140000, s18;
	s22 =	sshrl.u32 s22, $0xE;
	s20 =	sshrl.u32 s27, $0xE  }
0x55: {  	s22 =	sand.u32 $0xF, s22;
	s20 =	smul.u32 $0x5000, s20  }
0x56: {  	s28 =	smul.u32 $0xA00, s22  }
.Ltmp5:
0x57: {  	s19 =	ssub.s32 s19, s20;
	(pc) =	sbr.rel .LBB1_7-.Ltmp5, $4  }
0x58: {  	s18 =	sadd.s32 s2, s18;
	s29 =	sand.u32 $0x7, s19  }
0x59: {  	s18 =	sadd.s32 s28, s18;
	s19 =	sshrl.u32 s19, $0x3;
	s30 =	sshll.u32 s29, $0x12  }
0x5a: {  	s18 =	sadd.s32 s19, s18;
	s31 =	sor.u32 $0x200, s30  }
0x5b: {  	[hbm4b:s18+s31] =	stream.strided.scatter [tilespmem:s21], [sflag:$0x2], $0x4000, s13, s31, $0x20;
	[tilespmem:$0x10100] =	vst v63  }
.LBB1_8:
0x5c: {  	_ =	sfence.sel $0x180000  }
0x5d: {  	s2 =	simm.s32 $0x1;
	[bflag:$0x0] =	sbarrier.arrive $0xFFFF  }
0x5e: {  	s31 =	simm.s32 $0x2;
	[sflag:s2] =	ssyncpa.u1 $0x1  }
0x5f: {  	[sflag:s31] =	ssyncpa.u1 $0x1  }
0x60: {  	p0 =	sne.s32 s1, $0x0;
	_ =	strace $0x9000004A  }
0x61: {  	s0 =	sadd.s32 @!p0 $0x100000, s0;
	[bflag:$0x2] =	sbarrier.arrive $0xFFFF  }
0x62: {  	[sflag:s0] =	ssyncadd.tile.s32 @!p0 $0x1;
	_ =	shalt  }
.Lfunc_end1:
_tile_overlayer_lowered:
.L_overlay_start_2:
0x63: {  	(tag) =	ssettag $0x2  }
0x64: {  	s0 =	rddreg [dreg:$0x0];
	s2 =	stileid.u32  }
0x65: {  	s1 =	rddreg [dreg:$0x1];
	p0 =	sne.s32 s2, $0x0  }
0x66: {  	s3 =	rddreg [dreg:$0x2];
	[bflag:$0x3] =	sbarrier.arrive $0xFFFF;
	s2 =	simm.s32 @!p0 $0x1C01  }
0x67: {  	[timem:s3], [sflag:s2] =	dma.local @!p0 [hbm:s0], s1  }
0x68: {  	s0 =	simm.s32 @!p0 $0x1  }
0x69: {  	_ =	swait.ge @!p0 [sflag:s0], s1  }
0x6a: {  	s1 =	ssub.s32 @!p0 $0x0, s1;
	[sflag:s0] =	ssyncset.done @!p0 $0x0  }
0x6b: {  	[sflag:s0] =	ssyncadd.s32 @!p0 s1  }
0x6c: {  	[bflag:$0x3] =	sbarrier.arrive $0xFFFF  }
0x6d: {  	_ =	shalt  }

// kernel: sparse-core-data-format-call.cloned.1.call-start
scs
called_computation_lowered:
.L_overlay_start_0:
0x0: {  	s2 =	sld [smem:$0x3FD9]  }
0x1: {  	s3 =	sld [smem:$0x3FFE];
	_ =	sdelay $0x1  }
0x2: {  	s1 =	srdreg.scid  }
0x3: {  	s0 =	sand.u32 $0x1, s1  }
0x4: {  	s18 =	sshll.u32 s0, $0xA;
	s2 =	sadd.s32 s3, s2  }
0x5: {  	s2 =	sadd.s32 s2, s18  }
0x6: {  	[smem:$0x3FC2] =	sst s2  }
0x7: {  	_ = 	snop  }
0x8: {  	s2 =	sld [smem:$0x3FD0];
	(tm) =	ssettm $0x1  }
0x9: {  	s19 =	sld [smem:$0x3FFB];
	_ =	sdelay $0x3  }
0xa: {  	_ =	strace s19  }
0xb: {  	s3 =	sld [smem:$0x3FFC];
	_ =	sdelay $0x3  }
0xc: {  	_ =	strace s3  }
0xd: {  	s3 =	sld [smem:$0x3FFD];
	_ =	sdelay $0x3  }
0xe: {  	_ =	strace s3  }
0xf: {  	_ =	strace $0x8FFFFFFF  }
0x10: {  	s20 =	sld [smem:$0x3FDB];
	_ =	sdelay $0x1  }
0x11: {  	s4 =	simm.s32 $_scs_section_size  }
0x12: {  	s5 =	simm.s32 $_size__tile_overlayer_lowered;
	s6 =	simm.s32 $_tile_overlayer_lowered  }
0x13: {  	s23 =	simm.s32 $0x1BFF;
	s22 =	sshll.u32 s6, $0x1;
	s3 =	sadd.s32 s4, s20  }
0x14: {  	s7 =	simm.s32 $0x0;
	s21 =	sshll.u32 s5, $0x1;
	s5 =	sadd.s32 s22, s3  }
0x15: {  	[timem:s7], [sflag:s23] =	dma.local [hbm:s5], s21  }
0x16: {  	_ =	swait.ge [sflag:s23], s21  }
0x17: {  	s4 =	ssub.s32 $0x0, s21;
	[sflag:s23] =	ssyncset.done $0x0  }
0x18: {  	[sflag:s23] =	ssyncadd.s32 s4;
	_ =	sdelay $0x1  }
0x19: {  	s24 =	simm.s32 $0x1B8B  }
0x1a: {  	_ =	swait.ge [sflag:s24], $0x1  }
0x1b: {  	[sflag:s24] =	ssyncset.done $0x0  }
0x1c: {  	s26 =	simm.s32 $0x1B8E;
	s25 =	sld [smem:$0x3FFE];
	[sflag:s24] =	ssyncadd.s32 $0xFFFFFFFF  }
0x1d: {  	s27 =	simm.s32 $execute0_lowered;
	[smem:$0x3FD2] =	sst s26  }
0x1e: {  	s5 =	sshll.u32 s27, $0x1;
	_ =	strace $0x8000004C;
	[dreg:$0x1] =	wrdreg $0xFFFFFFFF  }
0x1f: {  	s28 =	simm.s32 $_size_execute0_lowered;
	s3 =	sadd.s32 s3, s5;
	[dreg:$0x0] =	wrdreg $0x0  }
0x20: {  	s5 =	sshll.u32 s28, $0x1;
	[dreg:$0x2] =	wrdreg s3  }
0x21: {  	[dreg:$0x3] =	wrdreg s5  }
0x22: {  	[dreg:$0x4] =	wrdreg $0xC0  }
0x23: {  	_ =	task [dreg:s7], $0x5FFFF  }
0x24: {  	[dreg:$0x1] =	wrdreg $0xFFFFFFFF  }
0x25: {  	[dreg:$0x0] =	wrdreg $0x60  }
0x26: {  	[dreg:$0x2] =	wrdreg s25  }
0x27: {  	[dreg:$0x3] =	wrdreg s2  }
0x28: {  	[dreg:$0x4] =	wrdreg $0x9  }
0x29: {  	_ =	task.clear_ibuf [dreg:s7], $0x5FFFF;
	_ =	strace $0x9000004C  }
0x2a: {  	s29 =	simm.s32 $0x9;
	_ =	strace $0x8000004E  }
0x2b: {  	_ =	swait.ge [sflag:s29], $0x1  }
0x2c: {  	[sflag:s29] =	ssyncadd.s32 $0xFFFFFFFF  }
0x2d: {  	_ =	strace $0x9000004E  }
0x2e: {  	_ =	sfence  }
0x2f: {  	s30 =	sld [smem:$0x0];
	_ =	sdelay $0x2  }
0x30: {  	s31 =	sshll.u32 s1, $0xD;
	s1 =	sshrl.u32 s1, $0x2  }
0x31: {  	s3 =	sand.u32 $0x4000, s31;
	s1 =	sadd.s32 s1, s30  }
0x32: {  	s0 =	sor.u32 s3, s0;
	s1 =	sshll.u32 s1, $0x11  }
0x33: {  	s0 =	sor.u32 s1, s0  }
0x34: {  	s0 =	sadd.s32 $0x8F2B, s0  }
0x35: {  	[sflag:s0] =	ssyncadd.remote.s32 $0x1  }
0x36: {  	_ =	sfence.sel $0xFFFF  }
0x37: {  	[dreg:$0x0] =	wrdreg $0xFFFFFFFF;
	(pc) =	sbr.abs _section_cstart, $3  }
0x38: {  	[dreg:$0x1] =	wrdreg $0xFFFFFFFF  }
0x39: {  	_ =	task.clear_ibuf [dreg:s7], $0x2FFFF;
	_ =	strace $0x9FFFFFFF  }
0x3a: {  	(tm) =	ssettm $0x7FFFFFFF  }
0x3b: {  	_ =	shalt  }
tec
execute0_lowered:
.L_overlay_start_1:
0x0: {  	(tag) =	ssettag $0x1  }
0x1: {  	s0 =	stileid.u32  }
0x2: {  	s4 =	rddreg [dreg:$0x0];
	s6 =	srdreg.scid  }
0x3: {  	_ =	strace $0x8000004D;
	s9 =	simm.s32 $0x2;
	s21 =	simm.s32 $0x0  }
0x4: {  	p0 =	por $0x0, $0x0;
	s20 =	simm.s32 $0x0;
	s22 =	simm.s32 $0x0  }
0x5: {  	s23 =	simm.s32 $0x0;
	s24 =	simm.s32 $0x0;
	s10 =	simm.s32 $0x0  }
0x6: {  	s11 =	simm.s32 $0x0;
	s12 =	simm.s32 $0x0;
	s14 =	simm.s32 $0x0  }
0x7: {  	s15 =	simm.s32 $0x0;
	s16 =	simm.s32 $0x0;
	s2 =	sand.u32 $0x1, s0  }
0x8: {  	s19 =	simm.s32 $0x0;
	s6 =	sshll.u32 s6, $0x4;
	s5 =	ssub.s32 $0x2, s2  }
0x9: {  	s4 =	sadd.s32 $0x1000, s4;
	s6 =	sand.u32 $0x10, s6;
	s7 =	sshll.u32 s5, $0x1  }
.Ltmp0:
0xa: {  	s18 =	smov.u32 s2;
	s7 =	sand.u32 $0x2, s7;
	(pc) =	sbr.rel .LBB1_1-.Ltmp0, $4  }
0xb: {  	s8 =	sor.u32 s0, s6;
	s7 =	sadd.s32 s5, s7;
	s5 =	simm.s32 $0x1  }
0xc: {  	s0 =	simm.s32 $0x0;
	s31 =	sshll.u32 s7, $0x5;
	[sflag:s5] =	ssyncpa.u1 $0x0  }
0xd: {  	s7 =	sshrl.u32 s8, $0x1;
	s6 =	sand.u32 $0xC0, s31;
	[sflag:s9] =	ssyncpa.u1 $0x0  }
0xe: {  	s9 =	simm.s32 $0x0;
	s17 =	smov.u32 s7;
	s8 =	sor.u32 $0x1, s6  }
.LBB1_4:
0xf: {  	s29 =	sshra.s32 s29, $0x2;
	s30 =	sshll.u32 s9, $0x7  }
0x10: {  	s31 =	sshra.s32 s0, $0x1F;
	s1 =	sshll.u32 s10, $0x3;
	p1 =	sgt.s32 s0, $0x1  }
0x11: {  	s13 =	smov.u32 s0;
	s28 =	sadd.s32 s29, s28;
	s3 =	sand.u32 $0xFFFFFC00, s30  }
0x12: {  	s31 =	sand.u32 s31, s0;
	s1 =	sand.u32 $0xFFFFFC00, s1;
	s13 =	simm.s32 @!p1 $0x1  }
0x13: {  	s30 =	sand.u32 $0x380, s30;
	s29 =	smov.u32 s12;
	s31 =	sxor.u32 $0xFFFFFFFF, s31  }
0x14: {  	s1 =	sadd.s32 s1, s3;
	s3 =	sshra.s32 s12, $0x1F;
	s13 =	sadd.s32 s31, s13  }
0x15: {  	s1 =	sor.u32 s30, s1;
	p1 =	sgt.s32 s13, $0x0;
	s13 =	ssub.s32 $0x1, s13  }
0x16: {  	s30 =	sand.u32 s3, s12;
	s13 =	simm.s32 @p1 $0x0;
	p1 =	sgt.s32 s12, $0x1F  }
0x17: {  	s31 =	sshra.s32 s11, $0x1F;
	s1 =	sshrl.u32 s1, $0x7;
	s29 =	simm.s32 @!p1 $0x1F  }
0x18: {  	p1 =	sgt.s32 s11, $0xF;
	s29 =	ssub.s32 s29, s30;
	s30 =	smov.u32 s11  }
0x19: {  	s31 =	sand.u32 s31, s11;
	s3 =	sadd.s32 $0xFFFFFFE1, s29;
	s30 =	simm.s32 @!p1 $0xF  }
0x1a: {  	[tilespmem:s27+$0x2040 ss:$0x81] =	vst.msk $0xffff, v4;
	p1 =	sgt.s32 s3, $0x0;
	s3 =	ssub.s32 $0x20, s29;
	s29 =	ssub.s32 s30, s31  }
0x1b: {  	[tilespmem:s27+$0x2850 ss:$0x81] =	vst.msk $0xffff, v3;
	s30 =	smulhi.u32 $0x199999A, s1;
	s3 =	simm.s32 @p1 $0x0;
	s31 =	sadd.s32 $0xFFFFFFF1, s29  }
0x1c: {  	[tilespmem:s27+$0x3060 ss:$0x81] =	vst.msk $0xffff, v2;
	s3 =	smul.u32 s13, s3;
	p1 =	sgt.s32 s31, $0x0;
	s13 =	ssub.s32 $0x10, s29  }
0x1d: {  	v5 =	vld [tilespmem:s26+$0xFFFFFFD0];
	[tilespmem:s27+$0x0 ss:$0x81] =	vst.msk $0xffff, v1;
	s29 =	smov.u32 s9;
	s27 =	smul.u32 $0xA0, s30;
	s13 =	simm.s32 @p1 $0x0  }
0x1e: {  	v58 =	vld [tilespmem:s26+$0xFFFFFFE0];
	s31 =	ssub.s32 $0x0, s10;
	p1 =	sgt.s32 s9, $0x20;
	s3 =	smul.u32 s13, s3  }
0x1f: {  	v59 =	vld [tilespmem:s26+$0xFFFFFFF0];
	s29 =	simm.s32 @!p1 $0x20;
	s13 =	smin.u32 s10, s31;
	s31 =	sshra.s32 s9, $0x1F  }
0x20: {  	v60 =	vld [tilespmem:s26+$0x0];
	p1 =	sgt.s32 s13, $0x7F;
	s13 =	ssub.s32 $0x80, s13;
	s31 =	sand.u32 s31, s9  }
0x21: {  	v61 =	vld [tilespmem:s26+$0x10];
	[tilespmem:s28+$0x3870 ss:$0x81] =	vst.msk $0xffff, v0;
	s30 =	smul.u32 $0x140000, s0;
	s13 =	simm.s32 @p1 $0x0;
	s29 =	ssub.s32 s29, s31  }
0x22: {  	v62 =	vld [tilespmem:s26+$0x20];
	[tilespmem:s28+$0x810 ss:$0x81] =	vst.msk $0xffff, v5;
	s1 =	ssub.s32 s1, s27;
	s3 =	smul.u32 s13, s3;
	s31 =	sadd.s32 $0xFFFFFFE0, s29  }
0x23: {  	v63 =	vld [tilespmem:s26+$0xFFFFFFC0];
	[tilespmem:s28+$0x1020 ss:$0x81] =	vst.msk $0xffff, v58;
	s13 =	smul.u32 $0xA000, s12;
	p1 =	sgt.s32 s31, $0x7F;
	s31 =	rddreg [dreg:$0x1]  }
0x24: {  	[tilespmem:s28+$0x1830 ss:$0x81] =	vst.msk $0xffff, v59;
	s27 =	smul.u32 $0xA00, s11;
	s26 =	ssub.s32 $0xA0, s29;
	s29 =	sadd.s32 s31, s30  }
0x25: {  	[tilespmem:s28+$0x2040 ss:$0x81] =	vst.msk $0xffff, v60;
	s26 =	simm.s32 @p1 $0x0;
	s31 =	sshrl.u32 s10, $0x3;
	s13 =	sadd.s32 s13, s29  }
0x26: {  	[tilespmem:s28+$0x2850 ss:$0x81] =	vst.msk $0xffff, v61;
	s3 =	smul.u32 s26, s3;
	s30 =	sand.u32 $0xF, s31;
	s13 =	sadd.s32 s27, s13  }
0x27: {  	[tilespmem:s28+$0x3060 ss:$0x81] =	vst.msk $0xffff, v62;
	s1 =	sshll.u32 s1, $0x4;
	s13 =	sadd.s32 s30, s13  }
0x28: {  	[tilespmem:s28+$0x0 ss:$0x81] =	vst.msk $0xffff, v63;
	s31 =	sand.u32 $0x7, s10;
	s3 =	sand.u32 $0x3FFFFFFF, s3;
	s1 =	sadd.s32 s1, s13  }
0x29: {  	[hbm4b:s1+s31] =	stream.linear.scatter [tilespmem:s25], [sflag:$0x2], s3, $0x20;
	[tilespmem:$0x10100] =	vst v63  }
.LBB1_5:
0x2a: {  	p1 =	slt.u32 s19, $0x2;
	s1 =	smov.u32 s24  }
0x2b: {  	s13 =	smov.u32 s23;
	s25 =	sadd.s32 $0x80, s14;
	s26 =	smov.u32 s15  }
0x2c: {  	s27 =	smov.u32 s17;
	s28 =	smov.u32 s18;
	p0 =	por !p0, !p0  }
0x2d: {  	p2 =	sgt.s32 @!p1 s24, $0x1;
	s3 =	sshra.s32 @!p1 s24, $0x1F;
	p3 =	sgt.s32 @!p1 s22, $0xF  }
0x2e: {  	p2 =	por !p2, p1;
	s3 =	sand.u32 @!p1 s3, s24;
	s24 =	sshra.s32 @!p1 s23, $0x1F  }
0x2f: {  	s1 =	simm.s32 @p2 $0x1;
	p2 =	sgt.s32 @!p1 s23, $0x1F;
	s3 =	sxor.u32 @!p1 $0xFFFFFFFF, s3  }
0x30: {  	p3 =	por !p3, p1;
	p2 =	por !p2, p1;
	s1 =	sadd.s32 @!p1 s3, s1  }
0x31: {  	s3 =	sand.u32 @!p1 s24, s23;
	s23 =	sshra.s32 @!p1 s22, $0x1F;
	s13 =	simm.s32 @p2 $0x1F  }
0x32: {  	s24 =	smov.u32 s0;
	s0 =	smov.u32 s18;
	s3 =	ssub.s32 @!p1 s13, s3  }
0x33: {  	p2 =	sgt.s32 @!p1 s1, $0x0;
	s1 =	ssub.s32 @!p1 $0x1, s1;
	s13 =	sadd.s32 @!p1 $0xFFFFFFE1, s3  }
0x34: {  	p2 =	por !p2, p1;
	p4 =	sgt.s32 @!p1 s13, $0x0;
	s13 =	smov.u32 s22  }
0x35: {  	s3 =	ssub.s32 @!p1 $0x20, s3;
	s22 =	sand.u32 @!p1 s23, s22;
	s13 =	simm.s32 @p3 $0xF  }
0x36: {  	s1 =	simm.s32 @!p2 $0x0;
	p3 =	por !p4, p1;
	s13 =	ssub.s32 @!p1 s13, s22  }
0x37: {  	s3 =	simm.s32 @!p3 $0x0;
	p3 =	sgt.s32 @!p1 s21, $0x20;
	s22 =	sadd.s32 @!p1 $0xFFFFFFF1, s13  }
0x38: {  	s1 =	smul.u32 @!p1 s1, s3;
	s3 =	ssub.s32 @!p1 $0x10, s13;
	p3 =	por !p3, p1  }
0x39: {  	s13 =	smov.u32 s21;
	p2 =	sgt.s32 @!p1 s22, $0x0;
	s22 =	sshra.s32 @!p1 s21, $0x1F  }
0x3a: {  	s13 =	simm.s32 @p3 $0x20;
	p2 =	por !p2, p1;
	s21 =	sand.u32 @!p1 s22, s21  }
0x3b: {  	s23 =	smov.u32 s12;
	s3 =	simm.s32 @!p2 $0x0;
	s13 =	ssub.s32 @!p1 s13, s21  }
0x3c: {  	s21 =	ssub.s32 @!p1 $0x0, s20;
	s1 =	smul.u32 @!p1 s3, s1;
	s3 =	sadd.s32 @!p1 $0xFFFFFFE0, s13  }
0x3d: {  	s12 =	smov.u32 s17;
	p3 =	sgt.s32 @!p1 s3, $0x7F;
	s3 =	smin.u32 @!p1 s20, s21  }
0x3e: {  	p2 =	sgt.s32 s25, $0x9F;
	s20 =	sadd.s32 $0x80, s15;
	p4 =	sgt.s32 @!p1 s3, $0x7F  }
0x3f: {  	s3 =	ssub.s32 @!p1 $0x80, s3;
	s26 =	smov.u32 @p2 s20;
	p4 =	por !p4, p1  }
0x40: {  	s20 =	simm.s32 $0x1;
	s3 =	simm.s32 @!p4 $0x0;
	p4 =	sgt.s32 s26, $0x7F  }
0x41: {  	s22 =	smov.u32 s11;
	s13 =	ssub.s32 @!p1 $0xA0, s13;
	s20 =	simm.s32 @!p4 $0x0  }
0x42: {  	s25 =	simm.s32 @p2 $0x0;
	s1 =	smul.u32 @!p1 s3, s1;
	s3 =	sadd.s32 s20, s16  }
0x43: {  	p3 =	por !p3, p1;
	s20 =	sadd.s32 $0x10, s17;
	p2 =	sgt.s32 s3, $0xF  }
0x44: {  	s11 =	smov.u32 s16;
	s13 =	simm.s32 @!p3 $0x0;
	s27 =	smov.u32 @p2 s20  }
0x45: {  	s1 =	smul.u32 @!p1 s13, s1;
	s13 =	sadd.s32 $0x2, s18;
	p3 =	sgt.s32 s27, $0x1F  }
0x46: {  	s21 =	smov.u32 s9;
	s9 =	smov.u32 s14;
	s28 =	smov.u32 @p3 s13  }
0x47: {  	s14 =	smov.u32 s25;
	s3 =	simm.s32 @p2 $0x0;
	p2 =	sgt.s32 s28, $0x1  }
0x48: {  	s26 =	simm.s32 @p4 $0x0;
	s28 =	smov.u32 @p2 s2;
	p2 =	sne.s32 s19, s8  }
.Ltmp1:
0x49: {  	s20 =	smov.u32 s10;
	s10 =	smov.u32 s15;
	(pc) =	sbr.rel @!p2 .LBB1_6-.Ltmp1, $4  }
0x4a: {  	s15 =	smov.u32 s26;
	s1 =	sand.u32 @!p1 $0x3FFFFFFF, s1;
	s13 =	simm.s32 @!p1 $0x2  }
0x4b: {  	s16 =	smov.u32 s3;
	s27 =	smov.u32 @p3 s7;
	_ =	swait.ge @!p1 [sflag:s13], s1  }
0x4c: {  	s1 =	ssub.s32 @!p1 $0x0, s1;
	s17 =	smov.u32 s27;
	[sflag:s13] =	ssyncset.done @!p1 $0x0  }
0x4d: {  	s19 =	sadd.s32 $0x1, s19;
	[sflag:s13] =	ssyncadd.s32 @!p1 s1;
	s18 =	smov.u32 s28  }
.LBB1_1:
0x4e: {  	p1 =	sge.u32 s19, s6  }
0x4f: {  	s31 =	sadd.s32 $0xFFFFFFFF, s19;
	s25 =	sxor.u32 @!p1 $0xFFFFFFFF, s19;
	s26 =	sshll.u32 @!p1 s15, $0x8  }
0x50: {  	s27 =	sshll.u32 @!p1 s14, $0x3;
	s28 =	sshll.u32 @!p1 s15, $0x7;
	s29 =	sand.u32 @!p1 $0x78, s14  }
0x51: {  	s30 =	sshll.u32 @!p1 s16, $0xC;
	s26 =	sand.u32 @!p1 $0x7800, s26;
	s27 =	sand.u32 @!p1 $0x7C00, s27  }
0x52: {  	s25 =	sshll.u32 @!p1 s25, $0xE;
	s26 =	sadd.s32 @!p1 s26, s27;
	s27 =	sand.u32 @!p1 $0x300, s28  }
0x53: {  	s26 =	sor.u32 @!p1 s27, s26;
	s27 =	sand.u32 @!p1 $0x80, s28;
	s28 =	sshll.u32 @!p1 s18, $0x15  }
0x54: {  	s27 =	sor.u32 @!p1 s29, s27;
	s29 =	sshll.u32 @!p1 s17, $0x10;
	s28 =	sadd.s32 @!p1 s4, s28  }
0x55: {  	s25 =	sand.u32 @!p1 $0x4000, s25;
	s26 =	sshrl.u32 @!p1 s26, $0x3;
	s28 =	sadd.s32 @!p1 s29, s28  }
0x56: {  	s27 =	sshrl.u32 @!p1 s27, $0x3;
	s29 =	sand.u32 @!p1 $0x7, s14;
	s28 =	sadd.s32 @!p1 s30, s28  }
0x57: {  	s26 =	sand.u32 @!p1 $0xFE0, s26;
	s27 =	sadd.s32 @!p1 s27, s28;
	s28 =	sshll.u32 @!p1 s29, $0x12  }
0x58: {  	s26 =	sadd.s32 @!p1 s26, s27;
	s27 =	sor.u32 @!p1 $0x400, s28;
	s28 =	simm.s32 @!p1 $0x800  }
0x59: {  	[tilespmem:s25], [sflag:$0x1] =	stream.strided.gather @!p1 [hbm4b:s26+s27], $0x4000, s28, s27, $0x38;
	[tilespmem:$0x10100] =	vst v63  }
0x5a: {  	p1 =	sge.u32 s31, s6  }
.Ltmp2:
0x5b: {  	_ = 	snop;
	(pc) =	sbr.rel @p1 .LBB1_5-.Ltmp2, $1  }
0x5c: {  	_ =	sdelay $0x3  }
0x5d: {  	s25 =	simm.s32 $0x1  }
0x5e: {  	_ =	swait.ge [sflag:s5], $0x4000;
	s25 =	simm.s32 @!p0 $0x0  }
0x5f: {  	[sflag:s5] =	ssyncset.done $0x0;
	s26 =	sshll.u32 s25, $0xE  }
0x60: {  	[sflag:s5] =	ssyncadd.s32 $0xFFFFC000;
	s26 =	sor.u32 $0x40, s26  }
0x61: {  	s25 =	smul.u32 $0x10200, s25;
	v0 =	vld [tilespmem:s26+$0x30]  }
0x62: {  	v1 =	vld [tilespmem:s26+$0xFFFFFFD0]  }
0x63: {  	s25 =	sshrl.u32 s25, $0x2;
	v5 =	vld [tilespmem:s26+$0xFFFFFFE0]  }
0x64: {  	v6 =	vld [tilespmem:s26+$0xFFFFFFF0];
	s28 =	sor.u32 $0x8000, s25  }
0x65: {  	s31 =	sand.u32 $0x1, s19;
	v4 =	vld [tilespmem:s26+$0x0];
	s27 =	sadd.s32 $0x0, s28  }
0x66: {  	v3 =	vld [tilespmem:s26+$0x10];
	s25 =	smul.u32 $0x10200, s31;
	[tilespmem:s27+$0x3870 ss:$0x81] =	vst.msk $0xffff, v0  }
0x67: {  	v2 =	vld [tilespmem:s26+$0x20];
	[tilespmem:s27+$0x810 ss:$0x81] =	vst.msk $0xffff, v1  }
0x68: {  	s25 =	sshrl.u32 s25, $0x2;
	v1 =	vld [tilespmem:s26+$0xFFFFFFC0];
	[tilespmem:s27+$0x1020 ss:$0x81] =	vst.msk $0xffff, v5;
	s26 =	sadd.s32 $0x80, s26  }
0x69: {  	s29 =	simm.s32 $0x4;
	s30 =	simm.s32 $0x8;
	s25 =	sor.u32 $0x8000, s25;
	[tilespmem:s27+$0x1830 ss:$0x81] =	vst.msk $0xffff, v6;
	v0 =	vld [tilespmem:s26+$0x30]  }
.LBB1_3:
0x6a: {  	p1 =	sne.s32 s30, $0x1FC;
	v5 =	vld [tilespmem:s26+$0xFFFFFFD0];
	[tilespmem:s27+$0x2040 ss:$0x81] =	vst.msk $0xffff, v4  }
0x6b: {  	v6 =	vld [tilespmem:s26+$0xFFFFFFE0];
	[tilespmem:s27+$0x2850 ss:$0x81] =	vst.msk $0xffff, v3  }
0x6c: {  	s31 =	sshra.s32 s29, $0x2;
	s29 =	smov.u32 s30;
	v7 =	vld [tilespmem:s26+$0xFFFFFFF0];
	[tilespmem:s27+$0x3060 ss:$0x81] =	vst.msk $0xffff, v2  }
.Ltmp3:
0x6d: {  	v4 =	vld [tilespmem:s26+$0x0];
	[tilespmem:s27+$0x0 ss:$0x81] =	vst.msk $0xffff, v1;
	s27 =	sadd.s32 s31, s28;
	(pc) =	sbr.rel @p1 .LBB1_3-.Ltmp3, $4  }
0x6e: {  	v3 =	vld [tilespmem:s26+$0x10];
	[tilespmem:s27+$0x3870 ss:$0x81] =	vst.msk $0xffff, v0  }
0x6f: {  	[tilespmem:s27+$0x810 ss:$0x81] =	vst.msk $0xffff, v5;
	v2 =	vld [tilespmem:s26+$0x20]  }
0x70: {  	v1 =	vld [tilespmem:s26+$0xFFFFFFC0];
	[tilespmem:s27+$0x1020 ss:$0x81] =	vst.msk $0xffff, v6;
	s26 =	sadd.s32 $0x80, s26  }
0x71: {  	s30 =	sadd.s32 $0x4, s30;
	v0 =	vld [tilespmem:s26+$0x30];
	[tilespmem:s27+$0x1830 ss:$0x81] =	vst.msk $0xffff, v7  }
.Ltmp4:
0x72: {  	_ = 	snop;
	(pc) =	sbr.rel .LBB1_4-.Ltmp4, $1  }
0x73: {  	_ =	sdelay $0x3  }
.LBB1_6:
0x74: {  	_ =	sfence.sel $0x180000  }
0x75: {  	s0 =	simm.s32 $0x1;
	[bflag:$0x0] =	sbarrier.arrive $0xFFFF  }
0x76: {  	s30 =	simm.s32 $0x2;
	[sflag:s0] =	ssyncpa.u1 $0x1  }
0x77: {  	[sflag:s30] =	ssyncpa.u1 $0x1  }
0x78: {  	_ =	strace $0x9000004D  }
0x79: {  	s31 =	stileid.u32;
	[bflag:$0x2] =	sbarrier.arrive $0xFFFF  }
0x7a: {  	p0 =	sne.s32 s31, $0x0;
	s0 =	rddreg [dreg:$0x2]  }
0x7b: {  	s0 =	sadd.s32 @!p0 $0x100000, s0  }
0x7c: {  	[sflag:s0] =	ssyncadd.tile.s32 @!p0 $0x1;
	_ =	shalt  }
.Lfunc_end1:
_tile_overlayer_lowered:
.L_overlay_start_2:
0x7d: {  	(tag) =	ssettag $0x2  }
0x7e: {  	s0 =	rddreg [dreg:$0x0];
	s2 =	stileid.u32  }
0x7f: {  	s1 =	rddreg [dreg:$0x1];
	p0 =	sne.s32 s2, $0x0  }
0x80: {  	s3 =	rddreg [dreg:$0x2];
	[bflag:$0x3] =	sbarrier.arrive $0xFFFF;
	s2 =	simm.s32 @!p0 $0x1C01  }
0x81: {  	[timem:s3], [sflag:s2] =	dma.local @!p0 [hbm:s0], s1  }
0x82: {  	s0 =	simm.s32 @!p0 $0x1  }
0x83: {  	_ =	swait.ge @!p0 [sflag:s0], s1  }
0x84: {  	s1 =	ssub.s32 @!p0 $0x0, s1;
	[sflag:s0] =	ssyncset.done @!p0 $0x0  }
0x85: {  	[sflag:s0] =	ssyncadd.s32 @!p0 s1  }
0x86: {  	[bflag:$0x3] =	sbarrier.arrive $0xFFFF  }
0x87: {  	_ =	shalt  }

</sc_bundles>
